<compile_context>
chip_gen: v7x
topology: tpu7x:2x2x1
jax: 0.10.2.dev20260603
libtpu: 0.0.44.dev20260713+nightly
codegen_flags: <defaults>
</compile_context>

<pallas_src>
import functools

import jax
import jax.numpy as jnp
from jax import lax
from jax.experimental import pallas as pl
from jax.experimental.pallas import tpu as pltpu
from jax.experimental.pallas import tpu_sc as plsc

N = 10000
E = 320000
IN_CH = 128
HID = 64
OUT_CH = 10
HEADS = 4
G = 64

ROWW = 128
NPAD = 10112
ROWS_PER_TEC = NPAD // 16
CHUNK = 128
NW = 32
EPAD = 331776
CHUNKS_PER_W = EPAD // (NW * CHUNK)

_mesh = plsc.VectorSubcoreMesh(core_axis_name="c", subcore_axis_name="s")


def _wid(cid, sid):
  return sid * 2 + cid


@functools.partial(
    pl.kernel,
    mesh=_mesh,
    out_type=[
        jax.ShapeDtypeStruct((EPAD, ROWW), jnp.float32),
        jax.ShapeDtypeStruct((2, NPAD, ROWW), jnp.float32),
    ],
    scratch_types=[
        pltpu.VMEM((CHUNK,), jnp.int32),
        pltpu.VMEM((CHUNK,), jnp.int32),
        pltpu.VMEM((CHUNK, ROWW), jnp.float32),
        pltpu.VMEM((CHUNK, ROWW), jnp.float32),
        pltpu.VMEM((CHUNK, ROWW), jnp.float32),
        pltpu.VMEM_SHARED((NPAD, ROWW), jnp.float32),
        pltpu.SemaphoreType.DMA,
        pltpu.SemaphoreType.DMA,
    ],
)
def _sc_edge_logits(src_hbm, dst_hbm, sa_hbm, ad_hbm, zeros_hbm,
                    eexp_hbm, denom_hbm,
                    sbuf, dbuf, srows, drows, ebuf, denom_sp, sem1, sem2):
  cid = lax.axis_index("c")
  sid = lax.axis_index("s")
  w = _wid(cid, sid)
  my_rows = sid * ROWS_PER_TEC

  pltpu.sync_copy(zeros_hbm.at[pl.ds(my_rows, ROWS_PER_TEC), :],
                  denom_sp.at[pl.ds(my_rows, ROWS_PER_TEC), :])
  pltpu.sync_copy(zeros_hbm.at[pl.ds(0, CHUNK), :], ebuf)
  plsc.subcore_barrier()

  def chunk_body(j, carry):
    base = (w * CHUNKS_PER_W + j) * CHUNK
    pltpu.sync_copy(src_hbm.at[pl.ds(base, CHUNK)], sbuf)
    pltpu.sync_copy(dst_hbm.at[pl.ds(base, CHUNK)], dbuf)
    pltpu.async_copy(sa_hbm.at[sbuf], srows, sem1).wait()
    pltpu.async_copy(ad_hbm.at[dbuf], drows, sem2).wait()

    def edge_body(e, c2):
      ev = srows[e, pl.ds(0, 16)] + drows[e, pl.ds(0, 16)]
      ev = jnp.maximum(ev, ev * jnp.float32(0.2))
      ebuf[e, pl.ds(0, 16)] = jnp.exp(ev)
      return c2

    lax.fori_loop(0, CHUNK, edge_body, 0)
    pltpu.sync_copy(ebuf, eexp_hbm.at[pl.ds(base, CHUNK), :])
    pltpu.sync_copy(ebuf, denom_sp.at[dbuf], add=True)
    return carry

  lax.fori_loop(0, CHUNKS_PER_W, chunk_body, 0)
  plsc.subcore_barrier()
  pltpu.sync_copy(denom_sp.at[pl.ds(my_rows, ROWS_PER_TEC), :],
                  denom_hbm.at[cid, pl.ds(my_rows, ROWS_PER_TEC), :])


def _make_sc_aggregate(heads):
  @functools.partial(
      pl.kernel,
      mesh=_mesh,
      out_type=jax.ShapeDtypeStruct((heads, 2, NPAD, ROWW), jnp.float32),
      scratch_types=[
          pltpu.VMEM((CHUNK,), jnp.int32),
          pltpu.VMEM((CHUNK,), jnp.int32),
          pltpu.VMEM((CHUNK,), jnp.int32),
          pltpu.VMEM((CHUNK, ROWW), jnp.float32),
          pltpu.VMEM((CHUNK, ROWW), jnp.float32),
          pltpu.VMEM((CHUNK, ROWW), jnp.float32),
          pltpu.VMEM_SHARED((NPAD, ROWW), jnp.float32),
          pltpu.SemaphoreType.DMA,
      ],
  )
  def _sc_aggregate(src_hbm, dst_hbm, eexp_hbm, feat_hbm, zeros_hbm,
                    out_hbm,
                    sbuf, sbuf2, dbuf, ebuf, frows, scaled, out_sp, sem1):
    cid = lax.axis_index("c")
    sid = lax.axis_index("s")
    w = _wid(cid, sid)
    my_rows = sid * ROWS_PER_TEC

    pltpu.sync_copy(zeros_hbm.at[pl.ds(0, CHUNK), :], scaled)

    for k in range(heads):
      pltpu.sync_copy(zeros_hbm.at[pl.ds(my_rows, ROWS_PER_TEC), :],
                      out_sp.at[pl.ds(my_rows, ROWS_PER_TEC), :])
      plsc.subcore_barrier()

      def chunk_body(j, carry):
        base = (w * CHUNKS_PER_W + j) * CHUNK
        pltpu.sync_copy(src_hbm.at[pl.ds(base, CHUNK)], sbuf)
        pltpu.sync_copy(dst_hbm.at[pl.ds(base, CHUNK)], dbuf)
        pltpu.sync_copy(eexp_hbm.at[pl.ds(base, CHUNK), :], ebuf)

        def shift_body(i, c2):
          sbuf2[pl.ds(i * 16, 16)] = (
              sbuf[pl.ds(i * 16, 16)] + jnp.int32(k * NPAD))
          return c2

        lax.fori_loop(0, CHUNK // 16, shift_body, 0)
        pltpu.async_copy(feat_hbm.at[sbuf2], frows, sem1).wait()

        def edge_body(e, c2):
          s = ebuf[e, pl.ds(0, 16)][k]
          for q in range(HID // 16):
            scaled[e, pl.ds(q * 16, 16)] = frows[e, pl.ds(q * 16, 16)] * s
          return c2

        lax.fori_loop(0, CHUNK, edge_body, 0)
        pltpu.sync_copy(scaled, out_sp.at[dbuf], add=True)
        return carry

      lax.fori_loop(0, CHUNKS_PER_W, chunk_body, 0)
      plsc.subcore_barrier()
      pltpu.sync_copy(out_sp.at[pl.ds(my_rows, ROWS_PER_TEC), :],
                      out_hbm.at[k, cid, pl.ds(my_rows, ROWS_PER_TEC), :])
      plsc.subcore_barrier()

  return _sc_aggregate


_sc_aggregate4 = _make_sc_aggregate(HEADS)
_sc_aggregate1 = _make_sc_aggregate(1)


_BLK = 1000


def _tc_proj1_kernel(x_ref, w_ref, as_ref, ad_ref, h_ref, sa_ref, da_ref):
  h = jnp.dot(x_ref[...], w_ref[...], preferred_element_type=jnp.float32)
  h_ref[...] = h
  sa_ref[...] = jnp.dot(h, as_ref[...], preferred_element_type=jnp.float32)
  da_ref[...] = jnp.dot(h, ad_ref[...], preferred_element_type=jnp.float32)


def _tc_layer2_kernel(out1_ref, den1_ref, b1_ref, w2_ref, as2_ref, ad2_ref,
                      h2_ref, sa2_ref, da2_ref):
  acc = jnp.zeros((_BLK, HID), dtype=jnp.float32)
  for k in range(HEADS):
    o = out1_ref[k, 0, :, :HID] + out1_ref[k, 1, :, :HID]
    d = den1_ref[0, :, k] + den1_ref[1, :, k]
    hk = jnp.maximum(o / (d[:, None] + 1e-16) + b1_ref[0, k][None, :], 0.0)
    acc = acc + jnp.dot(hk, w2_ref[k], preferred_element_type=jnp.float32)
  h2_ref[...] = acc
  sa2_ref[...] = jnp.dot(acc, as2_ref[...], preferred_element_type=jnp.float32)
  da2_ref[...] = jnp.dot(acc, ad2_ref[...], preferred_element_type=jnp.float32)


def _tc_classify_kernel(out2_ref, den2_ref, b2_ref, oneh_ref, wc_ref, bc_ref,
                        out_ref):
  o = out2_ref[0, 0, :, :HID] + out2_ref[0, 1, :, :HID]
  d = den2_ref[0, :, 0] + den2_ref[1, :, 0]
  h2r = jnp.maximum(o / (d[:, None] + 1e-16) + b2_ref[0][None, :], 0.0)
  sums = lax.dot_general(oneh_ref[...], h2r, (((0,), (0,)), ((), ())),
                         preferred_element_type=jnp.float32)
  cnt = jnp.sum(oneh_ref[...], axis=0)
  pooled = sums / jnp.maximum(cnt, 1.0)[:, None]
  out_ref[...] = (
      jnp.dot(pooled, wc_ref[...], preferred_element_type=jnp.float32)
      + bc_ref[0][None, :])


def _att_mat(att, heads):
  a = att.reshape(heads * HID)
  m = jnp.zeros((heads * HID, 16), dtype=jnp.float32)
  rows = jnp.arange(heads * HID)
  cols = jnp.repeat(jnp.arange(heads), HID)
  return m.at[rows, cols].set(a)


def _pad_rows_cols(a, nrows, ncols):
  return jnp.pad(a, ((0, nrows - a.shape[0]), (0, ncols - a.shape[1])))


def kernel(x, edge_index, batch, W1, att_src1, att_dst1, b1,
           W2, att_src2, att_dst2, b2, Wc, bc):
  src = edge_index[0].astype(jnp.int32)
  dst = edge_index[1].astype(jnp.int32)
  loop = jnp.arange(N, dtype=jnp.int32)
  pad_e = EPAD - (E + N)
  src = jnp.concatenate([src, loop, jnp.full((pad_e,), N, jnp.int32)])
  dst = jnp.concatenate([dst, loop, jnp.full((pad_e,), N, jnp.int32)])

  zeros_rows = jnp.zeros((NPAD, ROWW), jnp.float32)

  As1 = _att_mat(att_src1, HEADS)
  Ad1 = _att_mat(att_dst1, HEADS)
  As2 = _att_mat(att_src2, 1)
  Ad2 = _att_mat(att_dst2, 1)

  n_blk = N // _BLK
  h1, sa1, da1 = pl.pallas_call(
      _tc_proj1_kernel,
      grid=(n_blk,),
      in_specs=[
          pl.BlockSpec((_BLK, IN_CH), lambda i: (i, 0)),
          pl.BlockSpec((IN_CH, HEADS * HID), lambda i: (0, 0)),
          pl.BlockSpec((HEADS * HID, 16), lambda i: (0, 0)),
          pl.BlockSpec((HEADS * HID, 16), lambda i: (0, 0)),
      ],
      out_specs=[
          pl.BlockSpec((_BLK, HEADS * HID), lambda i: (i, 0)),
          pl.BlockSpec((_BLK, 16), lambda i: (i, 0)),
          pl.BlockSpec((_BLK, 16), lambda i: (i, 0)),
      ],
      out_shape=[
          jax.ShapeDtypeStruct((N, HEADS * HID), jnp.float32),
          jax.ShapeDtypeStruct((N, 16), jnp.float32),
          jax.ShapeDtypeStruct((N, 16), jnp.float32),
      ],
  )(x, W1, As1, Ad1)

  sa1p = _pad_rows_cols(sa1, NPAD, ROWW)
  da1p = _pad_rows_cols(da1, NPAD, ROWW)

  eexp1, den1 = _sc_edge_logits(src, dst, sa1p, da1p, zeros_rows)

  feat1 = jnp.pad(
      h1.reshape(N, HEADS, HID).transpose(1, 0, 2),
      ((0, 0), (0, NPAD - N), (0, ROWW - HID))).reshape(HEADS * NPAD, ROWW)
  out1 = _sc_aggregate4(src, dst, eexp1, feat1, zeros_rows)

  h2, sa2, da2 = pl.pallas_call(
      _tc_layer2_kernel,
      grid=(n_blk,),
      in_specs=[
          pl.BlockSpec((HEADS, 2, _BLK, ROWW), lambda i: (0, 0, i, 0)),
          pl.BlockSpec((2, _BLK, ROWW), lambda i: (0, i, 0)),
          pl.BlockSpec((1, HEADS, HID), lambda i: (0, 0, 0)),
          pl.BlockSpec((HEADS, HID, HID), lambda i: (0, 0, 0)),
          pl.BlockSpec((HID, 16), lambda i: (0, 0)),
          pl.BlockSpec((HID, 16), lambda i: (0, 0)),
      ],
      out_specs=[
          pl.BlockSpec((_BLK, HID), lambda i: (i, 0)),
          pl.BlockSpec((_BLK, 16), lambda i: (i, 0)),
          pl.BlockSpec((_BLK, 16), lambda i: (i, 0)),
      ],
      out_shape=[
          jax.ShapeDtypeStruct((N, HID), jnp.float32),
          jax.ShapeDtypeStruct((N, 16), jnp.float32),
          jax.ShapeDtypeStruct((N, 16), jnp.float32),
      ],
  )(out1, den1, b1.reshape(1, HEADS, HID), W2.reshape(HEADS, HID, HID),
    As2, Ad2)

  sa2p = _pad_rows_cols(sa2, NPAD, ROWW)
  da2p = _pad_rows_cols(da2, NPAD, ROWW)

  eexp2, den2 = _sc_edge_logits(src, dst, sa2p, da2p, zeros_rows)
  feat2 = _pad_rows_cols(h2, NPAD, ROWW)
  out2 = _sc_aggregate1(src, dst, eexp2, feat2, zeros_rows)

  onehot = (batch.astype(jnp.int32)[:, None]
            == jnp.arange(G, dtype=jnp.int32)[None, :]).astype(jnp.float32)
  out = pl.pallas_call(
      _tc_classify_kernel,
      grid=(1,),
      in_specs=[
          pl.BlockSpec((1, 2, N, ROWW), lambda i: (0, 0, 0, 0)),
          pl.BlockSpec((2, N, ROWW), lambda i: (0, 0, 0)),
          pl.BlockSpec((1, HID), lambda i: (0, 0)),
          pl.BlockSpec((N, G), lambda i: (0, 0)),
          pl.BlockSpec((HID, OUT_CH), lambda i: (0, 0)),
          pl.BlockSpec((1, OUT_CH), lambda i: (0, 0)),
      ],
      out_specs=pl.BlockSpec((G, OUT_CH), lambda i: (0, 0)),
      out_shape=jax.ShapeDtypeStruct((G, OUT_CH), jnp.float32),
  )(out2, den2, b2.reshape(1, HID), onehot, Wc, bc.reshape(1, OUT_CH))
  return out

# --- scband reference (transcript-rebuilt; emitter-appended) ---
"""Pipeline reference for scband-gatclassifier-18708877542132 (READ-ONLY COPY).

The authoritative reference and input builder live on the scoring server;
editing this copy changes nothing except your own understanding.
"""

import jax, jax.numpy as jnp
import numpy as np

N_NODES = 10000
N_EDGES = 320000
IN_CH = 128
HID = 64
OUT_CH = 10
HEADS = 4
NUM_GRAPHS = 64


def gat_conv(x, edge_index, W, att_src, att_dst, bias, heads, out_ch, num_nodes):
    # PyG-style GATConv (eval mode: dropout disabled), add_self_loops=True, concat=True
    src = edge_index[0]
    dst = edge_index[1]
    loop = jnp.arange(num_nodes, dtype=edge_index.dtype)
    src = jnp.concatenate([src, loop])
    dst = jnp.concatenate([dst, loop])

    h = (x @ W).reshape(num_nodes, heads, out_ch)  # [N, H, C]
    a_src = jnp.sum(h * att_src, axis=-1)  # [N, H]
    a_dst = jnp.sum(h * att_dst, axis=-1)  # [N, H]

    e = a_src[src] + a_dst[dst]             # gather: [E+N, H]
    e = jax.nn.leaky_relu(e, negative_slope=0.2)

    # segment softmax over incoming edges of each dst node
    e_max = jax.ops.segment_max(e, dst, num_segments=num_nodes)
    e_max = jnp.where(jnp.isfinite(e_max), e_max, 0.0)
    e_max = jax.lax.stop_gradient(e_max)
    e_exp = jnp.exp(e - e_max[dst])
    denom = jax.ops.segment_sum(e_exp, dst, num_segments=num_nodes)
    alpha = e_exp / (denom[dst] + 1e-16)    # [E+N, H]

    msg = h[src] * alpha[:, :, None]        # gather + weight: [E+N, H, C]
    out = jax.ops.segment_sum(msg, dst, num_segments=num_nodes)  # scatter-add
    return out.reshape(num_nodes, heads * out_ch) + bias


def setup_inputs(seed: int = 0) -> dict:
    key = jax.random.key(seed)
    ks = jax.random.split(key, 16)
    x = jax.random.normal(ks[0], (N_NODES, IN_CH), dtype=jnp.float32)
    edge_index = jax.random.randint(ks[1], (2, N_EDGES), 0, N_NODES, dtype=jnp.int64)
    batch = jnp.sort(jax.random.randint(ks[2], (N_NODES,), 0, NUM_GRAPHS, dtype=jnp.int64))

    # GAT layer 1: in=128 -> hid=64, heads=4 (concat -> 256)
    W1 = jax.random.normal(ks[3], (IN_CH, HEADS * HID), dtype=jnp.float32) * (1.0 / np.sqrt(IN_CH))
    att_src1 = jax.random.normal(ks[4], (1, HEADS, HID), dtype=jnp.float32) * 0.1
    att_dst1 = jax.random.normal(ks[5], (1, HEADS, HID), dtype=jnp.float32) * 0.1
    b1 = jnp.zeros((HEADS * HID,), dtype=jnp.float32)

    # GAT layer 2: in=256 -> hid=64, heads=1
    W2 = jax.random.normal(ks[6], (HEADS * HID, 1 * HID), dtype=jnp.float32) * (1.0 / np.sqrt(HEADS * HID))
    att_src2 = jax.random.normal(ks[7], (1, 1, HID), dtype=jnp.float32) * 0.1
    att_dst2 = jax.random.normal(ks[8], (1, 1, HID), dtype=jnp.float32) * 0.1
    b2 = jnp.zeros((HID,), dtype=jnp.float32)

    # classifier: 64 -> 10
    Wc = jax.random.normal(ks[9], (HID, OUT_CH), dtype=jnp.float32) * (1.0 / np.sqrt(HID))
    bc = jnp.zeros((OUT_CH,), dtype=jnp.float32)

    return {"x": x, "edge_index": edge_index, "batch": batch,
            "W1": W1, "att_src1": att_src1, "att_dst1": att_dst1, "b1": b1,
            "W2": W2, "att_src2": att_src2, "att_dst2": att_dst2, "b2": b2,
            "Wc": Wc, "bc": bc}


def reference(x, edge_index, batch, W1, att_src1, att_dst1, b1,
              W2, att_src2, att_dst2, b2, Wc, bc):
    h = gat_conv(x, edge_index, W1, att_src1, att_dst1, b1, HEADS, HID, N_NODES)
    h = jax.nn.relu(h)
    h = gat_conv(h, edge_index, W2, att_src2, att_dst2, b2, 1, HID, N_NODES)
    h = jax.nn.relu(h)
    # global_mean_pool over graph assignment
    sums = jax.ops.segment_sum(h, batch, num_segments=NUM_GRAPHS)
    counts = jax.ops.segment_sum(jnp.ones((N_NODES,), dtype=h.dtype), batch, num_segments=NUM_GRAPHS)
    pooled = sums / jnp.maximum(counts, 1.0)[:, None]
    return pooled @ Wc + bc

if __name__ == "__main__":
    import jax
    _d = setup_inputs()
    print(jax.jit(kernel)(*tuple(_d.values())))

</pallas_src>

<mosaic_0001>
#map = affine_map<(d0, d1) -> (0)>
#map1 = affine_map<(d0, d1) -> (0, 0)>
#map2 = affine_map<(d0, d1) -> (0, 0, 0)>
module attributes {stable_mosaic.version = 14 : i64} {
  func.func @_sc_edge_logits(%arg0: i32, %arg1: i32, %arg2: memref<331776xi32, #tpu.memory_space<hbm>>, %arg3: memref<331776xi32, #tpu.memory_space<hbm>>, %arg4: memref<10112x128xf32, #tpu.memory_space<hbm>>, %arg5: memref<10112x128xf32, #tpu.memory_space<hbm>>, %arg6: memref<10112x128xf32, #tpu.memory_space<hbm>>, %arg7: memref<331776x128xf32, #tpu.memory_space<hbm>>, %arg8: memref<2x10112x128xf32, #tpu.memory_space<hbm>>, %arg9: memref<128xi32, #tpu.memory_space<vmem>>, %arg10: memref<128xi32, #tpu.memory_space<vmem>>, %arg11: memref<128x128xf32, #tpu.memory_space<vmem>>, %arg12: memref<128x128xf32, #tpu.memory_space<vmem>>, %arg13: memref<128x128xf32, #tpu.memory_space<vmem>>, %arg14: memref<10112x128xf32, #tpu.memory_space<vmem_shared>>, %arg15: memref<!tpu.dma_semaphore, #tpu.memory_space<semaphore_mem>>, %arg16: memref<!tpu.dma_semaphore, #tpu.memory_space<semaphore_mem>>) attributes {dimension_semantics = [#tpu.dimension_semantics<core_parallel>, #tpu.dimension_semantics<subcore_parallel>], iteration_bounds = array<i64: 2, 16>, scalar_prefetch = 0 : i64, scratch_operands = 8 : i64, tpu.core_type = #tpu.core_type<sc_vector_subcore>, window_params = [{transform_indices = #map}, {transform_indices = #map}, {transform_indices = #map1}, {transform_indices = #map1}, {transform_indices = #map1}, {transform_indices = #map1}, {transform_indices = #map2}]} {
    %mul3A = arith.constant 2 : i32
    %mul3A_0 = arith.muli %arg1, %mul3A : i32
    %add3A = arith.addi %mul3A_0, %arg0 : i32
    %mul3A_1 = arith.constant 632 : i32
    %mul3A_2 = arith.muli %arg1, %mul3A_1 : i32
    "tpu.region"() ({
      %run_scoped3A = tpu.sem_alloc : memref<!tpu.dma_semaphore, #tpu.memory_space<semaphore_mem>>
      %dma_start3A = arith.constant 0 : i32
      %dma_start3A_9 = tpu.memref_slice %arg14[%mul3A_2, %dma_start3A] : memref<10112x128xf32, #tpu.memory_space<vmem_shared>> -> memref<632x128xf32, #tpu.memory_space<vmem_shared>>
      %dma_start3A_10 = arith.constant 0 : i32
      %dma_start3A_11 = tpu.memref_slice %arg6[%mul3A_2, %dma_start3A_10] : memref<10112x128xf32, #tpu.memory_space<hbm>> -> memref<632x128xf32, #tpu.memory_space<hbm>>
      tpu.enqueue_dma source(%dma_start3A_11 : memref<632x128xf32, #tpu.memory_space<hbm>>) target(%dma_start3A_9 : memref<632x128xf32, #tpu.memory_space<vmem_shared>>) target_semaphore(%run_scoped3A : memref<!tpu.dma_semaphore, #tpu.memory_space<semaphore_mem>>)
      %dma_wait3A = arith.constant 0 : i32
      %dma_wait3A_12 = tpu.memref_slice %arg14[%mul3A_2, %dma_wait3A] : memref<10112x128xf32, #tpu.memory_space<vmem_shared>> -> memref<632x128xf32, #tpu.memory_space<vmem_shared>>
      %dma_wait3A_13 = arith.constant 0 : i32
      %dma_wait3A_14 = tpu.memref_slice %arg6[%mul3A_2, %dma_wait3A_13] : memref<10112x128xf32, #tpu.memory_space<hbm>> -> memref<632x128xf32, #tpu.memory_space<hbm>>
      tpu.wait_dma2 semaphore(%run_scoped3A : memref<!tpu.dma_semaphore, #tpu.memory_space<semaphore_mem>>) src(%dma_wait3A_14 : memref<632x128xf32, #tpu.memory_space<hbm>>) dst(%dma_wait3A_12 : memref<632x128xf32, #tpu.memory_space<vmem_shared>>)
      tpu.yield
    }) : () -> ()
    "tpu.region"() ({
      %run_scoped3A = tpu.sem_alloc : memref<!tpu.dma_semaphore, #tpu.memory_space<semaphore_mem>>
      %dma_start3A = arith.constant 0 : i32
      %dma_start3A_9 = arith.constant 0 : i32
      %dma_start3A_10 = tpu.memref_slice %arg6[%dma_start3A, %dma_start3A_9] : memref<10112x128xf32, #tpu.memory_space<hbm>> -> memref<128x128xf32, #tpu.memory_space<hbm>>
      %dma_start3A_11 = arith.constant 0 : i32
      %dma_start3A_12 = arith.constant 0 : i32
      %dma_start3A_13 = tpu.memref_slice %arg6[%dma_start3A_11, %dma_start3A_12] : memref<10112x128xf32, #tpu.memory_space<hbm>> -> memref<128x128xf32, #tpu.memory_space<hbm>>
      tpu.enqueue_dma source(%dma_start3A_13 : memref<128x128xf32, #tpu.memory_space<hbm>>) target(%arg13 : memref<128x128xf32, #tpu.memory_space<vmem>>) target_semaphore(%run_scoped3A : memref<!tpu.dma_semaphore, #tpu.memory_space<semaphore_mem>>)
      %dma_wait3A = arith.constant 0 : i32
      %dma_wait3A_14 = arith.constant 0 : i32
      %dma_wait3A_15 = tpu.memref_slice %arg6[%dma_wait3A, %dma_wait3A_14] : memref<10112x128xf32, #tpu.memory_space<hbm>> -> memref<128x128xf32, #tpu.memory_space<hbm>>
      %dma_wait3A_16 = arith.constant 0 : i32
      %dma_wait3A_17 = arith.constant 0 : i32
      %dma_wait3A_18 = tpu.memref_slice %arg6[%dma_wait3A_16, %dma_wait3A_17] : memref<10112x128xf32, #tpu.memory_space<hbm>> -> memref<128x128xf32, #tpu.memory_space<hbm>>
      tpu.wait_dma2 semaphore(%run_scoped3A : memref<!tpu.dma_semaphore, #tpu.memory_space<semaphore_mem>>) src(%dma_wait3A_18 : memref<128x128xf32, #tpu.memory_space<hbm>>) dst(%arg13 : memref<128x128xf32, #tpu.memory_space<vmem>>)
      tpu.yield
    }) : () -> ()
    %barrier3A = arith.constant 0 : index
    tpu.barrier barrier_id(%barrier3A)
    %scan3A = arith.constant 0 : i32
    %scan3A_3 = arith.constant 0 : i32
    %scan3A_4 = arith.constant 81 : i32
    %scan3A_5 = arith.addi %scan3A_3, %scan3A_4 : i32
    %scan3A_6 = arith.constant 1 : i32
    scf.for %scan3A_9 = %scan3A_3 to %scan3A_5 step %scan3A_6  : i32 {
      %mul3A_10 = arith.constant 81 : i32
      %mul3A_11 = arith.muli %add3A, %mul3A_10 : i32
      %add3A_12 = arith.addi %mul3A_11, %scan3A_9 : i32
      %mul3A_13 = arith.constant 128 : i32
      %mul3A_14 = arith.muli %add3A_12, %mul3A_13 : i32
      "tpu.region"() ({
        %run_scoped3A = tpu.sem_alloc : memref<!tpu.dma_semaphore, #tpu.memory_space<semaphore_mem>>
        %dma_start3A_31 = tpu.memref_slice %arg2[%mul3A_14] : memref<331776xi32, #tpu.memory_space<hbm>> -> memref<128xi32, #tpu.memory_space<hbm>>
        %dma_start3A_32 = tpu.memref_slice %arg2[%mul3A_14] : memref<331776xi32, #tpu.memory_space<hbm>> -> memref<128xi32, #tpu.memory_space<hbm>>
        tpu.enqueue_dma source(%dma_start3A_32 : memref<128xi32, #tpu.memory_space<hbm>>) target(%arg9 : memref<128xi32, #tpu.memory_space<vmem>>) target_semaphore(%run_scoped3A : memref<!tpu.dma_semaphore, #tpu.memory_space<semaphore_mem>>)
        %dma_wait3A_33 = tpu.memref_slice %arg2[%mul3A_14] : memref<331776xi32, #tpu.memory_space<hbm>> -> memref<128xi32, #tpu.memory_space<hbm>>
        %dma_wait3A_34 = tpu.memref_slice %arg2[%mul3A_14] : memref<331776xi32, #tpu.memory_space<hbm>> -> memref<128xi32, #tpu.memory_space<hbm>>
        tpu.wait_dma2 semaphore(%run_scoped3A : memref<!tpu.dma_semaphore, #tpu.memory_space<semaphore_mem>>) src(%dma_wait3A_34 : memref<128xi32, #tpu.memory_space<hbm>>) dst(%arg9 : memref<128xi32, #tpu.memory_space<vmem>>)
        tpu.yield
      }) : () -> ()
      "tpu.region"() ({
        %run_scoped3A = tpu.sem_alloc : memref<!tpu.dma_semaphore, #tpu.memory_space<semaphore_mem>>
        %dma_start3A_31 = tpu.memref_slice %arg3[%mul3A_14] : memref<331776xi32, #tpu.memory_space<hbm>> -> memref<128xi32, #tpu.memory_space<hbm>>
        %dma_start3A_32 = tpu.memref_slice %arg3[%mul3A_14] : memref<331776xi32, #tpu.memory_space<hbm>> -> memref<128xi32, #tpu.memory_space<hbm>>
        tpu.enqueue_dma source(%dma_start3A_32 : memref<128xi32, #tpu.memory_space<hbm>>) target(%arg10 : memref<128xi32, #tpu.memory_space<vmem>>) target_semaphore(%run_scoped3A : memref<!tpu.dma_semaphore, #tpu.memory_space<semaphore_mem>>)
        %dma_wait3A_33 = tpu.memref_slice %arg3[%mul3A_14] : memref<331776xi32, #tpu.memory_space<hbm>> -> memref<128xi32, #tpu.memory_space<hbm>>
        %dma_wait3A_34 = tpu.memref_slice %arg3[%mul3A_14] : memref<331776xi32, #tpu.memory_space<hbm>> -> memref<128xi32, #tpu.memory_space<hbm>>
        tpu.wait_dma2 semaphore(%run_scoped3A : memref<!tpu.dma_semaphore, #tpu.memory_space<semaphore_mem>>) src(%dma_wait3A_34 : memref<128xi32, #tpu.memory_space<hbm>>) dst(%arg10 : memref<128xi32, #tpu.memory_space<vmem>>)
        tpu.yield
      }) : () -> ()
      %dma_start3A = arith.constant 0 : i32
      %dma_start3A_15 = arith.constant 0 : i32
      %dma_start3A_16 = tpu.memref_slice %arg4[%dma_start3A, %dma_start3A_15] : memref<10112x128xf32, #tpu.memory_space<hbm>> -> memref<10112x128xf32, #tpu.memory_space<hbm>>
      tpu.enqueue_indirect_dma source(%dma_start3A_16 : memref<10112x128xf32, #tpu.memory_space<hbm>>) target(%arg11 : memref<128x128xf32, #tpu.memory_space<vmem>>) offsets(%arg9 : memref<128xi32, #tpu.memory_space<vmem>>) semaphore(%arg15 : memref<!tpu.dma_semaphore, #tpu.memory_space<semaphore_mem>>)
      %dma_wait3A = arith.constant 0 : i32
      %dma_wait3A_17 = arith.constant 0 : i32
      %dma_wait3A_18 = tpu.memref_slice %arg4[%dma_wait3A, %dma_wait3A_17] : memref<10112x128xf32, #tpu.memory_space<hbm>> -> memref<10112x128xf32, #tpu.memory_space<hbm>>
      tpu.wait_indirect_dma semaphore(%arg15 : memref<!tpu.dma_semaphore, #tpu.memory_space<semaphore_mem>>) src(%dma_wait3A_18 : memref<10112x128xf32, #tpu.memory_space<hbm>>) dst(%arg11 : memref<128x128xf32, #tpu.memory_space<vmem>>)
      %dma_start3A_19 = arith.constant 0 : i32
      %dma_start3A_20 = arith.constant 0 : i32
      %dma_start3A_21 = tpu.memref_slice %arg5[%dma_start3A_19, %dma_start3A_20] : memref<10112x128xf32, #tpu.memory_space<hbm>> -> memref<10112x128xf32, #tpu.memory_space<hbm>>
      tpu.enqueue_indirect_dma source(%dma_start3A_21 : memref<10112x128xf32, #tpu.memory_space<hbm>>) target(%arg12 : memref<128x128xf32, #tpu.memory_space<vmem>>) offsets(%arg10 : memref<128xi32, #tpu.memory_space<vmem>>) semaphore(%arg16 : memref<!tpu.dma_semaphore, #tpu.memory_space<semaphore_mem>>)
      %dma_wait3A_22 = arith.constant 0 : i32
      %dma_wait3A_23 = arith.constant 0 : i32
      %dma_wait3A_24 = tpu.memref_slice %arg5[%dma_wait3A_22, %dma_wait3A_23] : memref<10112x128xf32, #tpu.memory_space<hbm>> -> memref<10112x128xf32, #tpu.memory_space<hbm>>
      tpu.wait_indirect_dma semaphore(%arg16 : memref<!tpu.dma_semaphore, #tpu.memory_space<semaphore_mem>>) src(%dma_wait3A_24 : memref<10112x128xf32, #tpu.memory_space<hbm>>) dst(%arg12 : memref<128x128xf32, #tpu.memory_space<vmem>>)
      %scan3A_25 = arith.constant 0 : i32
      %scan3A_26 = arith.constant 0 : i32
      %scan3A_27 = arith.constant 128 : i32
      %scan3A_28 = arith.addi %scan3A_26, %scan3A_27 : i32
      %scan3A_29 = arith.constant 1 : i32
      scf.for %scan3A_31 = %scan3A_26 to %scan3A_28 step %scan3A_29  : i32 {
        %get3A = arith.index_cast %scan3A_31 : i32 to index
        %get3A_32 = arith.constant 0 : index
        %get3A_33 = tpu.vector_load %arg11[%get3A, %get3A_32] {strides = array<i32>} : memref<128x128xf32, #tpu.memory_space<vmem>>, vector<1x16xf32>,
        %get3A_34 = vector.shape_cast %get3A_33 : vector<1x16xf32> to vector<16xf32>
        %get3A_35 = arith.index_cast %scan3A_31 : i32 to index
        %get3A_36 = arith.constant 0 : index
        %get3A_37 = tpu.vector_load %arg12[%get3A_35, %get3A_36] {strides = array<i32>} : memref<128x128xf32, #tpu.memory_space<vmem>>, vector<1x16xf32>,
        %get3A_38 = vector.shape_cast %get3A_37 : vector<1x16xf32> to vector<16xf32>
        %add3A_39 = arith.addf %get3A_34, %get3A_38 : vector<16xf32>
        %mul3A_40 = arith.constant 2.000000e-01 : f32
        %mul3A_41 = vector.broadcast %mul3A_40 : f32 to vector<16xf32>
        %mul3A_42 = arith.mulf %add3A_39, %mul3A_41 : vector<16xf32>
        %max3A = arith.maximumf %add3A_39, %mul3A_42 : vector<16xf32>
        %exp3A = math.exp %max3A : vector<16xf32>
        %swap3A = arith.index_cast %scan3A_31 : i32 to index
        %swap3A_43 = arith.constant 0 : index
        %swap3A_44 = tpu.vector_load %arg13[%swap3A, %swap3A_43] {strides = array<i32>} : memref<128x128xf32, #tpu.memory_space<vmem>>, vector<1x16xf32>,
        %swap3A_45 = vector.shape_cast %swap3A_44 : vector<1x16xf32> to vector<16xf32>
        %swap3A_46 = vector.shape_cast %exp3A : vector<16xf32> to vector<1x16xf32>
        tpu.vector_store %arg13[%swap3A, %swap3A_43], %swap3A_46 {strides = array<i32>} : memref<128x128xf32, #tpu.memory_space<vmem>>, vector<1x16xf32>,
      }
      %scan3A_30 = arith.constant 128 : i32
      "tpu.region"() ({
        %run_scoped3A = tpu.sem_alloc : memref<!tpu.dma_semaphore, #tpu.memory_space<semaphore_mem>>
        %dma_start3A_31 = arith.constant 0 : i32
        %dma_start3A_32 = tpu.memref_slice %arg7[%mul3A_14, %dma_start3A_31] : memref<331776x128xf32, #tpu.memory_space<hbm>> -> memref<128x128xf32, #tpu.memory_space<hbm>>
        %dma_start3A_33 = arith.constant 0 : i32
        %dma_start3A_34 = tpu.memref_slice %arg7[%mul3A_14, %dma_start3A_33] : memref<331776x128xf32, #tpu.memory_space<hbm>> -> memref<128x128xf32, #tpu.memory_space<hbm>>
        tpu.enqueue_dma source(%arg13 : memref<128x128xf32, #tpu.memory_space<vmem>>) target(%dma_start3A_34 : memref<128x128xf32, #tpu.memory_space<hbm>>) target_semaphore(%run_scoped3A : memref<!tpu.dma_semaphore, #tpu.memory_space<semaphore_mem>>)
        %dma_wait3A_35 = arith.constant 0 : i32
        %dma_wait3A_36 = tpu.memref_slice %arg7[%mul3A_14, %dma_wait3A_35] : memref<331776x128xf32, #tpu.memory_space<hbm>> -> memref<128x128xf32, #tpu.memory_space<hbm>>
        %dma_wait3A_37 = arith.constant 0 : i32
        %dma_wait3A_38 = tpu.memref_slice %arg7[%mul3A_14, %dma_wait3A_37] : memref<331776x128xf32, #tpu.memory_space<hbm>> -> memref<128x128xf32, #tpu.memory_space<hbm>>
        tpu.wait_dma2 semaphore(%run_scoped3A : memref<!tpu.dma_semaphore, #tpu.memory_space<semaphore_mem>>) src(%arg13 : memref<128x128xf32, #tpu.memory_space<vmem>>) dst(%dma_wait3A_38 : memref<128x128xf32, #tpu.memory_space<hbm>>)
        tpu.yield
      }) : () -> ()
      "tpu.region"() ({
        %run_scoped3A = tpu.sem_alloc : memref<!tpu.dma_semaphore, #tpu.memory_space<semaphore_mem>>
        %dma_start3A_31 = arith.constant 0 : i32
        %dma_start3A_32 = arith.constant 0 : i32
        %dma_start3A_33 = tpu.memref_slice %arg14[%dma_start3A_31, %dma_start3A_32] : memref<10112x128xf32, #tpu.memory_space<vmem_shared>> -> memref<10112x128xf32, #tpu.memory_space<vmem_shared>>
        tpu.enqueue_indirect_dma source(%arg13 : memref<128x128xf32, #tpu.memory_space<vmem>>) target(%dma_start3A_33 : memref<10112x128xf32, #tpu.memory_space<vmem_shared>>) offsets(%arg10 : memref<128xi32, #tpu.memory_space<vmem>>) semaphore(%run_scoped3A : memref<!tpu.dma_semaphore, #tpu.memory_space<semaphore_mem>>) {add = true}
        %dma_wait3A_34 = arith.constant 0 : i32
        %dma_wait3A_35 = arith.constant 0 : i32
        %dma_wait3A_36 = tpu.memref_slice %arg14[%dma_wait3A_34, %dma_wait3A_35] : memref<10112x128xf32, #tpu.memory_space<vmem_shared>> -> memref<10112x128xf32, #tpu.memory_space<vmem_shared>>
        tpu.wait_indirect_dma semaphore(%run_scoped3A : memref<!tpu.dma_semaphore, #tpu.memory_space<semaphore_mem>>) src(%arg13 : memref<128x128xf32, #tpu.memory_space<vmem>>) dst(%dma_wait3A_36 : memref<10112x128xf32, #tpu.memory_space<vmem_shared>>)
        tpu.yield
      }) : () -> ()
    }
    %scan3A_7 = arith.constant 81 : i32
    %barrier3A_8 = arith.constant 0 : index
    tpu.barrier barrier_id(%barrier3A_8)
    "tpu.region"() ({
      %run_scoped3A = tpu.sem_alloc : memref<!tpu.dma_semaphore, #tpu.memory_space<semaphore_mem>>
      %dma_start3A = arith.constant 0 : i32
      %dma_start3A_9 = tpu.memref_slice %arg8[%arg0, %mul3A_2, %dma_start3A] : memref<2x10112x128xf32, #tpu.memory_space<hbm>> -> memref<1x632x128xf32, #tpu.memory_space<hbm>>
      %dma_start3A_10 = tpu.memref_squeeze %dma_start3A_9 : memref<1x632x128xf32, #tpu.memory_space<hbm>> -> memref<632x128xf32, #tpu.memory_space<hbm>>
      %dma_start3A_11 = arith.constant 0 : i32
      %dma_start3A_12 = tpu.memref_slice %arg14[%mul3A_2, %dma_start3A_11] : memref<10112x128xf32, #tpu.memory_space<vmem_shared>> -> memref<632x128xf32, #tpu.memory_space<vmem_shared>>
      tpu.enqueue_dma source(%dma_start3A_12 : memref<632x128xf32, #tpu.memory_space<vmem_shared>>) target(%dma_start3A_10 : memref<632x128xf32, #tpu.memory_space<hbm>>) target_semaphore(%run_scoped3A : memref<!tpu.dma_semaphore, #tpu.memory_space<semaphore_mem>>)
      %dma_wait3A = arith.constant 0 : i32
      %dma_wait3A_13 = tpu.memref_slice %arg8[%arg0, %mul3A_2, %dma_wait3A] : memref<2x10112x128xf32, #tpu.memory_space<hbm>> -> memref<1x632x128xf32, #tpu.memory_space<hbm>>
      %dma_wait3A_14 = tpu.memref_squeeze %dma_wait3A_13 : memref<1x632x128xf32, #tpu.memory_space<hbm>> -> memref<632x128xf32, #tpu.memory_space<hbm>>
      %dma_wait3A_15 = arith.constant 0 : i32
      %dma_wait3A_16 = tpu.memref_slice %arg14[%mul3A_2, %dma_wait3A_15] : memref<10112x128xf32, #tpu.memory_space<vmem_shared>> -> memref<632x128xf32, #tpu.memory_space<vmem_shared>>
      tpu.wait_dma2 semaphore(%run_scoped3A : memref<!tpu.dma_semaphore, #tpu.memory_space<semaphore_mem>>) src(%dma_wait3A_16 : memref<632x128xf32, #tpu.memory_space<vmem_shared>>) dst(%dma_wait3A_14 : memref<632x128xf32, #tpu.memory_space<hbm>>)
      tpu.yield
    }) : () -> ()
    return
  }
}

#map = affine_map<(d0, d1) -> (0)>
#map1 = affine_map<(d0, d1) -> (0, 0)>
#map2 = affine_map<(d0, d1) -> (0, 0, 0)>
module attributes {stable_mosaic.version = 14 : i64} {
  func.func @_sc_edge_logits(%arg0: i32, %arg1: i32, %arg2: memref<331776xi32, #tpu.memory_space<hbm>>, %arg3: memref<331776xi32, #tpu.memory_space<hbm>>, %arg4: memref<10112x128xf32, #tpu.memory_space<hbm>>, %arg5: memref<10112x128xf32, #tpu.memory_space<hbm>>, %arg6: memref<10112x128xf32, #tpu.memory_space<hbm>>, %arg7: memref<331776x128xf32, #tpu.memory_space<hbm>>, %arg8: memref<2x10112x128xf32, #tpu.memory_space<hbm>>, %arg9: memref<128xi32, #tpu.memory_space<vmem>>, %arg10: memref<128xi32, #tpu.memory_space<vmem>>, %arg11: memref<128x128xf32, #tpu.memory_space<vmem>>, %arg12: memref<128x128xf32, #tpu.memory_space<vmem>>, %arg13: memref<128x128xf32, #tpu.memory_space<vmem>>, %arg14: memref<10112x128xf32, #tpu.memory_space<vmem_shared>>, %arg15: memref<!tpu.dma_semaphore, #tpu.memory_space<semaphore_mem>>, %arg16: memref<!tpu.dma_semaphore, #tpu.memory_space<semaphore_mem>>) attributes {dimension_semantics = [#tpu.dimension_semantics<core_parallel>, #tpu.dimension_semantics<subcore_parallel>], iteration_bounds = array<i64: 2, 16>, scalar_prefetch = 0 : i64, scratch_operands = 8 : i64, tpu.core_type = #tpu.core_type<sc_vector_subcore>, window_params = [{transform_indices = #map}, {transform_indices = #map}, {transform_indices = #map1}, {transform_indices = #map1}, {transform_indices = #map1}, {transform_indices = #map1}, {transform_indices = #map2}]} {
    %mul3A = arith.constant 2 : i32
    %mul3A_0 = arith.muli %arg1, %mul3A : i32
    %add3A = arith.addi %mul3A_0, %arg0 : i32
    %mul3A_1 = arith.constant 632 : i32
    %mul3A_2 = arith.muli %arg1, %mul3A_1 : i32
    "tpu.region"() ({
      %run_scoped3A = tpu.sem_alloc : memref<!tpu.dma_semaphore, #tpu.memory_space<semaphore_mem>>
      %dma_start3A = arith.constant 0 : i32
      %dma_start3A_9 = tpu.memref_slice %arg14[%mul3A_2, %dma_start3A] : memref<10112x128xf32, #tpu.memory_space<vmem_shared>> -> memref<632x128xf32, #tpu.memory_space<vmem_shared>>
      %dma_start3A_10 = arith.constant 0 : i32
      %dma_start3A_11 = tpu.memref_slice %arg6[%mul3A_2, %dma_start3A_10] : memref<10112x128xf32, #tpu.memory_space<hbm>> -> memref<632x128xf32, #tpu.memory_space<hbm>>
      tpu.enqueue_dma source(%dma_start3A_11 : memref<632x128xf32, #tpu.memory_space<hbm>>) target(%dma_start3A_9 : memref<632x128xf32, #tpu.memory_space<vmem_shared>>) target_semaphore(%run_scoped3A : memref<!tpu.dma_semaphore, #tpu.memory_space<semaphore_mem>>)
      %dma_wait3A = arith.constant 0 : i32
      %dma_wait3A_12 = tpu.memref_slice %arg14[%mul3A_2, %dma_wait3A] : memref<10112x128xf32, #tpu.memory_space<vmem_shared>> -> memref<632x128xf32, #tpu.memory_space<vmem_shared>>
      %dma_wait3A_13 = arith.constant 0 : i32
      %dma_wait3A_14 = tpu.memref_slice %arg6[%mul3A_2, %dma_wait3A_13] : memref<10112x128xf32, #tpu.memory_space<hbm>> -> memref<632x128xf32, #tpu.memory_space<hbm>>
      tpu.wait_dma2 semaphore(%run_scoped3A : memref<!tpu.dma_semaphore, #tpu.memory_space<semaphore_mem>>) src(%dma_wait3A_14 : memref<632x128xf32, #tpu.memory_space<hbm>>) dst(%dma_wait3A_12 : memref<632x128xf32, #tpu.memory_space<vmem_shared>>)
      tpu.yield
    }) : () -> ()
    "tpu.region"() ({
      %run_scoped3A = tpu.sem_alloc : memref<!tpu.dma_semaphore, #tpu.memory_space<semaphore_mem>>
      %dma_start3A = arith.constant 0 : i32
      %dma_start3A_9 = arith.constant 0 : i32
      %dma_start3A_10 = tpu.memref_slice %arg6[%dma_start3A, %dma_start3A_9] : memref<10112x128xf32, #tpu.memory_space<hbm>> -> memref<128x128xf32, #tpu.memory_space<hbm>>
      %dma_start3A_11 = arith.constant 0 : i32
      %dma_start3A_12 = arith.constant 0 : i32
      %dma_start3A_13 = tpu.memref_slice %arg6[%dma_start3A_11, %dma_start3A_12] : memref<10112x128xf32, #tpu.memory_space<hbm>> -> memref<128x128xf32, #tpu.memory_space<hbm>>
      tpu.enqueue_dma source(%dma_start3A_13 : memref<128x128xf32, #tpu.memory_space<hbm>>) target(%arg13 : memref<128x128xf32, #tpu.memory_space<vmem>>) target_semaphore(%run_scoped3A : memref<!tpu.dma_semaphore, #tpu.memory_space<semaphore_mem>>)
      %dma_wait3A = arith.constant 0 : i32
      %dma_wait3A_14 = arith.constant 0 : i32
      %dma_wait3A_15 = tpu.memref_slice %arg6[%dma_wait3A, %dma_wait3A_14] : memref<10112x128xf32, #tpu.memory_space<hbm>> -> memref<128x128xf32, #tpu.memory_space<hbm>>
      %dma_wait3A_16 = arith.constant 0 : i32
      %dma_wait3A_17 = arith.constant 0 : i32
      %dma_wait3A_18 = tpu.memref_slice %arg6[%dma_wait3A_16, %dma_wait3A_17] : memref<10112x128xf32, #tpu.memory_space<hbm>> -> memref<128x128xf32, #tpu.memory_space<hbm>>
      tpu.wait_dma2 semaphore(%run_scoped3A : memref<!tpu.dma_semaphore, #tpu.memory_space<semaphore_mem>>) src(%dma_wait3A_18 : memref<128x128xf32, #tpu.memory_space<hbm>>) dst(%arg13 : memref<128x128xf32, #tpu.memory_space<vmem>>)
      tpu.yield
    }) : () -> ()
    %barrier3A = arith.constant 0 : index
    tpu.barrier barrier_id(%barrier3A)
    %scan3A = arith.constant 0 : i32
    %scan3A_3 = arith.constant 0 : i32
    %scan3A_4 = arith.constant 81 : i32
    %scan3A_5 = arith.addi %scan3A_3, %scan3A_4 : i32
    %scan3A_6 = arith.constant 1 : i32
    scf.for %scan3A_9 = %scan3A_3 to %scan3A_5 step %scan3A_6  : i32 {
      %mul3A_10 = arith.constant 81 : i32
      %mul3A_11 = arith.muli %add3A, %mul3A_10 : i32
      %add3A_12 = arith.addi %mul3A_11, %scan3A_9 : i32
      %mul3A_13 = arith.constant 128 : i32
      %mul3A_14 = arith.muli %add3A_12, %mul3A_13 : i32
      "tpu.region"() ({
        %run_scoped3A = tpu.sem_alloc : memref<!tpu.dma_semaphore, #tpu.memory_space<semaphore_mem>>
        %dma_start3A_31 = tpu.memref_slice %arg2[%mul3A_14] : memref<331776xi32, #tpu.memory_space<hbm>> -> memref<128xi32, #tpu.memory_space<hbm>>
        %dma_start3A_32 = tpu.memref_slice %arg2[%mul3A_14] : memref<331776xi32, #tpu.memory_space<hbm>> -> memref<128xi32, #tpu.memory_space<hbm>>
        tpu.enqueue_dma source(%dma_start3A_32 : memref<128xi32, #tpu.memory_space<hbm>>) target(%arg9 : memref<128xi32, #tpu.memory_space<vmem>>) target_semaphore(%run_scoped3A : memref<!tpu.dma_semaphore, #tpu.memory_space<semaphore_mem>>)
        %dma_wait3A_33 = tpu.memref_slice %arg2[%mul3A_14] : memref<331776xi32, #tpu.memory_space<hbm>> -> memref<128xi32, #tpu.memory_space<hbm>>
        %dma_wait3A_34 = tpu.memref_slice %arg2[%mul3A_14] : memref<331776xi32, #tpu.memory_space<hbm>> -> memref<128xi32, #tpu.memory_space<hbm>>
        tpu.wait_dma2 semaphore(%run_scoped3A : memref<!tpu.dma_semaphore, #tpu.memory_space<semaphore_mem>>) src(%dma_wait3A_34 : memref<128xi32, #tpu.memory_space<hbm>>) dst(%arg9 : memref<128xi32, #tpu.memory_space<vmem>>)
        tpu.yield
      }) : () -> ()
      "tpu.region"() ({
        %run_scoped3A = tpu.sem_alloc : memref<!tpu.dma_semaphore, #tpu.memory_space<semaphore_mem>>
        %dma_start3A_31 = tpu.memref_slice %arg3[%mul3A_14] : memref<331776xi32, #tpu.memory_space<hbm>> -> memref<128xi32, #tpu.memory_space<hbm>>
        %dma_start3A_32 = tpu.memref_slice %arg3[%mul3A_14] : memref<331776xi32, #tpu.memory_space<hbm>> -> memref<128xi32, #tpu.memory_space<hbm>>
        tpu.enqueue_dma source(%dma_start3A_32 : memref<128xi32, #tpu.memory_space<hbm>>) target(%arg10 : memref<128xi32, #tpu.memory_space<vmem>>) target_semaphore(%run_scoped3A : memref<!tpu.dma_semaphore, #tpu.memory_space<semaphore_mem>>)
        %dma_wait3A_33 = tpu.memref_slice %arg3[%mul3A_14] : memref<331776xi32, #tpu.memory_space<hbm>> -> memref<128xi32, #tpu.memory_space<hbm>>
        %dma_wait3A_34 = tpu.memref_slice %arg3[%mul3A_14] : memref<331776xi32, #tpu.memory_space<hbm>> -> memref<128xi32, #tpu.memory_space<hbm>>
        tpu.wait_dma2 semaphore(%run_scoped3A : memref<!tpu.dma_semaphore, #tpu.memory_space<semaphore_mem>>) src(%dma_wait3A_34 : memref<128xi32, #tpu.memory_space<hbm>>) dst(%arg10 : memref<128xi32, #tpu.memory_space<vmem>>)
        tpu.yield
      }) : () -> ()
      %dma_start3A = arith.constant 0 : i32
      %dma_start3A_15 = arith.constant 0 : i32
      %dma_start3A_16 = tpu.memref_slice %arg4[%dma_start3A, %dma_start3A_15] : memref<10112x128xf32, #tpu.memory_space<hbm>> -> memref<10112x128xf32, #tpu.memory_space<hbm>>
      tpu.enqueue_indirect_dma source(%dma_start3A_16 : memref<10112x128xf32, #tpu.memory_space<hbm>>) target(%arg11 : memref<128x128xf32, #tpu.memory_space<vmem>>) offsets(%arg9 : memref<128xi32, #tpu.memory_space<vmem>>) semaphore(%arg15 : memref<!tpu.dma_semaphore, #tpu.memory_space<semaphore_mem>>)
      %dma_wait3A = arith.constant 0 : i32
      %dma_wait3A_17 = arith.constant 0 : i32
      %dma_wait3A_18 = tpu.memref_slice %arg4[%dma_wait3A, %dma_wait3A_17] : memref<10112x128xf32, #tpu.memory_space<hbm>> -> memref<10112x128xf32, #tpu.memory_space<hbm>>
      tpu.wait_indirect_dma semaphore(%arg15 : memref<!tpu.dma_semaphore, #tpu.memory_space<semaphore_mem>>) src(%dma_wait3A_18 : memref<10112x128xf32, #tpu.memory_space<hbm>>) dst(%arg11 : memref<128x128xf32, #tpu.memory_space<vmem>>)
      %dma_start3A_19 = arith.constant 0 : i32
      %dma_start3A_20 = arith.constant 0 : i32
      %dma_start3A_21 = tpu.memref_slice %arg5[%dma_start3A_19, %dma_start3A_20] : memref<10112x128xf32, #tpu.memory_space<hbm>> -> memref<10112x128xf32, #tpu.memory_space<hbm>>
      tpu.enqueue_indirect_dma source(%dma_start3A_21 : memref<10112x128xf32, #tpu.memory_space<hbm>>) target(%arg12 : memref<128x128xf32, #tpu.memory_space<vmem>>) offsets(%arg10 : memref<128xi32, #tpu.memory_space<vmem>>) semaphore(%arg16 : memref<!tpu.dma_semaphore, #tpu.memory_space<semaphore_mem>>)
      %dma_wait3A_22 = arith.constant 0 : i32
      %dma_wait3A_23 = arith.constant 0 : i32
      %dma_wait3A_24 = tpu.memref_slice %arg5[%dma_wait3A_22, %dma_wait3A_23] : memref<10112x128xf32, #tpu.memory_space<hbm>> -> memref<10112x128xf32, #tpu.memory_space<hbm>>
      tpu.wait_indirect_dma semaphore(%arg16 : memref<!tpu.dma_semaphore, #tpu.memory_space<semaphore_mem>>) src(%dma_wait3A_24 : memref<10112x128xf32, #tpu.memory_space<hbm>>) dst(%arg12 : memref<128x128xf32, #tpu.memory_space<vmem>>)
      %scan3A_25 = arith.constant 0 : i32
      %scan3A_26 = arith.constant 0 : i32
      %scan3A_27 = arith.constant 128 : i32
      %scan3A_28 = arith.addi %scan3A_26, %scan3A_27 : i32
      %scan3A_29 = arith.constant 1 : i32
      scf.for %scan3A_31 = %scan3A_26 to %scan3A_28 step %scan3A_29  : i32 {
        %get3A = arith.index_cast %scan3A_31 : i32 to index
        %get3A_32 = arith.constant 0 : index
        %get3A_33 = tpu.vector_load %arg11[%get3A, %get3A_32] {strides = array<i32>} : memref<128x128xf32, #tpu.memory_space<vmem>>, vector<1x16xf32>,
        %get3A_34 = vector.shape_cast %get3A_33 : vector<1x16xf32> to vector<16xf32>
        %get3A_35 = arith.index_cast %scan3A_31 : i32 to index
        %get3A_36 = arith.constant 0 : index
        %get3A_37 = tpu.vector_load %arg12[%get3A_35, %get3A_36] {strides = array<i32>} : memref<128x128xf32, #tpu.memory_space<vmem>>, vector<1x16xf32>,
        %get3A_38 = vector.shape_cast %get3A_37 : vector<1x16xf32> to vector<16xf32>
        %add3A_39 = arith.addf %get3A_34, %get3A_38 : vector<16xf32>
        %mul3A_40 = arith.constant 2.000000e-01 : f32
        %mul3A_41 = vector.broadcast %mul3A_40 : f32 to vector<16xf32>
        %mul3A_42 = arith.mulf %add3A_39, %mul3A_41 : vector<16xf32>
        %max3A = arith.maximumf %add3A_39, %mul3A_42 : vector<16xf32>
        %exp3A = math.exp %max3A : vector<16xf32>
        %swap3A = arith.index_cast %scan3A_31 : i32 to index
        %swap3A_43 = arith.constant 0 : index
        %swap3A_44 = tpu.vector_load %arg13[%swap3A, %swap3A_43] {strides = array<i32>} : memref<128x128xf32, #tpu.memory_space<vmem>>, vector<1x16xf32>,
        %swap3A_45 = vector.shape_cast %swap3A_44 : vector<1x16xf32> to vector<16xf32>
        %swap3A_46 = vector.shape_cast %exp3A : vector<16xf32> to vector<1x16xf32>
        tpu.vector_store %arg13[%swap3A, %swap3A_43], %swap3A_46 {strides = array<i32>} : memref<128x128xf32, #tpu.memory_space<vmem>>, vector<1x16xf32>,
      }
      %scan3A_30 = arith.constant 128 : i32
      "tpu.region"() ({
        %run_scoped3A = tpu.sem_alloc : memref<!tpu.dma_semaphore, #tpu.memory_space<semaphore_mem>>
        %dma_start3A_31 = arith.constant 0 : i32
        %dma_start3A_32 = tpu.memref_slice %arg7[%mul3A_14, %dma_start3A_31] : memref<331776x128xf32, #tpu.memory_space<hbm>> -> memref<128x128xf32, #tpu.memory_space<hbm>>
        %dma_start3A_33 = arith.constant 0 : i32
        %dma_start3A_34 = tpu.memref_slice %arg7[%mul3A_14, %dma_start3A_33] : memref<331776x128xf32, #tpu.memory_space<hbm>> -> memref<128x128xf32, #tpu.memory_space<hbm>>
        tpu.enqueue_dma source(%arg13 : memref<128x128xf32, #tpu.memory_space<vmem>>) target(%dma_start3A_34 : memref<128x128xf32, #tpu.memory_space<hbm>>) target_semaphore(%run_scoped3A : memref<!tpu.dma_semaphore, #tpu.memory_space<semaphore_mem>>)
        %dma_wait3A_35 = arith.constant 0 : i32
        %dma_wait3A_36 = tpu.memref_slice %arg7[%mul3A_14, %dma_wait3A_35] : memref<331776x128xf32, #tpu.memory_space<hbm>> -> memref<128x128xf32, #tpu.memory_space<hbm>>
        %dma_wait3A_37 = arith.constant 0 : i32
        %dma_wait3A_38 = tpu.memref_slice %arg7[%mul3A_14, %dma_wait3A_37] : memref<331776x128xf32, #tpu.memory_space<hbm>> -> memref<128x128xf32, #tpu.memory_space<hbm>>
        tpu.wait_dma2 semaphore(%run_scoped3A : memref<!tpu.dma_semaphore, #tpu.memory_space<semaphore_mem>>) src(%arg13 : memref<128x128xf32, #tpu.memory_space<vmem>>) dst(%dma_wait3A_38 : memref<128x128xf32, #tpu.memory_space<hbm>>)
        tpu.yield
      }) : () -> ()
      "tpu.region"() ({
        %run_scoped3A = tpu.sem_alloc : memref<!tpu.dma_semaphore, #tpu.memory_space<semaphore_mem>>
        %dma_start3A_31 = arith.constant 0 : i32
        %dma_start3A_32 = arith.constant 0 : i32
        %dma_start3A_33 = tpu.memref_slice %arg14[%dma_start3A_31, %dma_start3A_32] : memref<10112x128xf32, #tpu.memory_space<vmem_shared>> -> memref<10112x128xf32, #tpu.memory_space<vmem_shared>>
        tpu.enqueue_indirect_dma source(%arg13 : memref<128x128xf32, #tpu.memory_space<vmem>>) target(%dma_start3A_33 : memref<10112x128xf32, #tpu.memory_space<vmem_shared>>) offsets(%arg10 : memref<128xi32, #tpu.memory_space<vmem>>) semaphore(%run_scoped3A : memref<!tpu.dma_semaphore, #tpu.memory_space<semaphore_mem>>) {add = true}
        %dma_wait3A_34 = arith.constant 0 : i32
        %dma_wait3A_35 = arith.constant 0 : i32
        %dma_wait3A_36 = tpu.memref_slice %arg14[%dma_wait3A_34, %dma_wait3A_35] : memref<10112x128xf32, #tpu.memory_space<vmem_shared>> -> memref<10112x128xf32, #tpu.memory_space<vmem_shared>>
        tpu.wait_indirect_dma semaphore(%run_scoped3A : memref<!tpu.dma_semaphore, #tpu.memory_space<semaphore_mem>>) src(%arg13 : memref<128x128xf32, #tpu.memory_space<vmem>>) dst(%dma_wait3A_36 : memref<10112x128xf32, #tpu.memory_space<vmem_shared>>)
        tpu.yield
      }) : () -> ()
    }
    %scan3A_7 = arith.constant 81 : i32
    %barrier3A_8 = arith.constant 0 : index
    tpu.barrier barrier_id(%barrier3A_8)
    "tpu.region"() ({
      %run_scoped3A = tpu.sem_alloc : memref<!tpu.dma_semaphore, #tpu.memory_space<semaphore_mem>>
      %dma_start3A = arith.constant 0 : i32
      %dma_start3A_9 = tpu.memref_slice %arg8[%arg0, %mul3A_2, %dma_start3A] : memref<2x10112x128xf32, #tpu.memory_space<hbm>> -> memref<1x632x128xf32, #tpu.memory_space<hbm>>
      %dma_start3A_10 = tpu.memref_squeeze %dma_start3A_9 : memref<1x632x128xf32, #tpu.memory_space<hbm>> -> memref<632x128xf32, #tpu.memory_space<hbm>>
      %dma_start3A_11 = arith.constant 0 : i32
      %dma_start3A_12 = tpu.memref_slice %arg14[%mul3A_2, %dma_start3A_11] : memref<10112x128xf32, #tpu.memory_space<vmem_shared>> -> memref<632x128xf32, #tpu.memory_space<vmem_shared>>
      tpu.enqueue_dma source(%dma_start3A_12 : memref<632x128xf32, #tpu.memory_space<vmem_shared>>) target(%dma_start3A_10 : memref<632x128xf32, #tpu.memory_space<hbm>>) target_semaphore(%run_scoped3A : memref<!tpu.dma_semaphore, #tpu.memory_space<semaphore_mem>>)
      %dma_wait3A = arith.constant 0 : i32
      %dma_wait3A_13 = tpu.memref_slice %arg8[%arg0, %mul3A_2, %dma_wait3A] : memref<2x10112x128xf32, #tpu.memory_space<hbm>> -> memref<1x632x128xf32, #tpu.memory_space<hbm>>
      %dma_wait3A_14 = tpu.memref_squeeze %dma_wait3A_13 : memref<1x632x128xf32, #tpu.memory_space<hbm>> -> memref<632x128xf32, #tpu.memory_space<hbm>>
      %dma_wait3A_15 = arith.constant 0 : i32
      %dma_wait3A_16 = tpu.memref_slice %arg14[%mul3A_2, %dma_wait3A_15] : memref<10112x128xf32, #tpu.memory_space<vmem_shared>> -> memref<632x128xf32, #tpu.memory_space<vmem_shared>>
      tpu.wait_dma2 semaphore(%run_scoped3A : memref<!tpu.dma_semaphore, #tpu.memory_space<semaphore_mem>>) src(%dma_wait3A_16 : memref<632x128xf32, #tpu.memory_space<vmem_shared>>) dst(%dma_wait3A_14 : memref<632x128xf32, #tpu.memory_space<hbm>>)
      tpu.yield
    }) : () -> ()
    return
  }
}

#map = affine_map<(d0, d1) -> (0)>
#map1 = affine_map<(d0, d1) -> (0, 0)>
#map2 = affine_map<(d0, d1) -> (0, 0, 0, 0)>
module attributes {stable_mosaic.version = 14 : i64} {
  func.func @_sc_aggregate(%arg0: i32, %arg1: i32, %arg2: memref<331776xi32, #tpu.memory_space<hbm>>, %arg3: memref<331776xi32, #tpu.memory_space<hbm>>, %arg4: memref<331776x128xf32, #tpu.memory_space<hbm>>, %arg5: memref<40448x128xf32, #tpu.memory_space<hbm>>, %arg6: memref<10112x128xf32, #tpu.memory_space<hbm>>, %arg7: memref<4x2x10112x128xf32, #tpu.memory_space<hbm>>, %arg8: memref<128xi32, #tpu.memory_space<vmem>>, %arg9: memref<128xi32, #tpu.memory_space<vmem>>, %arg10: memref<128xi32, #tpu.memory_space<vmem>>, %arg11: memref<128x128xf32, #tpu.memory_space<vmem>>, %arg12: memref<128x128xf32, #tpu.memory_space<vmem>>, %arg13: memref<128x128xf32, #tpu.memory_space<vmem>>, %arg14: memref<10112x128xf32, #tpu.memory_space<vmem_shared>>, %arg15: memref<!tpu.dma_semaphore, #tpu.memory_space<semaphore_mem>>) attributes {dimension_semantics = [#tpu.dimension_semantics<core_parallel>, #tpu.dimension_semantics<subcore_parallel>], iteration_bounds = array<i64: 2, 16>, scalar_prefetch = 0 : i64, scratch_operands = 8 : i64, tpu.core_type = #tpu.core_type<sc_vector_subcore>, window_params = [{transform_indices = #map}, {transform_indices = #map}, {transform_indices = #map1}, {transform_indices = #map1}, {transform_indices = #map1}, {transform_indices = #map2}]} {
    %mul3A = arith.constant 2 : i32
    %mul3A_0 = arith.muli %arg1, %mul3A : i32
    %add3A = arith.addi %mul3A_0, %arg0 : i32
    %mul3A_1 = arith.constant 632 : i32
    %mul3A_2 = arith.muli %arg1, %mul3A_1 : i32
    "tpu.region"() ({
      %run_scoped3A_40 = tpu.sem_alloc : memref<!tpu.dma_semaphore, #tpu.memory_space<semaphore_mem>>
      %dma_start3A = arith.constant 0 : i32
      %dma_start3A_41 = arith.constant 0 : i32
      %dma_start3A_42 = tpu.memref_slice %arg6[%dma_start3A, %dma_start3A_41] : memref<10112x128xf32, #tpu.memory_space<hbm>> -> memref<128x128xf32, #tpu.memory_space<hbm>>
      %dma_start3A_43 = arith.constant 0 : i32
      %dma_start3A_44 = arith.constant 0 : i32
      %dma_start3A_45 = tpu.memref_slice %arg6[%dma_start3A_43, %dma_start3A_44] : memref<10112x128xf32, #tpu.memory_space<hbm>> -> memref<128x128xf32, #tpu.memory_space<hbm>>
      tpu.enqueue_dma source(%dma_start3A_45 : memref<128x128xf32, #tpu.memory_space<hbm>>) target(%arg13 : memref<128x128xf32, #tpu.memory_space<vmem>>) target_semaphore(%run_scoped3A_40 : memref<!tpu.dma_semaphore, #tpu.memory_space<semaphore_mem>>)
      %dma_wait3A = arith.constant 0 : i32
      %dma_wait3A_46 = arith.constant 0 : i32
      %dma_wait3A_47 = tpu.memref_slice %arg6[%dma_wait3A, %dma_wait3A_46] : memref<10112x128xf32, #tpu.memory_space<hbm>> -> memref<128x128xf32, #tpu.memory_space<hbm>>
      %dma_wait3A_48 = arith.constant 0 : i32
      %dma_wait3A_49 = arith.constant 0 : i32
      %dma_wait3A_50 = tpu.memref_slice %arg6[%dma_wait3A_48, %dma_wait3A_49] : memref<10112x128xf32, #tpu.memory_space<hbm>> -> memref<128x128xf32, #tpu.memory_space<hbm>>
      tpu.wait_dma2 semaphore(%run_scoped3A_40 : memref<!tpu.dma_semaphore, #tpu.memory_space<semaphore_mem>>) src(%dma_wait3A_50 : memref<128x128xf32, #tpu.memory_space<hbm>>) dst(%arg13 : memref<128x128xf32, #tpu.memory_space<vmem>>)
      tpu.yield
    }) : () -> ()
    "tpu.region"() ({
      %run_scoped3A_40 = tpu.sem_alloc : memref<!tpu.dma_semaphore, #tpu.memory_space<semaphore_mem>>
      %dma_start3A = arith.constant 0 : i32
      %dma_start3A_41 = tpu.memref_slice %arg14[%mul3A_2, %dma_start3A] : memref<10112x128xf32, #tpu.memory_space<vmem_shared>> -> memref<632x128xf32, #tpu.memory_space<vmem_shared>>
      %dma_start3A_42 = arith.constant 0 : i32
      %dma_start3A_43 = tpu.memref_slice %arg6[%mul3A_2, %dma_start3A_42] : memref<10112x128xf32, #tpu.memory_space<hbm>> -> memref<632x128xf32, #tpu.memory_space<hbm>>
      tpu.enqueue_dma source(%dma_start3A_43 : memref<632x128xf32, #tpu.memory_space<hbm>>) target(%dma_start3A_41 : memref<632x128xf32, #tpu.memory_space<vmem_shared>>) target_semaphore(%run_scoped3A_40 : memref<!tpu.dma_semaphore, #tpu.memory_space<semaphore_mem>>)
      %dma_wait3A = arith.constant 0 : i32
      %dma_wait3A_44 = tpu.memref_slice %arg14[%mul3A_2, %dma_wait3A] : memref<10112x128xf32, #tpu.memory_space<vmem_shared>> -> memref<632x128xf32, #tpu.memory_space<vmem_shared>>
      %dma_wait3A_45 = arith.constant 0 : i32
      %dma_wait3A_46 = tpu.memref_slice %arg6[%mul3A_2, %dma_wait3A_45] : memref<10112x128xf32, #tpu.memory_space<hbm>> -> memref<632x128xf32, #tpu.memory_space<hbm>>
      tpu.wait_dma2 semaphore(%run_scoped3A_40 : memref<!tpu.dma_semaphore, #tpu.memory_space<semaphore_mem>>) src(%dma_wait3A_46 : memref<632x128xf32, #tpu.memory_space<hbm>>) dst(%dma_wait3A_44 : memref<632x128xf32, #tpu.memory_space<vmem_shared>>)
      tpu.yield
    }) : () -> ()
    %barrier3A = arith.constant 0 : index
    tpu.barrier barrier_id(%barrier3A)
    %scan3A = arith.constant 0 : i32
    %scan3A_3 = arith.constant 0 : i32
    %scan3A_4 = arith.constant 81 : i32
    %scan3A_5 = arith.addi %scan3A_3, %scan3A_4 : i32
    %scan3A_6 = arith.constant 1 : i32
    scf.for %scan3A_40 = %scan3A_3 to %scan3A_5 step %scan3A_6  : i32 {
      %mul3A_41 = arith.constant 81 : i32
      %mul3A_42 = arith.muli %add3A, %mul3A_41 : i32
      %add3A_43 = arith.addi %mul3A_42, %scan3A_40 : i32
      %mul3A_44 = arith.constant 128 : i32
      %mul3A_45 = arith.muli %add3A_43, %mul3A_44 : i32
      "tpu.region"() ({
        %run_scoped3A_62 = tpu.sem_alloc : memref<!tpu.dma_semaphore, #tpu.memory_space<semaphore_mem>>
        %dma_start3A_63 = tpu.memref_slice %arg2[%mul3A_45] : memref<331776xi32, #tpu.memory_space<hbm>> -> memref<128xi32, #tpu.memory_space<hbm>>
        %dma_start3A_64 = tpu.memref_slice %arg2[%mul3A_45] : memref<331776xi32, #tpu.memory_space<hbm>> -> memref<128xi32, #tpu.memory_space<hbm>>
        tpu.enqueue_dma source(%dma_start3A_64 : memref<128xi32, #tpu.memory_space<hbm>>) target(%arg8 : memref<128xi32, #tpu.memory_space<vmem>>) target_semaphore(%run_scoped3A_62 : memref<!tpu.dma_semaphore, #tpu.memory_space<semaphore_mem>>)
        %dma_wait3A_65 = tpu.memref_slice %arg2[%mul3A_45] : memref<331776xi32, #tpu.memory_space<hbm>> -> memref<128xi32, #tpu.memory_space<hbm>>
        %dma_wait3A_66 = tpu.memref_slice %arg2[%mul3A_45] : memref<331776xi32, #tpu.memory_space<hbm>> -> memref<128xi32, #tpu.memory_space<hbm>>
        tpu.wait_dma2 semaphore(%run_scoped3A_62 : memref<!tpu.dma_semaphore, #tpu.memory_space<semaphore_mem>>) src(%dma_wait3A_66 : memref<128xi32, #tpu.memory_space<hbm>>) dst(%arg8 : memref<128xi32, #tpu.memory_space<vmem>>)
        tpu.yield
      }) : () -> ()
      "tpu.region"() ({
        %run_scoped3A_62 = tpu.sem_alloc : memref<!tpu.dma_semaphore, #tpu.memory_space<semaphore_mem>>
        %dma_start3A_63 = tpu.memref_slice %arg3[%mul3A_45] : memref<331776xi32, #tpu.memory_space<hbm>> -> memref<128xi32, #tpu.memory_space<hbm>>
        %dma_start3A_64 = tpu.memref_slice %arg3[%mul3A_45] : memref<331776xi32, #tpu.memory_space<hbm>> -> memref<128xi32, #tpu.memory_space<hbm>>
        tpu.enqueue_dma source(%dma_start3A_64 : memref<128xi32, #tpu.memory_space<hbm>>) target(%arg10 : memref<128xi32, #tpu.memory_space<vmem>>) target_semaphore(%run_scoped3A_62 : memref<!tpu.dma_semaphore, #tpu.memory_space<semaphore_mem>>)
        %dma_wait3A_65 = tpu.memref_slice %arg3[%mul3A_45] : memref<331776xi32, #tpu.memory_space<hbm>> -> memref<128xi32, #tpu.memory_space<hbm>>
        %dma_wait3A_66 = tpu.memref_slice %arg3[%mul3A_45] : memref<331776xi32, #tpu.memory_space<hbm>> -> memref<128xi32, #tpu.memory_space<hbm>>
        tpu.wait_dma2 semaphore(%run_scoped3A_62 : memref<!tpu.dma_semaphore, #tpu.memory_space<semaphore_mem>>) src(%dma_wait3A_66 : memref<128xi32, #tpu.memory_space<hbm>>) dst(%arg10 : memref<128xi32, #tpu.memory_space<vmem>>)
        tpu.yield
      }) : () -> ()
      "tpu.region"() ({
        %run_scoped3A_62 = tpu.sem_alloc : memref<!tpu.dma_semaphore, #tpu.memory_space<semaphore_mem>>
        %dma_start3A_63 = arith.constant 0 : i32
        %dma_start3A_64 = tpu.memref_slice %arg4[%mul3A_45, %dma_start3A_63] : memref<331776x128xf32, #tpu.memory_space<hbm>> -> memref<128x128xf32, #tpu.memory_space<hbm>>
        %dma_start3A_65 = arith.constant 0 : i32
        %dma_start3A_66 = tpu.memref_slice %arg4[%mul3A_45, %dma_start3A_65] : memref<331776x128xf32, #tpu.memory_space<hbm>> -> memref<128x128xf32, #tpu.memory_space<hbm>>
        tpu.enqueue_dma source(%dma_start3A_66 : memref<128x128xf32, #tpu.memory_space<hbm>>) target(%arg11 : memref<128x128xf32, #tpu.memory_space<vmem>>) target_semaphore(%run_scoped3A_62 : memref<!tpu.dma_semaphore, #tpu.memory_space<semaphore_mem>>)
        %dma_wait3A_67 = arith.constant 0 : i32
        %dma_wait3A_68 = tpu.memref_slice %arg4[%mul3A_45, %dma_wait3A_67] : memref<331776x128xf32, #tpu.memory_space<hbm>> -> memref<128x128xf32, #tpu.memory_space<hbm>>
        %dma_wait3A_69 = arith.constant 0 : i32
        %dma_wait3A_70 = tpu.memref_slice %arg4[%mul3A_45, %dma_wait3A_69] : memref<331776x128xf32, #tpu.memory_space<hbm>> -> memref<128x128xf32, #tpu.memory_space<hbm>>
        tpu.wait_dma2 semaphore(%run_scoped3A_62 : memref<!tpu.dma_semaphore, #tpu.memory_space<semaphore_mem>>) src(%dma_wait3A_70 : memref<128x128xf32, #tpu.memory_space<hbm>>) dst(%arg11 : memref<128x128xf32, #tpu.memory_space<vmem>>)
        tpu.yield
      }) : () -> ()
      %scan3A_46 = arith.constant 0 : i32
      %scan3A_47 = arith.constant 0 : i32
      %scan3A_48 = arith.constant 8 : i32
      %scan3A_49 = arith.addi %scan3A_47, %scan3A_48 : i32
      %scan3A_50 = arith.constant 1 : i32
      scf.for %scan3A_62 = %scan3A_47 to %scan3A_49 step %scan3A_50  : i32 {
        %mul3A_63 = arith.constant 16 : i32
        %mul3A_64 = arith.muli %scan3A_62, %mul3A_63 : i32
        %get3A = arith.index_cast %mul3A_64 : i32 to index
        %get3A_65 = tpu.vector_load %arg8[%get3A] {strides = array<i32>} : memref<128xi32, #tpu.memory_space<vmem>>, vector<16xi32>,
        %get3A_66 = vector.shape_cast %get3A_65 : vector<16xi32> to vector<16xi32>
        %add3A_67 = arith.constant 0 : i32
        %add3A_68 = vector.broadcast %add3A_67 : i32 to vector<16xi32>
        %add3A_69 = arith.addi %get3A_66, %add3A_68 : vector<16xi32>
        %mul3A_70 = arith.constant 16 : i32
        %mul3A_71 = arith.muli %scan3A_62, %mul3A_70 : i32
        %swap3A = arith.index_cast %mul3A_71 : i32 to index
        %swap3A_72 = tpu.vector_load %arg9[%swap3A] {strides = array<i32>} : memref<128xi32, #tpu.memory_space<vmem>>, vector<16xi32>,
        %swap3A_73 = vector.shape_cast %swap3A_72 : vector<16xi32> to vector<16xi32>
        %swap3A_74 = vector.shape_cast %add3A_69 : vector<16xi32> to vector<16xi32>
        tpu.vector_store %arg9[%swap3A], %swap3A_74 {strides = array<i32>} : memref<128xi32, #tpu.memory_space<vmem>>, vector<16xi32>,
      }
      %scan3A_51 = arith.constant 8 : i32
      %dma_start3A = arith.constant 0 : i32
      %dma_start3A_52 = arith.constant 0 : i32
      %dma_start3A_53 = tpu.memref_slice %arg5[%dma_start3A, %dma_start3A_52] : memref<40448x128xf32, #tpu.memory_space<hbm>> -> memref<40448x128xf32, #tpu.memory_space<hbm>>
      tpu.enqueue_indirect_dma source(%dma_start3A_53 : memref<40448x128xf32, #tpu.memory_space<hbm>>) target(%arg12 : memref<128x128xf32, #tpu.memory_space<vmem>>) offsets(%arg9 : memref<128xi32, #tpu.memory_space<vmem>>) semaphore(%arg15 : memref<!tpu.dma_semaphore, #tpu.memory_space<semaphore_mem>>)
      %dma_wait3A = arith.constant 0 : i32
      %dma_wait3A_54 = arith.constant 0 : i32
      %dma_wait3A_55 = tpu.memref_slice %arg5[%dma_wait3A, %dma_wait3A_54] : memref<40448x128xf32, #tpu.memory_space<hbm>> -> memref<40448x128xf32, #tpu.memory_space<hbm>>
      tpu.wait_indirect_dma semaphore(%arg15 : memref<!tpu.dma_semaphore, #tpu.memory_space<semaphore_mem>>) src(%dma_wait3A_55 : memref<40448x128xf32, #tpu.memory_space<hbm>>) dst(%arg12 : memref<128x128xf32, #tpu.memory_space<vmem>>)
      %scan3A_56 = arith.constant 0 : i32
      %scan3A_57 = arith.constant 0 : i32
      %scan3A_58 = arith.constant 128 : i32
      %scan3A_59 = arith.addi %scan3A_57, %scan3A_58 : i32
      %scan3A_60 = arith.constant 1 : i32
      scf.for %scan3A_62 = %scan3A_57 to %scan3A_59 step %scan3A_60  : i32 {
        %get3A = arith.index_cast %scan3A_62 : i32 to index
        %get3A_63 = arith.constant 0 : index
        %get3A_64 = tpu.vector_load %arg11[%get3A, %get3A_63] {strides = array<i32>} : memref<128x128xf32, #tpu.memory_space<vmem>>, vector<1x16xf32>,
        %get3A_65 = vector.shape_cast %get3A_64 : vector<1x16xf32> to vector<16xf32>
        %slice3A = vector.extract_strided_slice %get3A_65 {offsets = [0], sizes = [1], strides = [1]} : vector<16xf32> to vector<1xf32>
        %squeeze3A = vector.extract %slice3A[0] : f32 from vector<1xf32>
        %get3A_66 = arith.index_cast %scan3A_62 : i32 to index
        %get3A_67 = arith.constant 0 : index
        %get3A_68 = tpu.vector_load %arg12[%get3A_66, %get3A_67] {strides = array<i32>} : memref<128x128xf32, #tpu.memory_space<vmem>>, vector<1x16xf32>,
        %get3A_69 = vector.shape_cast %get3A_68 : vector<1x16xf32> to vector<16xf32>
        %mul3A_70 = vector.broadcast %squeeze3A : f32 to vector<16xf32>
        %mul3A_71 = arith.mulf %get3A_69, %mul3A_70 : vector<16xf32>
        %swap3A = arith.index_cast %scan3A_62 : i32 to index
        %swap3A_72 = arith.constant 0 : index
        %swap3A_73 = tpu.vector_load %arg13[%swap3A, %swap3A_72] {strides = array<i32>} : memref<128x128xf32, #tpu.memory_space<vmem>>, vector<1x16xf32>,
        %swap3A_74 = vector.shape_cast %swap3A_73 : vector<1x16xf32> to vector<16xf32>
        %swap3A_75 = vector.shape_cast %mul3A_71 : vector<16xf32> to vector<1x16xf32>
        tpu.vector_store %arg13[%swap3A, %swap3A_72], %swap3A_75 {strides = array<i32>} : memref<128x128xf32, #tpu.memory_space<vmem>>, vector<1x16xf32>,
        %get3A_76 = arith.index_cast %scan3A_62 : i32 to index
        %get3A_77 = arith.constant 16 : index
        %get3A_78 = tpu.vector_load %arg12[%get3A_76, %get3A_77] {strides = array<i32>} : memref<128x128xf32, #tpu.memory_space<vmem>>, vector<1x16xf32>,
        %get3A_79 = vector.shape_cast %get3A_78 : vector<1x16xf32> to vector<16xf32>
        %mul3A_80 = vector.broadcast %squeeze3A : f32 to vector<16xf32>
        %mul3A_81 = arith.mulf %get3A_79, %mul3A_80 : vector<16xf32>
        %swap3A_82 = arith.index_cast %scan3A_62 : i32 to index
        %swap3A_83 = arith.constant 16 : index
        %swap3A_84 = tpu.vector_load %arg13[%swap3A_82, %swap3A_83] {strides = array<i32>} : memref<128x128xf32, #tpu.memory_space<vmem>>, vector<1x16xf32>,
        %swap3A_85 = vector.shape_cast %swap3A_84 : vector<1x16xf32> to vector<16xf32>
        %swap3A_86 = vector.shape_cast %mul3A_81 : vector<16xf32> to vector<1x16xf32>
        tpu.vector_store %arg13[%swap3A_82, %swap3A_83], %swap3A_86 {strides = array<i32>} : memref<128x128xf32, #tpu.memory_space<vmem>>, vector<1x16xf32>,
        %get3A_87 = arith.index_cast %scan3A_62 : i32 to index
        %get3A_88 = arith.constant 32 : index
        %get3A_89 = tpu.vector_load %arg12[%get3A_87, %get3A_88] {strides = array<i32>} : memref<128x128xf32, #tpu.memory_space<vmem>>, vector<1x16xf32>,
        %get3A_90 = vector.shape_cast %get3A_89 : vector<1x16xf32> to vector<16xf32>
        %mul3A_91 = vector.broadcast %squeeze3A : f32 to vector<16xf32>
        %mul3A_92 = arith.mulf %get3A_90, %mul3A_91 : vector<16xf32>
        %swap3A_93 = arith.index_cast %scan3A_62 : i32 to index
        %swap3A_94 = arith.constant 32 : index
        %swap3A_95 = tpu.vector_load %arg13[%swap3A_93, %swap3A_94] {strides = array<i32>} : memref<128x128xf32, #tpu.memory_space<vmem>>, vector<1x16xf32>,
        %swap3A_96 = vector.shape_cast %swap3A_95 : vector<1x16xf32> to vector<16xf32>
        %swap3A_97 = vector.shape_cast %mul3A_92 : vector<16xf32> to vector<1x16xf32>
        tpu.vector_store %arg13[%swap3A_93, %swap3A_94], %swap3A_97 {strides = array<i32>} : memref<128x128xf32, #tpu.memory_space<vmem>>, vector<1x16xf32>,
        %get3A_98 = arith.index_cast %scan3A_62 : i32 to index
        %get3A_99 = arith.constant 48 : index
        %get3A_100 = tpu.vector_load %arg12[%get3A_98, %get3A_99] {strides = array<i32>} : memref<128x128xf32, #tpu.memory_space<vmem>>, vector<1x16xf32>,
        %get3A_101 = vector.shape_cast %get3A_100 : vector<1x16xf32> to vector<16xf32>
        %mul3A_102 = vector.broadcast %squeeze3A : f32 to vector<16xf32>
        %mul3A_103 = arith.mulf %get3A_101, %mul3A_102 : vector<16xf32>
        %swap3A_104 = arith.index_cast %scan3A_62 : i32 to index
        %swap3A_105 = arith.constant 48 : index
        %swap3A_106 = tpu.vector_load %arg13[%swap3A_104, %swap3A_105] {strides = array<i32>} : memref<128x128xf32, #tpu.memory_space<vmem>>, vector<1x16xf32>,
        %swap3A_107 = vector.shape_cast %swap3A_106 : vector<1x16xf32> to vector<16xf32>
        %swap3A_108 = vector.shape_cast %mul3A_103 : vector<16xf32> to vector<1x16xf32>
        tpu.vector_store %arg13[%swap3A_104, %swap3A_105], %swap3A_108 {strides = array<i32>} : memref<128x128xf32, #tpu.memory_space<vmem>>, vector<1x16xf32>,
      }
      %scan3A_61 = arith.constant 128 : i32
      "tpu.region"() ({
        %run_scoped3A_62 = tpu.sem_alloc : memref<!tpu.dma_semaphore, #tpu.memory_space<semaphore_mem>>
        %dma_start3A_63 = arith.constant 0 : i32
        %dma_start3A_64 = arith.constant 0 : i32
        %dma_start3A_65 = tpu.memref_slice %arg14[%dma_start3A_63, %dma_start3A_64] : memref<10112x128xf32, #tpu.memory_space<vmem_shared>> -> memref<10112x128xf32, #tpu.memory_space<vmem_shared>>
        tpu.enqueue_indirect_dma source(%arg13 : memref<128x128xf32, #tpu.memory_space<vmem>>) target(%dma_start3A_65 : memref<10112x128xf32, #tpu.memory_space<vmem_shared>>) offsets(%arg10 : memref<128xi32, #tpu.memory_space<vmem>>) semaphore(%run_scoped3A_62 : memref<!tpu.dma_semaphore, #tpu.memory_space<semaphore_mem>>) {add = true}
        %dma_wait3A_66 = arith.constant 0 : i32
        %dma_wait3A_67 = arith.constant 0 : i32
        %dma_wait3A_68 = tpu.memref_slice %arg14[%dma_wait3A_66, %dma_wait3A_67] : memref<10112x128xf32, #tpu.memory_space<vmem_shared>> -> memref<10112x128xf32, #tpu.memory_space<vmem_shared>>
        tpu.wait_indirect_dma semaphore(%run_scoped3A_62 : memref<!tpu.dma_semaphore, #tpu.memory_space<semaphore_mem>>) src(%arg13 : memref<128x128xf32, #tpu.memory_space<vmem>>) dst(%dma_wait3A_68 : memref<10112x128xf32, #tpu.memory_space<vmem_shared>>)
        tpu.yield
      }) : () -> ()
    }
    %scan3A_7 = arith.constant 81 : i32
    %barrier3A_8 = arith.constant 0 : index
    tpu.barrier barrier_id(%barrier3A_8)
    %run_scoped3A = arith.constant 0 : i32
    "tpu.region"() ({
      %run_scoped3A_40 = tpu.sem_alloc : memref<!tpu.dma_semaphore, #tpu.memory_space<semaphore_mem>>
      %dma_start3A = arith.constant 0 : i32
      %dma_start3A_41 = tpu.memref_slice %arg7[%run_scoped3A, %arg0, %mul3A_2, %dma_start3A] : memref<4x2x10112x128xf32, #tpu.memory_space<hbm>> -> memref<1x1x632x128xf32, #tpu.memory_space<hbm>>
      %dma_start3A_42 = tpu.memref_squeeze %dma_start3A_41 : memref<1x1x632x128xf32, #tpu.memory_space<hbm>> -> memref<632x128xf32, #tpu.memory_space<hbm>>
      %dma_start3A_43 = arith.constant 0 : i32
      %dma_start3A_44 = tpu.memref_slice %arg14[%mul3A_2, %dma_start3A_43] : memref<10112x128xf32, #tpu.memory_space<vmem_shared>> -> memref<632x128xf32, #tpu.memory_space<vmem_shared>>
      tpu.enqueue_dma source(%dma_start3A_44 : memref<632x128xf32, #tpu.memory_space<vmem_shared>>) target(%dma_start3A_42 : memref<632x128xf32, #tpu.memory_space<hbm>>) target_semaphore(%run_scoped3A_40 : memref<!tpu.dma_semaphore, #tpu.memory_space<semaphore_mem>>)
      %dma_wait3A = arith.constant 0 : i32
      %dma_wait3A_45 = tpu.memref_slice %arg7[%run_scoped3A, %arg0, %mul3A_2, %dma_wait3A] : memref<4x2x10112x128xf32, #tpu.memory_space<hbm>> -> memref<1x1x632x128xf32, #tpu.memory_space<hbm>>
      %dma_wait3A_46 = tpu.memref_squeeze %dma_wait3A_45 : memref<1x1x632x128xf32, #tpu.memory_space<hbm>> -> memref<632x128xf32, #tpu.memory_space<hbm>>
      %dma_wait3A_47 = arith.constant 0 : i32
      %dma_wait3A_48 = tpu.memref_slice %arg14[%mul3A_2, %dma_wait3A_47] : memref<10112x128xf32, #tpu.memory_space<vmem_shared>> -> memref<632x128xf32, #tpu.memory_space<vmem_shared>>
      tpu.wait_dma2 semaphore(%run_scoped3A_40 : memref<!tpu.dma_semaphore, #tpu.memory_space<semaphore_mem>>) src(%dma_wait3A_48 : memref<632x128xf32, #tpu.memory_space<vmem_shared>>) dst(%dma_wait3A_46 : memref<632x128xf32, #tpu.memory_space<hbm>>)
      tpu.yield
    }) : () -> ()
    %barrier3A_9 = arith.constant 0 : index
    tpu.barrier barrier_id(%barrier3A_9)
    "tpu.region"() ({
      %run_scoped3A_40 = tpu.sem_alloc : memref<!tpu.dma_semaphore, #tpu.memory_space<semaphore_mem>>
      %dma_start3A = arith.constant 0 : i32
      %dma_start3A_41 = tpu.memref_slice %arg14[%mul3A_2, %dma_start3A] : memref<10112x128xf32, #tpu.memory_space<vmem_shared>> -> memref<632x128xf32, #tpu.memory_space<vmem_shared>>
      %dma_start3A_42 = arith.constant 0 : i32
      %dma_start3A_43 = tpu.memref_slice %arg6[%mul3A_2, %dma_start3A_42] : memref<10112x128xf32, #tpu.memory_space<hbm>> -> memref<632x128xf32, #tpu.memory_space<hbm>>
      tpu.enqueue_dma source(%dma_start3A_43 : memref<632x128xf32, #tpu.memory_space<hbm>>) target(%dma_start3A_41 : memref<632x128xf32, #tpu.memory_space<vmem_shared>>) target_semaphore(%run_scoped3A_40 : memref<!tpu.dma_semaphore, #tpu.memory_space<semaphore_mem>>)
      %dma_wait3A = arith.constant 0 : i32
      %dma_wait3A_44 = tpu.memref_slice %arg14[%mul3A_2, %dma_wait3A] : memref<10112x128xf32, #tpu.memory_space<vmem_shared>> -> memref<632x128xf32, #tpu.memory_space<vmem_shared>>
      %dma_wait3A_45 = arith.constant 0 : i32
      %dma_wait3A_46 = tpu.memref_slice %arg6[%mul3A_2, %dma_wait3A_45] : memref<10112x128xf32, #tpu.memory_space<hbm>> -> memref<632x128xf32, #tpu.memory_space<hbm>>
      tpu.wait_dma2 semaphore(%run_scoped3A_40 : memref<!tpu.dma_semaphore, #tpu.memory_space<semaphore_mem>>) src(%dma_wait3A_46 : memref<632x128xf32, #tpu.memory_space<hbm>>) dst(%dma_wait3A_44 : memref<632x128xf32, #tpu.memory_space<vmem_shared>>)
      tpu.yield
    }) : () -> ()
    %barrier3A_10 = arith.constant 0 : index
    tpu.barrier barrier_id(%barrier3A_10)
    %scan3A_11 = arith.constant 0 : i32
    %scan3A_12 = arith.constant 0 : i32
    %scan3A_13 = arith.constant 81 : i32
    %scan3A_14 = arith.addi %scan3A_12, %scan3A_13 : i32
    %scan3A_15 = arith.constant 1 : i32
    scf.for %scan3A_40 = %scan3A_12 to %scan3A_14 step %scan3A_15  : i32 {
      %mul3A_41 = arith.constant 81 : i32
      %mul3A_42 = arith.muli %add3A, %mul3A_41 : i32
      %add3A_43 = arith.addi %mul3A_42, %scan3A_40 : i32
      %mul3A_44 = arith.constant 128 : i32
      %mul3A_45 = arith.muli %add3A_43, %mul3A_44 : i32
      "tpu.region"() ({
        %run_scoped3A_62 = tpu.sem_alloc : memref<!tpu.dma_semaphore, #tpu.memory_space<semaphore_mem>>
        %dma_start3A_63 = tpu.memref_slice %arg2[%mul3A_45] : memref<331776xi32, #tpu.memory_space<hbm>> -> memref<128xi32, #tpu.memory_space<hbm>>
        %dma_start3A_64 = tpu.memref_slice %arg2[%mul3A_45] : memref<331776xi32, #tpu.memory_space<hbm>> -> memref<128xi32, #tpu.memory_space<hbm>>
        tpu.enqueue_dma source(%dma_start3A_64 : memref<128xi32, #tpu.memory_space<hbm>>) target(%arg8 : memref<128xi32, #tpu.memory_space<vmem>>) target_semaphore(%run_scoped3A_62 : memref<!tpu.dma_semaphore, #tpu.memory_space<semaphore_mem>>)
        %dma_wait3A_65 = tpu.memref_slice %arg2[%mul3A_45] : memref<331776xi32, #tpu.memory_space<hbm>> -> memref<128xi32, #tpu.memory_space<hbm>>
        %dma_wait3A_66 = tpu.memref_slice %arg2[%mul3A_45] : memref<331776xi32, #tpu.memory_space<hbm>> -> memref<128xi32, #tpu.memory_space<hbm>>
        tpu.wait_dma2 semaphore(%run_scoped3A_62 : memref<!tpu.dma_semaphore, #tpu.memory_space<semaphore_mem>>) src(%dma_wait3A_66 : memref<128xi32, #tpu.memory_space<hbm>>) dst(%arg8 : memref<128xi32, #tpu.memory_space<vmem>>)
        tpu.yield
      }) : () -> ()
      "tpu.region"() ({
        %run_scoped3A_62 = tpu.sem_alloc : memref<!tpu.dma_semaphore, #tpu.memory_space<semaphore_mem>>
        %dma_start3A_63 = tpu.memref_slice %arg3[%mul3A_45] : memref<331776xi32, #tpu.memory_space<hbm>> -> memref<128xi32, #tpu.memory_space<hbm>>
        %dma_start3A_64 = tpu.memref_slice %arg3[%mul3A_45] : memref<331776xi32, #tpu.memory_space<hbm>> -> memref<128xi32, #tpu.memory_space<hbm>>
        tpu.enqueue_dma source(%dma_start3A_64 : memref<128xi32, #tpu.memory_space<hbm>>) target(%arg10 : memref<128xi32, #tpu.memory_space<vmem>>) target_semaphore(%run_scoped3A_62 : memref<!tpu.dma_semaphore, #tpu.memory_space<semaphore_mem>>)
        %dma_wait3A_65 = tpu.memref_slice %arg3[%mul3A_45] : memref<331776xi32, #tpu.memory_space<hbm>> -> memref<128xi32, #tpu.memory_space<hbm>>
        %dma_wait3A_66 = tpu.memref_slice %arg3[%mul3A_45] : memref<331776xi32, #tpu.memory_space<hbm>> -> memref<128xi32, #tpu.memory_space<hbm>>
        tpu.wait_dma2 semaphore(%run_scoped3A_62 : memref<!tpu.dma_semaphore, #tpu.memory_space<semaphore_mem>>) src(%dma_wait3A_66 : memref<128xi32, #tpu.memory_space<hbm>>) dst(%arg10 : memref<128xi32, #tpu.memory_space<vmem>>)
        tpu.yield
      }) : () -> ()
      "tpu.region"() ({
        %run_scoped3A_62 = tpu.sem_alloc : memref<!tpu.dma_semaphore, #tpu.memory_space<semaphore_mem>>
        %dma_start3A_63 = arith.constant 0 : i32
        %dma_start3A_64 = tpu.memref_slice %arg4[%mul3A_45, %dma_start3A_63] : memref<331776x128xf32, #tpu.memory_space<hbm>> -> memref<128x128xf32, #tpu.memory_space<hbm>>
        %dma_start3A_65 = arith.constant 0 : i32
        %dma_start3A_66 = tpu.memref_slice %arg4[%mul3A_45, %dma_start3A_65] : memref<331776x128xf32, #tpu.memory_space<hbm>> -> memref<128x128xf32, #tpu.memory_space<hbm>>
        tpu.enqueue_dma source(%dma_start3A_66 : memref<128x128xf32, #tpu.memory_space<hbm>>) target(%arg11 : memref<128x128xf32, #tpu.memory_space<vmem>>) target_semaphore(%run_scoped3A_62 : memref<!tpu.dma_semaphore, #tpu.memory_space<semaphore_mem>>)
        %dma_wait3A_67 = arith.constant 0 : i32
        %dma_wait3A_68 = tpu.memref_slice %arg4[%mul3A_45, %dma_wait3A_67] : memref<331776x128xf32, #tpu.memory_space<hbm>> -> memref<128x128xf32, #tpu.memory_space<hbm>>
        %dma_wait3A_69 = arith.constant 0 : i32
        %dma_wait3A_70 = tpu.memref_slice %arg4[%mul3A_45, %dma_wait3A_69] : memref<331776x128xf32, #tpu.memory_space<hbm>> -> memref<128x128xf32, #tpu.memory_space<hbm>>
        tpu.wait_dma2 semaphore(%run_scoped3A_62 : memref<!tpu.dma_semaphore, #tpu.memory_space<semaphore_mem>>) src(%dma_wait3A_70 : memref<128x128xf32, #tpu.memory_space<hbm>>) dst(%arg11 : memref<128x128xf32, #tpu.memory_space<vmem>>)
        tpu.yield
      }) : () -> ()
      %scan3A_46 = arith.constant 0 : i32
      %scan3A_47 = arith.constant 0 : i32
      %scan3A_48 = arith.constant 8 : i32
      %scan3A_49 = arith.addi %scan3A_47, %scan3A_48 : i32
      %scan3A_50 = arith.constant 1 : i32
      scf.for %scan3A_62 = %scan3A_47 to %scan3A_49 step %scan3A_50  : i32 {
        %mul3A_63 = arith.constant 16 : i32
        %mul3A_64 = arith.muli %scan3A_62, %mul3A_63 : i32
        %get3A = arith.index_cast %mul3A_64 : i32 to index
        %get3A_65 = tpu.vector_load %arg8[%get3A] {strides = array<i32>} : memref<128xi32, #tpu.memory_space<vmem>>, vector<16xi32>,
        %get3A_66 = vector.shape_cast %get3A_65 : vector<16xi32> to vector<16xi32>
        %add3A_67 = arith.constant 10112 : i32
        %add3A_68 = vector.broadcast %add3A_67 : i32 to vector<16xi32>
        %add3A_69 = arith.addi %get3A_66, %add3A_68 : vector<16xi32>
        %mul3A_70 = arith.constant 16 : i32
        %mul3A_71 = arith.muli %scan3A_62, %mul3A_70 : i32
        %swap3A = arith.index_cast %mul3A_71 : i32 to index
        %swap3A_72 = tpu.vector_load %arg9[%swap3A] {strides = array<i32>} : memref<128xi32, #tpu.memory_space<vmem>>, vector<16xi32>,
        %swap3A_73 = vector.shape_cast %swap3A_72 : vector<16xi32> to vector<16xi32>
        %swap3A_74 = vector.shape_cast %add3A_69 : vector<16xi32> to vector<16xi32>
        tpu.vector_store %arg9[%swap3A], %swap3A_74 {strides = array<i32>} : memref<128xi32, #tpu.memory_space<vmem>>, vector<16xi32>,
      }
      %scan3A_51 = arith.constant 8 : i32
      %dma_start3A = arith.constant 0 : i32
      %dma_start3A_52 = arith.constant 0 : i32
      %dma_start3A_53 = tpu.memref_slice %arg5[%dma_start3A, %dma_start3A_52] : memref<40448x128xf32, #tpu.memory_space<hbm>> -> memref<40448x128xf32, #tpu.memory_space<hbm>>
      tpu.enqueue_indirect_dma source(%dma_start3A_53 : memref<40448x128xf32, #tpu.memory_space<hbm>>) target(%arg12 : memref<128x128xf32, #tpu.memory_space<vmem>>) offsets(%arg9 : memref<128xi32, #tpu.memory_space<vmem>>) semaphore(%arg15 : memref<!tpu.dma_semaphore, #tpu.memory_space<semaphore_mem>>)
      %dma_wait3A = arith.constant 0 : i32
      %dma_wait3A_54 = arith.constant 0 : i32
      %dma_wait3A_55 = tpu.memref_slice %arg5[%dma_wait3A, %dma_wait3A_54] : memref<40448x128xf32, #tpu.memory_space<hbm>> -> memref<40448x128xf32, #tpu.memory_space<hbm>>
      tpu.wait_indirect_dma semaphore(%arg15 : memref<!tpu.dma_semaphore, #tpu.memory_space<semaphore_mem>>) src(%dma_wait3A_55 : memref<40448x128xf32, #tpu.memory_space<hbm>>) dst(%arg12 : memref<128x128xf32, #tpu.memory_space<vmem>>)
      %scan3A_56 = arith.constant 0 : i32
      %scan3A_57 = arith.constant 0 : i32
      %scan3A_58 = arith.constant 128 : i32
      %scan3A_59 = arith.addi %scan3A_57, %scan3A_58 : i32
      %scan3A_60 = arith.constant 1 : i32
      scf.for %scan3A_62 = %scan3A_57 to %scan3A_59 step %scan3A_60  : i32 {
        %get3A = arith.index_cast %scan3A_62 : i32 to index
        %get3A_63 = arith.constant 0 : index
        %get3A_64 = tpu.vector_load %arg11[%get3A, %get3A_63] {strides = array<i32>} : memref<128x128xf32, #tpu.memory_space<vmem>>, vector<1x16xf32>,
        %get3A_65 = vector.shape_cast %get3A_64 : vector<1x16xf32> to vector<16xf32>
        %slice3A = vector.extract_strided_slice %get3A_65 {offsets = [1], sizes = [1], strides = [1]} : vector<16xf32> to vector<1xf32>
        %squeeze3A = vector.extract %slice3A[0] : f32 from vector<1xf32>
        %get3A_66 = arith.index_cast %scan3A_62 : i32 to index
        %get3A_67 = arith.constant 0 : index
        %get3A_68 = tpu.vector_load %arg12[%get3A_66, %get3A_67] {strides = array<i32>} : memref<128x128xf32, #tpu.memory_space<vmem>>, vector<1x16xf32>,
        %get3A_69 = vector.shape_cast %get3A_68 : vector<1x16xf32> to vector<16xf32>
        %mul3A_70 = vector.broadcast %squeeze3A : f32 to vector<16xf32>
        %mul3A_71 = arith.mulf %get3A_69, %mul3A_70 : vector<16xf32>
        %swap3A = arith.index_cast %scan3A_62 : i32 to index
        %swap3A_72 = arith.constant 0 : index
        %swap3A_73 = tpu.vector_load %arg13[%swap3A, %swap3A_72] {strides = array<i32>} : memref<128x128xf32, #tpu.memory_space<vmem>>, vector<1x16xf32>,
        %swap3A_74 = vector.shape_cast %swap3A_73 : vector<1x16xf32> to vector<16xf32>
        %swap3A_75 = vector.shape_cast %mul3A_71 : vector<16xf32> to vector<1x16xf32>
        tpu.vector_store %arg13[%swap3A, %swap3A_72], %swap3A_75 {strides = array<i32>} : memref<128x128xf32, #tpu.memory_space<vmem>>, vector<1x16xf32>,
        %get3A_76 = arith.index_cast %scan3A_62 : i32 to index
        %get3A_77 = arith.constant 16 : index
        %get3A_78 = tpu.vector_load %arg12[%get3A_76, %get3A_77] {strides = array<i32>} : memref<128x128xf32, #tpu.memory_space<vmem>>, vector<1x16xf32>,
        %get3A_79 = vector.shape_cast %get3A_78 : vector<1x16xf32> to vector<16xf32>
        %mul3A_80 = vector.broadcast %squeeze3A : f32 to vector<16xf32>
        %mul3A_81 = arith.mulf %get3A_79, %mul3A_80 : vector<16xf32>
        %swap3A_82 = arith.index_cast %scan3A_62 : i32 to index
        %swap3A_83 = arith.constant 16 : index
        %swap3A_84 = tpu.vector_load %arg13[%swap3A_82, %swap3A_83] {strides = array<i32>} : memref<128x128xf32, #tpu.memory_space<vmem>>, vector<1x16xf32>,
        %swap3A_85 = vector.shape_cast %swap3A_84 : vector<1x16xf32> to vector<16xf32>
        %swap3A_86 = vector.shape_cast %mul3A_81 : vector<16xf32> to vector<1x16xf32>
        tpu.vector_store %arg13[%swap3A_82, %swap3A_83], %swap3A_86 {strides = array<i32>} : memref<128x128xf32, #tpu.memory_space<vmem>>, vector<1x16xf32>,
        %get3A_87 = arith.index_cast %scan3A_62 : i32 to index
        %get3A_88 = arith.constant 32 : index
        %get3A_89 = tpu.vector_load %arg12[%get3A_87, %get3A_88] {strides = array<i32>} : memref<128x128xf32, #tpu.memory_space<vmem>>, vector<1x16xf32>,
        %get3A_90 = vector.shape_cast %get3A_89 : vector<1x16xf32> to vector<16xf32>
        %mul3A_91 = vector.broadcast %squeeze3A : f32 to vector<16xf32>
        %mul3A_92 = arith.mulf %get3A_90, %mul3A_91 : vector<16xf32>
        %swap3A_93 = arith.index_cast %scan3A_62 : i32 to index
        %swap3A_94 = arith.constant 32 : index
        %swap3A_95 = tpu.vector_load %arg13[%swap3A_93, %swap3A_94] {strides = array<i32>} : memref<128x128xf32, #tpu.memory_space<vmem>>, vector<1x16xf32>,
        %swap3A_96 = vector.shape_cast %swap3A_95 : vector<1x16xf32> to vector<16xf32>
        %swap3A_97 = vector.shape_cast %mul3A_92 : vector<16xf32> to vector<1x16xf32>
        tpu.vector_store %arg13[%swap3A_93, %swap3A_94], %swap3A_97 {strides = array<i32>} : memref<128x128xf32, #tpu.memory_space<vmem>>, vector<1x16xf32>,
        %get3A_98 = arith.index_cast %scan3A_62 : i32 to index
        %get3A_99 = arith.constant 48 : index
        %get3A_100 = tpu.vector_load %arg12[%get3A_98, %get3A_99] {strides = array<i32>} : memref<128x128xf32, #tpu.memory_space<vmem>>, vector<1x16xf32>,
        %get3A_101 = vector.shape_cast %get3A_100 : vector<1x16xf32> to vector<16xf32>
        %mul3A_102 = vector.broadcast %squeeze3A : f32 to vector<16xf32>
        %mul3A_103 = arith.mulf %get3A_101, %mul3A_102 : vector<16xf32>
        %swap3A_104 = arith.index_cast %scan3A_62 : i32 to index
        %swap3A_105 = arith.constant 48 : index
        %swap3A_106 = tpu.vector_load %arg13[%swap3A_104, %swap3A_105] {strides = array<i32>} : memref<128x128xf32, #tpu.memory_space<vmem>>, vector<1x16xf32>,
        %swap3A_107 = vector.shape_cast %swap3A_106 : vector<1x16xf32> to vector<16xf32>
        %swap3A_108 = vector.shape_cast %mul3A_103 : vector<16xf32> to vector<1x16xf32>
        tpu.vector_store %arg13[%swap3A_104, %swap3A_105], %swap3A_108 {strides = array<i32>} : memref<128x128xf32, #tpu.memory_space<vmem>>, vector<1x16xf32>,
      }
      %scan3A_61 = arith.constant 128 : i32
      "tpu.region"() ({
        %run_scoped3A_62 = tpu.sem_alloc : memref<!tpu.dma_semaphore, #tpu.memory_space<semaphore_mem>>
        %dma_start3A_63 = arith.constant 0 : i32
        %dma_start3A_64 = arith.constant 0 : i32
        %dma_start3A_65 = tpu.memref_slice %arg14[%dma_start3A_63, %dma_start3A_64] : memref<10112x128xf32, #tpu.memory_space<vmem_shared>> -> memref<10112x128xf32, #tpu.memory_space<vmem_shared>>
        tpu.enqueue_indirect_dma source(%arg13 : memref<128x128xf32, #tpu.memory_space<vmem>>) target(%dma_start3A_65 : memref<10112x128xf32, #tpu.memory_space<vmem_shared>>) offsets(%arg10 : memref<128xi32, #tpu.memory_space<vmem>>) semaphore(%run_scoped3A_62 : memref<!tpu.dma_semaphore, #tpu.memory_space<semaphore_mem>>) {add = true}
        %dma_wait3A_66 = arith.constant 0 : i32
        %dma_wait3A_67 = arith.constant 0 : i32
        %dma_wait3A_68 = tpu.memref_slice %arg14[%dma_wait3A_66, %dma_wait3A_67] : memref<10112x128xf32, #tpu.memory_space<vmem_shared>> -> memref<10112x128xf32, #tpu.memory_space<vmem_shared>>
        tpu.wait_indirect_dma semaphore(%run_scoped3A_62 : memref<!tpu.dma_semaphore, #tpu.memory_space<semaphore_mem>>) src(%arg13 : memref<128x128xf32, #tpu.memory_space<vmem>>) dst(%dma_wait3A_68 : memref<10112x128xf32, #tpu.memory_space<vmem_shared>>)
        tpu.yield
      }) : () -> ()
    }
    %scan3A_16 = arith.constant 81 : i32
    %barrier3A_17 = arith.constant 0 : index
    tpu.barrier barrier_id(%barrier3A_17)
    %run_scoped3A_18 = arith.constant 1 : i32
    "tpu.region"() ({
      %run_scoped3A_40 = tpu.sem_alloc : memref<!tpu.dma_semaphore, #tpu.memory_space<semaphore_mem>>
      %dma_start3A = arith.constant 0 : i32
      %dma_start3A_41 = tpu.memref_slice %arg7[%run_scoped3A_18, %arg0, %mul3A_2, %dma_start3A] : memref<4x2x10112x128xf32, #tpu.memory_space<hbm>> -> memref<1x1x632x128xf32, #tpu.memory_space<hbm>>
      %dma_start3A_42 = tpu.memref_squeeze %dma_start3A_41 : memref<1x1x632x128xf32, #tpu.memory_space<hbm>> -> memref<632x128xf32, #tpu.memory_space<hbm>>
      %dma_start3A_43 = arith.constant 0 : i32
      %dma_start3A_44 = tpu.memref_slice %arg14[%mul3A_2, %dma_start3A_43] : memref<10112x128xf32, #tpu.memory_space<vmem_shared>> -> memref<632x128xf32, #tpu.memory_space<vmem_shared>>
      tpu.enqueue_dma source(%dma_start3A_44 : memref<632x128xf32, #tpu.memory_space<vmem_shared>>) target(%dma_start3A_42 : memref<632x128xf32, #tpu.memory_space<hbm>>) target_semaphore(%run_scoped3A_40 : memref<!tpu.dma_semaphore, #tpu.memory_space<semaphore_mem>>)
      %dma_wait3A = arith.constant 0 : i32
      %dma_wait3A_45 = tpu.memref_slice %arg7[%run_scoped3A_18, %arg0, %mul3A_2, %dma_wait3A] : memref<4x2x10112x128xf32, #tpu.memory_space<hbm>> -> memref<1x1x632x128xf32, #tpu.memory_space<hbm>>
      %dma_wait3A_46 = tpu.memref_squeeze %dma_wait3A_45 : memref<1x1x632x128xf32, #tpu.memory_space<hbm>> -> memref<632x128xf32, #tpu.memory_space<hbm>>
      %dma_wait3A_47 = arith.constant 0 : i32
      %dma_wait3A_48 = tpu.memref_slice %arg14[%mul3A_2, %dma_wait3A_47] : memref<10112x128xf32, #tpu.memory_space<vmem_shared>> -> memref<632x128xf32, #tpu.memory_space<vmem_shared>>
      tpu.wait_dma2 semaphore(%run_scoped3A_40 : memref<!tpu.dma_semaphore, #tpu.memory_space<semaphore_mem>>) src(%dma_wait3A_48 : memref<632x128xf32, #tpu.memory_space<vmem_shared>>) dst(%dma_wait3A_46 : memref<632x128xf32, #tpu.memory_space<hbm>>)
      tpu.yield
    }) : () -> ()
    %barrier3A_19 = arith.constant 0 : index
    tpu.barrier barrier_id(%barrier3A_19)
    "tpu.region"() ({
      %run_scoped3A_40 = tpu.sem_alloc : memref<!tpu.dma_semaphore, #tpu.memory_space<semaphore_mem>>
      %dma_start3A = arith.constant 0 : i32
      %dma_start3A_41 = tpu.memref_slice %arg14[%mul3A_2, %dma_start3A] : memref<10112x128xf32, #tpu.memory_space<vmem_shared>> -> memref<632x128xf32, #tpu.memory_space<vmem_shared>>
      %dma_start3A_42 = arith.constant 0 : i32
      %dma_start3A_43 = tpu.memref_slice %arg6[%mul3A_2, %dma_start3A_42] : memref<10112x128xf32, #tpu.memory_space<hbm>> -> memref<632x128xf32, #tpu.memory_space<hbm>>
      tpu.enqueue_dma source(%dma_start3A_43 : memref<632x128xf32, #tpu.memory_space<hbm>>) target(%dma_start3A_41 : memref<632x128xf32, #tpu.memory_space<vmem_shared>>) target_semaphore(%run_scoped3A_40 : memref<!tpu.dma_semaphore, #tpu.memory_space<semaphore_mem>>)
      %dma_wait3A = arith.constant 0 : i32
      %dma_wait3A_44 = tpu.memref_slice %arg14[%mul3A_2, %dma_wait3A] : memref<10112x128xf32, #tpu.memory_space<vmem_shared>> -> memref<632x128xf32, #tpu.memory_space<vmem_shared>>
      %dma_wait3A_45 = arith.constant 0 : i32
      %dma_wait3A_46 = tpu.memref_slice %arg6[%mul3A_2, %dma_wait3A_45] : memref<10112x128xf32, #tpu.memory_space<hbm>> -> memref<632x128xf32, #tpu.memory_space<hbm>>
      tpu.wait_dma2 semaphore(%run_scoped3A_40 : memref<!tpu.dma_semaphore, #tpu.memory_space<semaphore_mem>>) src(%dma_wait3A_46 : memref<632x128xf32, #tpu.memory_space<hbm>>) dst(%dma_wait3A_44 : memref<632x128xf32, #tpu.memory_space<vmem_shared>>)
      tpu.yield
    }) : () -> ()
    %barrier3A_20 = arith.constant 0 : index
    tpu.barrier barrier_id(%barrier3A_20)
    %scan3A_21 = arith.constant 0 : i32
    %scan3A_22 = arith.constant 0 : i32
    %scan3A_23 = arith.constant 81 : i32
    %scan3A_24 = arith.addi %scan3A_22, %scan3A_23 : i32
    %scan3A_25 = arith.constant 1 : i32
    scf.for %scan3A_40 = %scan3A_22 to %scan3A_24 step %scan3A_25  : i32 {
      %mul3A_41 = arith.constant 81 : i32
      %mul3A_42 = arith.muli %add3A, %mul3A_41 : i32
      %add3A_43 = arith.addi %mul3A_42, %scan3A_40 : i32
      %mul3A_44 = arith.constant 128 : i32
      %mul3A_45 = arith.muli %add3A_43, %mul3A_44 : i32
      "tpu.region"() ({
        %run_scoped3A_62 = tpu.sem_alloc : memref<!tpu.dma_semaphore, #tpu.memory_space<semaphore_mem>>
        %dma_start3A_63 = tpu.memref_slice %arg2[%mul3A_45] : memref<331776xi32, #tpu.memory_space<hbm>> -> memref<128xi32, #tpu.memory_space<hbm>>
        %dma_start3A_64 = tpu.memref_slice %arg2[%mul3A_45] : memref<331776xi32, #tpu.memory_space<hbm>> -> memref<128xi32, #tpu.memory_space<hbm>>
        tpu.enqueue_dma source(%dma_start3A_64 : memref<128xi32, #tpu.memory_space<hbm>>) target(%arg8 : memref<128xi32, #tpu.memory_space<vmem>>) target_semaphore(%run_scoped3A_62 : memref<!tpu.dma_semaphore, #tpu.memory_space<semaphore_mem>>)
        %dma_wait3A_65 = tpu.memref_slice %arg2[%mul3A_45] : memref<331776xi32, #tpu.memory_space<hbm>> -> memref<128xi32, #tpu.memory_space<hbm>>
        %dma_wait3A_66 = tpu.memref_slice %arg2[%mul3A_45] : memref<331776xi32, #tpu.memory_space<hbm>> -> memref<128xi32, #tpu.memory_space<hbm>>
        tpu.wait_dma2 semaphore(%run_scoped3A_62 : memref<!tpu.dma_semaphore, #tpu.memory_space<semaphore_mem>>) src(%dma_wait3A_66 : memref<128xi32, #tpu.memory_space<hbm>>) dst(%arg8 : memref<128xi32, #tpu.memory_space<vmem>>)
        tpu.yield
      }) : () -> ()
      "tpu.region"() ({
        %run_scoped3A_62 = tpu.sem_alloc : memref<!tpu.dma_semaphore, #tpu.memory_space<semaphore_mem>>
        %dma_start3A_63 = tpu.memref_slice %arg3[%mul3A_45] : memref<331776xi32, #tpu.memory_space<hbm>> -> memref<128xi32, #tpu.memory_space<hbm>>
        %dma_start3A_64 = tpu.memref_slice %arg3[%mul3A_45] : memref<331776xi32, #tpu.memory_space<hbm>> -> memref<128xi32, #tpu.memory_space<hbm>>
        tpu.enqueue_dma source(%dma_start3A_64 : memref<128xi32, #tpu.memory_space<hbm>>) target(%arg10 : memref<128xi32, #tpu.memory_space<vmem>>) target_semaphore(%run_scoped3A_62 : memref<!tpu.dma_semaphore, #tpu.memory_space<semaphore_mem>>)
        %dma_wait3A_65 = tpu.memref_slice %arg3[%mul3A_45] : memref<331776xi32, #tpu.memory_space<hbm>> -> memref<128xi32, #tpu.memory_space<hbm>>
        %dma_wait3A_66 = tpu.memref_slice %arg3[%mul3A_45] : memref<331776xi32, #tpu.memory_space<hbm>> -> memref<128xi32, #tpu.memory_space<hbm>>
        tpu.wait_dma2 semaphore(%run_scoped3A_62 : memref<!tpu.dma_semaphore, #tpu.memory_space<semaphore_mem>>) src(%dma_wait3A_66 : memref<128xi32, #tpu.memory_space<hbm>>) dst(%arg10 : memref<128xi32, #tpu.memory_space<vmem>>)
        tpu.yield
      }) : () -> ()
      "tpu.region"() ({
        %run_scoped3A_62 = tpu.sem_alloc : memref<!tpu.dma_semaphore, #tpu.memory_space<semaphore_mem>>
        %dma_start3A_63 = arith.constant 0 : i32
        %dma_start3A_64 = tpu.memref_slice %arg4[%mul3A_45, %dma_start3A_63] : memref<331776x128xf32, #tpu.memory_space<hbm>> -> memref<128x128xf32, #tpu.memory_space<hbm>>
        %dma_start3A_65 = arith.constant 0 : i32
        %dma_start3A_66 = tpu.memref_slice %arg4[%mul3A_45, %dma_start3A_65] : memref<331776x128xf32, #tpu.memory_space<hbm>> -> memref<128x128xf32, #tpu.memory_space<hbm>>
        tpu.enqueue_dma source(%dma_start3A_66 : memref<128x128xf32, #tpu.memory_space<hbm>>) target(%arg11 : memref<128x128xf32, #tpu.memory_space<vmem>>) target_semaphore(%run_scoped3A_62 : memref<!tpu.dma_semaphore, #tpu.memory_space<semaphore_mem>>)
        %dma_wait3A_67 = arith.constant 0 : i32
        %dma_wait3A_68 = tpu.memref_slice %arg4[%mul3A_45, %dma_wait3A_67] : memref<331776x128xf32, #tpu.memory_space<hbm>> -> memref<128x128xf32, #tpu.memory_space<hbm>>
        %dma_wait3A_69 = arith.constant 0 : i32
        %dma_wait3A_70 = tpu.memref_slice %arg4[%mul3A_45, %dma_wait3A_69] : memref<331776x128xf32, #tpu.memory_space<hbm>> -> memref<128x128xf32, #tpu.memory_space<hbm>>
        tpu.wait_dma2 semaphore(%run_scoped3A_62 : memref<!tpu.dma_semaphore, #tpu.memory_space<semaphore_mem>>) src(%dma_wait3A_70 : memref<128x128xf32, #tpu.memory_space<hbm>>) dst(%arg11 : memref<128x128xf32, #tpu.memory_space<vmem>>)
        tpu.yield
      }) : () -> ()
      %scan3A_46 = arith.constant 0 : i32
      %scan3A_47 = arith.constant 0 : i32
      %scan3A_48 = arith.constant 8 : i32
      %scan3A_49 = arith.addi %scan3A_47, %scan3A_48 : i32
      %scan3A_50 = arith.constant 1 : i32
      scf.for %scan3A_62 = %scan3A_47 to %scan3A_49 step %scan3A_50  : i32 {
        %mul3A_63 = arith.constant 16 : i32
        %mul3A_64 = arith.muli %scan3A_62, %mul3A_63 : i32
        %get3A = arith.index_cast %mul3A_64 : i32 to index
        %get3A_65 = tpu.vector_load %arg8[%get3A] {strides = array<i32>} : memref<128xi32, #tpu.memory_space<vmem>>, vector<16xi32>,
        %get3A_66 = vector.shape_cast %get3A_65 : vector<16xi32> to vector<16xi32>
        %add3A_67 = arith.constant 20224 : i32
        %add3A_68 = vector.broadcast %add3A_67 : i32 to vector<16xi32>
        %add3A_69 = arith.addi %get3A_66, %add3A_68 : vector<16xi32>
        %mul3A_70 = arith.constant 16 : i32
        %mul3A_71 = arith.muli %scan3A_62, %mul3A_70 : i32
        %swap3A = arith.index_cast %mul3A_71 : i32 to index
        %swap3A_72 = tpu.vector_load %arg9[%swap3A] {strides = array<i32>} : memref<128xi32, #tpu.memory_space<vmem>>, vector<16xi32>,
        %swap3A_73 = vector.shape_cast %swap3A_72 : vector<16xi32> to vector<16xi32>
        %swap3A_74 = vector.shape_cast %add3A_69 : vector<16xi32> to vector<16xi32>
        tpu.vector_store %arg9[%swap3A], %swap3A_74 {strides = array<i32>} : memref<128xi32, #tpu.memory_space<vmem>>, vector<16xi32>,
      }
      %scan3A_51 = arith.constant 8 : i32
      %dma_start3A = arith.constant 0 : i32
      %dma_start3A_52 = arith.constant 0 : i32
      %dma_start3A_53 = tpu.memref_slice %arg5[%dma_start3A, %dma_start3A_52] : memref<40448x128xf32, #tpu.memory_space<hbm>> -> memref<40448x128xf32, #tpu.memory_space<hbm>>
      tpu.enqueue_indirect_dma source(%dma_start3A_53 : memref<40448x128xf32, #tpu.memory_space<hbm>>) target(%arg12 : memref<128x128xf32, #tpu.memory_space<vmem>>) offsets(%arg9 : memref<128xi32, #tpu.memory_space<vmem>>) semaphore(%arg15 : memref<!tpu.dma_semaphore, #tpu.memory_space<semaphore_mem>>)
      %dma_wait3A = arith.constant 0 : i32
      %dma_wait3A_54 = arith.constant 0 : i32
      %dma_wait3A_55 = tpu.memref_slice %arg5[%dma_wait3A, %dma_wait3A_54] : memref<40448x128xf32, #tpu.memory_space<hbm>> -> memref<40448x128xf32, #tpu.memory_space<hbm>>
      tpu.wait_indirect_dma semaphore(%arg15 : memref<!tpu.dma_semaphore, #tpu.memory_space<semaphore_mem>>) src(%dma_wait3A_55 : memref<40448x128xf32, #tpu.memory_space<hbm>>) dst(%arg12 : memref<128x128xf32, #tpu.memory_space<vmem>>)
      %scan3A_56 = arith.constant 0 : i32
      %scan3A_57 = arith.constant 0 : i32
      %scan3A_58 = arith.constant 128 : i32
      %scan3A_59 = arith.addi %scan3A_57, %scan3A_58 : i32
      %scan3A_60 = arith.constant 1 : i32
      scf.for %scan3A_62 = %scan3A_57 to %scan3A_59 step %scan3A_60  : i32 {
        %get3A = arith.index_cast %scan3A_62 : i32 to index
        %get3A_63 = arith.constant 0 : index
        %get3A_64 = tpu.vector_load %arg11[%get3A, %get3A_63] {strides = array<i32>} : memref<128x128xf32, #tpu.memory_space<vmem>>, vector<1x16xf32>,
        %get3A_65 = vector.shape_cast %get3A_64 : vector<1x16xf32> to vector<16xf32>
        %slice3A = vector.extract_strided_slice %get3A_65 {offsets = [2], sizes = [1], strides = [1]} : vector<16xf32> to vector<1xf32>
        %squeeze3A = vector.extract %slice3A[0] : f32 from vector<1xf32>
        %get3A_66 = arith.index_cast %scan3A_62 : i32 to index
        %get3A_67 = arith.constant 0 : index
        %get3A_68 = tpu.vector_load %arg12[%get3A_66, %get3A_67] {strides = array<i32>} : memref<128x128xf32, #tpu.memory_space<vmem>>, vector<1x16xf32>,
        %get3A_69 = vector.shape_cast %get3A_68 : vector<1x16xf32> to vector<16xf32>
        %mul3A_70 = vector.broadcast %squeeze3A : f32 to vector<16xf32>
        %mul3A_71 = arith.mulf %get3A_69, %mul3A_70 : vector<16xf32>
        %swap3A = arith.index_cast %scan3A_62 : i32 to index
        %swap3A_72 = arith.constant 0 : index
        %swap3A_73 = tpu.vector_load %arg13[%swap3A, %swap3A_72] {strides = array<i32>} : memref<128x128xf32, #tpu.memory_space<vmem>>, vector<1x16xf32>,
        %swap3A_74 = vector.shape_cast %swap3A_73 : vector<1x16xf32> to vector<16xf32>
        %swap3A_75 = vector.shape_cast %mul3A_71 : vector<16xf32> to vector<1x16xf32>
        tpu.vector_store %arg13[%swap3A, %swap3A_72], %swap3A_75 {strides = array<i32>} : memref<128x128xf32, #tpu.memory_space<vmem>>, vector<1x16xf32>,
        %get3A_76 = arith.index_cast %scan3A_62 : i32 to index
        %get3A_77 = arith.constant 16 : index
        %get3A_78 = tpu.vector_load %arg12[%get3A_76, %get3A_77] {strides = array<i32>} : memref<128x128xf32, #tpu.memory_space<vmem>>, vector<1x16xf32>,
        %get3A_79 = vector.shape_cast %get3A_78 : vector<1x16xf32> to vector<16xf32>
        %mul3A_80 = vector.broadcast %squeeze3A : f32 to vector<16xf32>
        %mul3A_81 = arith.mulf %get3A_79, %mul3A_80 : vector<16xf32>
        %swap3A_82 = arith.index_cast %scan3A_62 : i32 to index
        %swap3A_83 = arith.constant 16 : index
        %swap3A_84 = tpu.vector_load %arg13[%swap3A_82, %swap3A_83] {strides = array<i32>} : memref<128x128xf32, #tpu.memory_space<vmem>>, vector<1x16xf32>,
        %swap3A_85 = vector.shape_cast %swap3A_84 : vector<1x16xf32> to vector<16xf32>
        %swap3A_86 = vector.shape_cast %mul3A_81 : vector<16xf32> to vector<1x16xf32>
        tpu.vector_store %arg13[%swap3A_82, %swap3A_83], %swap3A_86 {strides = array<i32>} : memref<128x128xf32, #tpu.memory_space<vmem>>, vector<1x16xf32>,
        %get3A_87 = arith.index_cast %scan3A_62 : i32 to index
        %get3A_88 = arith.constant 32 : index
        %get3A_89 = tpu.vector_load %arg12[%get3A_87, %get3A_88] {strides = array<i32>} : memref<128x128xf32, #tpu.memory_space<vmem>>, vector<1x16xf32>,
        %get3A_90 = vector.shape_cast %get3A_89 : vector<1x16xf32> to vector<16xf32>
        %mul3A_91 = vector.broadcast %squeeze3A : f32 to vector<16xf32>
        %mul3A_92 = arith.mulf %get3A_90, %mul3A_91 : vector<16xf32>
        %swap3A_93 = arith.index_cast %scan3A_62 : i32 to index
        %swap3A_94 = arith.constant 32 : index
        %swap3A_95 = tpu.vector_load %arg13[%swap3A_93, %swap3A_94] {strides = array<i32>} : memref<128x128xf32, #tpu.memory_space<vmem>>, vector<1x16xf32>,
        %swap3A_96 = vector.shape_cast %swap3A_95 : vector<1x16xf32> to vector<16xf32>
        %swap3A_97 = vector.shape_cast %mul3A_92 : vector<16xf32> to vector<1x16xf32>
        tpu.vector_store %arg13[%swap3A_93, %swap3A_94], %swap3A_97 {strides = array<i32>} : memref<128x128xf32, #tpu.memory_space<vmem>>, vector<1x16xf32>,
        %get3A_98 = arith.index_cast %scan3A_62 : i32 to index
        %get3A_99 = arith.constant 48 : index
        %get3A_100 = tpu.vector_load %arg12[%get3A_98, %get3A_99] {strides = array<i32>} : memref<128x128xf32, #tpu.memory_space<vmem>>, vector<1x16xf32>,
        %get3A_101 = vector.shape_cast %get3A_100 : vector<1x16xf32> to vector<16xf32>
        %mul3A_102 = vector.broadcast %squeeze3A : f32 to vector<16xf32>
        %mul3A_103 = arith.mulf %get3A_101, %mul3A_102 : vector<16xf32>
        %swap3A_104 = arith.index_cast %scan3A_62 : i32 to index
        %swap3A_105 = arith.constant 48 : index
        %swap3A_106 = tpu.vector_load %arg13[%swap3A_104, %swap3A_105] {strides = array<i32>} : memref<128x128xf32, #tpu.memory_space<vmem>>, vector<1x16xf32>,
        %swap3A_107 = vector.shape_cast %swap3A_106 : vector<1x16xf32> to vector<16xf32>
        %swap3A_108 = vector.shape_cast %mul3A_103 : vector<16xf32> to vector<1x16xf32>
        tpu.vector_store %arg13[%swap3A_104, %swap3A_105], %swap3A_108 {strides = array<i32>} : memref<128x128xf32, #tpu.memory_space<vmem>>, vector<1x16xf32>,
      }
      %scan3A_61 = arith.constant 128 : i32
      "tpu.region"() ({
        %run_scoped3A_62 = tpu.sem_alloc : memref<!tpu.dma_semaphore, #tpu.memory_space<semaphore_mem>>
        %dma_start3A_63 = arith.constant 0 : i32
        %dma_start3A_64 = arith.constant 0 : i32
        %dma_start3A_65 = tpu.memref_slice %arg14[%dma_start3A_63, %dma_start3A_64] : memref<10112x128xf32, #tpu.memory_space<vmem_shared>> -> memref<10112x128xf32, #tpu.memory_space<vmem_shared>>
        tpu.enqueue_indirect_dma source(%arg13 : memref<128x128xf32, #tpu.memory_space<vmem>>) target(%dma_start3A_65 : memref<10112x128xf32, #tpu.memory_space<vmem_shared>>) offsets(%arg10 : memref<128xi32, #tpu.memory_space<vmem>>) semaphore(%run_scoped3A_62 : memref<!tpu.dma_semaphore, #tpu.memory_space<semaphore_mem>>) {add = true}
        %dma_wait3A_66 = arith.constant 0 : i32
        %dma_wait3A_67 = arith.constant 0 : i32
        %dma_wait3A_68 = tpu.memref_slice %arg14[%dma_wait3A_66, %dma_wait3A_67] : memref<10112x128xf32, #tpu.memory_space<vmem_shared>> -> memref<10112x128xf32, #tpu.memory_space<vmem_shared>>
        tpu.wait_indirect_dma semaphore(%run_scoped3A_62 : memref<!tpu.dma_semaphore, #tpu.memory_space<semaphore_mem>>) src(%arg13 : memref<128x128xf32, #tpu.memory_space<vmem>>) dst(%dma_wait3A_68 : memref<10112x128xf32, #tpu.memory_space<vmem_shared>>)
        tpu.yield
      }) : () -> ()
    }
    %scan3A_26 = arith.constant 81 : i32
    %barrier3A_27 = arith.constant 0 : index
    tpu.barrier barrier_id(%barrier3A_27)
    %run_scoped3A_28 = arith.constant 2 : i32
    "tpu.region"() ({
      %run_scoped3A_40 = tpu.sem_alloc : memref<!tpu.dma_semaphore, #tpu.memory_space<semaphore_mem>>
      %dma_start3A = arith.constant 0 : i32
      %dma_start3A_41 = tpu.memref_slice %arg7[%run_scoped3A_28, %arg0, %mul3A_2, %dma_start3A] : memref<4x2x10112x128xf32, #tpu.memory_space<hbm>> -> memref<1x1x632x128xf32, #tpu.memory_space<hbm>>
      %dma_start3A_42 = tpu.memref_squeeze %dma_start3A_41 : memref<1x1x632x128xf32, #tpu.memory_space<hbm>> -> memref<632x128xf32, #tpu.memory_space<hbm>>
      %dma_start3A_43 = arith.constant 0 : i32
      %dma_start3A_44 = tpu.memref_slice %arg14[%mul3A_2, %dma_start3A_43] : memref<10112x128xf32, #tpu.memory_space<vmem_shared>> -> memref<632x128xf32, #tpu.memory_space<vmem_shared>>
      tpu.enqueue_dma source(%dma_start3A_44 : memref<632x128xf32, #tpu.memory_space<vmem_shared>>) target(%dma_start3A_42 : memref<632x128xf32, #tpu.memory_space<hbm>>) target_semaphore(%run_scoped3A_40 : memref<!tpu.dma_semaphore, #tpu.memory_space<semaphore_mem>>)
      %dma_wait3A = arith.constant 0 : i32
      %dma_wait3A_45 = tpu.memref_slice %arg7[%run_scoped3A_28, %arg0, %mul3A_2, %dma_wait3A] : memref<4x2x10112x128xf32, #tpu.memory_space<hbm>> -> memref<1x1x632x128xf32, #tpu.memory_space<hbm>>
      %dma_wait3A_46 = tpu.memref_squeeze %dma_wait3A_45 : memref<1x1x632x128xf32, #tpu.memory_space<hbm>> -> memref<632x128xf32, #tpu.memory_space<hbm>>
      %dma_wait3A_47 = arith.constant 0 : i32
      %dma_wait3A_48 = tpu.memref_slice %arg14[%mul3A_2, %dma_wait3A_47] : memref<10112x128xf32, #tpu.memory_space<vmem_shared>> -> memref<632x128xf32, #tpu.memory_space<vmem_shared>>
      tpu.wait_dma2 semaphore(%run_scoped3A_40 : memref<!tpu.dma_semaphore, #tpu.memory_space<semaphore_mem>>) src(%dma_wait3A_48 : memref<632x128xf32, #tpu.memory_space<vmem_shared>>) dst(%dma_wait3A_46 : memref<632x128xf32, #tpu.memory_space<hbm>>)
      tpu.yield
    }) : () -> ()
    %barrier3A_29 = arith.constant 0 : index
    tpu.barrier barrier_id(%barrier3A_29)
    "tpu.region"() ({
      %run_scoped3A_40 = tpu.sem_alloc : memref<!tpu.dma_semaphore, #tpu.memory_space<semaphore_mem>>
      %dma_start3A = arith.constant 0 : i32
      %dma_start3A_41 = tpu.memref_slice %arg14[%mul3A_2, %dma_start3A] : memref<10112x128xf32, #tpu.memory_space<vmem_shared>> -> memref<632x128xf32, #tpu.memory_space<vmem_shared>>
      %dma_start3A_42 = arith.constant 0 : i32
      %dma_start3A_43 = tpu.memref_slice %arg6[%mul3A_2, %dma_start3A_42] : memref<10112x128xf32, #tpu.memory_space<hbm>> -> memref<632x128xf32, #tpu.memory_space<hbm>>
      tpu.enqueue_dma source(%dma_start3A_43 : memref<632x128xf32, #tpu.memory_space<hbm>>) target(%dma_start3A_41 : memref<632x128xf32, #tpu.memory_space<vmem_shared>>) target_semaphore(%run_scoped3A_40 : memref<!tpu.dma_semaphore, #tpu.memory_space<semaphore_mem>>)
      %dma_wait3A = arith.constant 0 : i32
      %dma_wait3A_44 = tpu.memref_slice %arg14[%mul3A_2, %dma_wait3A] : memref<10112x128xf32, #tpu.memory_space<vmem_shared>> -> memref<632x128xf32, #tpu.memory_space<vmem_shared>>
      %dma_wait3A_45 = arith.constant 0 : i32
      %dma_wait3A_46 = tpu.memref_slice %arg6[%mul3A_2, %dma_wait3A_45] : memref<10112x128xf32, #tpu.memory_space<hbm>> -> memref<632x128xf32, #tpu.memory_space<hbm>>
      tpu.wait_dma2 semaphore(%run_scoped3A_40 : memref<!tpu.dma_semaphore, #tpu.memory_space<semaphore_mem>>) src(%dma_wait3A_46 : memref<632x128xf32, #tpu.memory_space<hbm>>) dst(%dma_wait3A_44 : memref<632x128xf32, #tpu.memory_space<vmem_shared>>)
      tpu.yield
    }) : () -> ()
    %barrier3A_30 = arith.constant 0 : index
    tpu.barrier barrier_id(%barrier3A_30)
    %scan3A_31 = arith.constant 0 : i32
    %scan3A_32 = arith.constant 0 : i32
    %scan3A_33 = arith.constant 81 : i32
    %scan3A_34 = arith.addi %scan3A_32, %scan3A_33 : i32
    %scan3A_35 = arith.constant 1 : i32
    scf.for %scan3A_40 = %scan3A_32 to %scan3A_34 step %scan3A_35  : i32 {
      %mul3A_41 = arith.constant 81 : i32
      %mul3A_42 = arith.muli %add3A, %mul3A_41 : i32
      %add3A_43 = arith.addi %mul3A_42, %scan3A_40 : i32
      %mul3A_44 = arith.constant 128 : i32
      %mul3A_45 = arith.muli %add3A_43, %mul3A_44 : i32
      "tpu.region"() ({
        %run_scoped3A_62 = tpu.sem_alloc : memref<!tpu.dma_semaphore, #tpu.memory_space<semaphore_mem>>
        %dma_start3A_63 = tpu.memref_slice %arg2[%mul3A_45] : memref<331776xi32, #tpu.memory_space<hbm>> -> memref<128xi32, #tpu.memory_space<hbm>>
        %dma_start3A_64 = tpu.memref_slice %arg2[%mul3A_45] : memref<331776xi32, #tpu.memory_space<hbm>> -> memref<128xi32, #tpu.memory_space<hbm>>
        tpu.enqueue_dma source(%dma_start3A_64 : memref<128xi32, #tpu.memory_space<hbm>>) target(%arg8 : memref<128xi32, #tpu.memory_space<vmem>>) target_semaphore(%run_scoped3A_62 : memref<!tpu.dma_semaphore, #tpu.memory_space<semaphore_mem>>)
        %dma_wait3A_65 = tpu.memref_slice %arg2[%mul3A_45] : memref<331776xi32, #tpu.memory_space<hbm>> -> memref<128xi32, #tpu.memory_space<hbm>>
        %dma_wait3A_66 = tpu.memref_slice %arg2[%mul3A_45] : memref<331776xi32, #tpu.memory_space<hbm>> -> memref<128xi32, #tpu.memory_space<hbm>>
        tpu.wait_dma2 semaphore(%run_scoped3A_62 : memref<!tpu.dma_semaphore, #tpu.memory_space<semaphore_mem>>) src(%dma_wait3A_66 : memref<128xi32, #tpu.memory_space<hbm>>) dst(%arg8 : memref<128xi32, #tpu.memory_space<vmem>>)
        tpu.yield
      }) : () -> ()
      "tpu.region"() ({
        %run_scoped3A_62 = tpu.sem_alloc : memref<!tpu.dma_semaphore, #tpu.memory_space<semaphore_mem>>
        %dma_start3A_63 = tpu.memref_slice %arg3[%mul3A_45] : memref<331776xi32, #tpu.memory_space<hbm>> -> memref<128xi32, #tpu.memory_space<hbm>>
        %dma_start3A_64 = tpu.memref_slice %arg3[%mul3A_45] : memref<331776xi32, #tpu.memory_space<hbm>> -> memref<128xi32, #tpu.memory_space<hbm>>
        tpu.enqueue_dma source(%dma_start3A_64 : memref<128xi32, #tpu.memory_space<hbm>>) target(%arg10 : memref<128xi32, #tpu.memory_space<vmem>>) target_semaphore(%run_scoped3A_62 : memref<!tpu.dma_semaphore, #tpu.memory_space<semaphore_mem>>)
        %dma_wait3A_65 = tpu.memref_slice %arg3[%mul3A_45] : memref<331776xi32, #tpu.memory_space<hbm>> -> memref<128xi32, #tpu.memory_space<hbm>>
        %dma_wait3A_66 = tpu.memref_slice %arg3[%mul3A_45] : memref<331776xi32, #tpu.memory_space<hbm>> -> memref<128xi32, #tpu.memory_space<hbm>>
        tpu.wait_dma2 semaphore(%run_scoped3A_62 : memref<!tpu.dma_semaphore, #tpu.memory_space<semaphore_mem>>) src(%dma_wait3A_66 : memref<128xi32, #tpu.memory_space<hbm>>) dst(%arg10 : memref<128xi32, #tpu.memory_space<vmem>>)
        tpu.yield
      }) : () -> ()
      "tpu.region"() ({
        %run_scoped3A_62 = tpu.sem_alloc : memref<!tpu.dma_semaphore, #tpu.memory_space<semaphore_mem>>
        %dma_start3A_63 = arith.constant 0 : i32
        %dma_start3A_64 = tpu.memref_slice %arg4[%mul3A_45, %dma_start3A_63] : memref<331776x128xf32, #tpu.memory_space<hbm>> -> memref<128x128xf32, #tpu.memory_space<hbm>>
        %dma_start3A_65 = arith.constant 0 : i32
        %dma_start3A_66 = tpu.memref_slice %arg4[%mul3A_45, %dma_start3A_65] : memref<331776x128xf32, #tpu.memory_space<hbm>> -> memref<128x128xf32, #tpu.memory_space<hbm>>
        tpu.enqueue_dma source(%dma_start3A_66 : memref<128x128xf32, #tpu.memory_space<hbm>>) target(%arg11 : memref<128x128xf32, #tpu.memory_space<vmem>>) target_semaphore(%run_scoped3A_62 : memref<!tpu.dma_semaphore, #tpu.memory_space<semaphore_mem>>)
        %dma_wait3A_67 = arith.constant 0 : i32
        %dma_wait3A_68 = tpu.memref_slice %arg4[%mul3A_45, %dma_wait3A_67] : memref<331776x128xf32, #tpu.memory_space<hbm>> -> memref<128x128xf32, #tpu.memory_space<hbm>>
        %dma_wait3A_69 = arith.constant 0 : i32
        %dma_wait3A_70 = tpu.memref_slice %arg4[%mul3A_45, %dma_wait3A_69] : memref<331776x128xf32, #tpu.memory_space<hbm>> -> memref<128x128xf32, #tpu.memory_space<hbm>>
        tpu.wait_dma2 semaphore(%run_scoped3A_62 : memref<!tpu.dma_semaphore, #tpu.memory_space<semaphore_mem>>) src(%dma_wait3A_70 : memref<128x128xf32, #tpu.memory_space<hbm>>) dst(%arg11 : memref<128x128xf32, #tpu.memory_space<vmem>>)
        tpu.yield
      }) : () -> ()
      %scan3A_46 = arith.constant 0 : i32
      %scan3A_47 = arith.constant 0 : i32
      %scan3A_48 = arith.constant 8 : i32
      %scan3A_49 = arith.addi %scan3A_47, %scan3A_48 : i32
      %scan3A_50 = arith.constant 1 : i32
      scf.for %scan3A_62 = %scan3A_47 to %scan3A_49 step %scan3A_50  : i32 {
        %mul3A_63 = arith.constant 16 : i32
        %mul3A_64 = arith.muli %scan3A_62, %mul3A_63 : i32
        %get3A = arith.index_cast %mul3A_64 : i32 to index
        %get3A_65 = tpu.vector_load %arg8[%get3A] {strides = array<i32>} : memref<128xi32, #tpu.memory_space<vmem>>, vector<16xi32>,
        %get3A_66 = vector.shape_cast %get3A_65 : vector<16xi32> to vector<16xi32>
        %add3A_67 = arith.constant 30336 : i32
        %add3A_68 = vector.broadcast %add3A_67 : i32 to vector<16xi32>
        %add3A_69 = arith.addi %get3A_66, %add3A_68 : vector<16xi32>
        %mul3A_70 = arith.constant 16 : i32
        %mul3A_71 = arith.muli %scan3A_62, %mul3A_70 : i32
        %swap3A = arith.index_cast %mul3A_71 : i32 to index
        %swap3A_72 = tpu.vector_load %arg9[%swap3A] {strides = array<i32>} : memref<128xi32, #tpu.memory_space<vmem>>, vector<16xi32>,
        %swap3A_73 = vector.shape_cast %swap3A_72 : vector<16xi32> to vector<16xi32>
        %swap3A_74 = vector.shape_cast %add3A_69 : vector<16xi32> to vector<16xi32>
        tpu.vector_store %arg9[%swap3A], %swap3A_74 {strides = array<i32>} : memref<128xi32, #tpu.memory_space<vmem>>, vector<16xi32>,
      }
      %scan3A_51 = arith.constant 8 : i32
      %dma_start3A = arith.constant 0 : i32
      %dma_start3A_52 = arith.constant 0 : i32
      %dma_start3A_53 = tpu.memref_slice %arg5[%dma_start3A, %dma_start3A_52] : memref<40448x128xf32, #tpu.memory_space<hbm>> -> memref<40448x128xf32, #tpu.memory_space<hbm>>
      tpu.enqueue_indirect_dma source(%dma_start3A_53 : memref<40448x128xf32, #tpu.memory_space<hbm>>) target(%arg12 : memref<128x128xf32, #tpu.memory_space<vmem>>) offsets(%arg9 : memref<128xi32, #tpu.memory_space<vmem>>) semaphore(%arg15 : memref<!tpu.dma_semaphore, #tpu.memory_space<semaphore_mem>>)
      %dma_wait3A = arith.constant 0 : i32
      %dma_wait3A_54 = arith.constant 0 : i32
      %dma_wait3A_55 = tpu.memref_slice %arg5[%dma_wait3A, %dma_wait3A_54] : memref<40448x128xf32, #tpu.memory_space<hbm>> -> memref<40448x128xf32, #tpu.memory_space<hbm>>
      tpu.wait_indirect_dma semaphore(%arg15 : memref<!tpu.dma_semaphore, #tpu.memory_space<semaphore_mem>>) src(%dma_wait3A_55 : memref<40448x128xf32, #tpu.memory_space<hbm>>) dst(%arg12 : memref<128x128xf32, #tpu.memory_space<vmem>>)
      %scan3A_56 = arith.constant 0 : i32
      %scan3A_57 = arith.constant 0 : i32
      %scan3A_58 = arith.constant 128 : i32
      %scan3A_59 = arith.addi %scan3A_57, %scan3A_58 : i32
      %scan3A_60 = arith.constant 1 : i32
      scf.for %scan3A_62 = %scan3A_57 to %scan3A_59 step %scan3A_60  : i32 {
        %get3A = arith.index_cast %scan3A_62 : i32 to index
        %get3A_63 = arith.constant 0 : index
        %get3A_64 = tpu.vector_load %arg11[%get3A, %get3A_63] {strides = array<i32>} : memref<128x128xf32, #tpu.memory_space<vmem>>, vector<1x16xf32>,
        %get3A_65 = vector.shape_cast %get3A_64 : vector<1x16xf32> to vector<16xf32>
        %slice3A = vector.extract_strided_slice %get3A_65 {offsets = [3], sizes = [1], strides = [1]} : vector<16xf32> to vector<1xf32>
        %squeeze3A = vector.extract %slice3A[0] : f32 from vector<1xf32>
        %get3A_66 = arith.index_cast %scan3A_62 : i32 to index
        %get3A_67 = arith.constant 0 : index
        %get3A_68 = tpu.vector_load %arg12[%get3A_66, %get3A_67] {strides = array<i32>} : memref<128x128xf32, #tpu.memory_space<vmem>>, vector<1x16xf32>,
        %get3A_69 = vector.shape_cast %get3A_68 : vector<1x16xf32> to vector<16xf32>
        %mul3A_70 = vector.broadcast %squeeze3A : f32 to vector<16xf32>
        %mul3A_71 = arith.mulf %get3A_69, %mul3A_70 : vector<16xf32>
        %swap3A = arith.index_cast %scan3A_62 : i32 to index
        %swap3A_72 = arith.constant 0 : index
        %swap3A_73 = tpu.vector_load %arg13[%swap3A, %swap3A_72] {strides = array<i32>} : memref<128x128xf32, #tpu.memory_space<vmem>>, vector<1x16xf32>,
        %swap3A_74 = vector.shape_cast %swap3A_73 : vector<1x16xf32> to vector<16xf32>
        %swap3A_75 = vector.shape_cast %mul3A_71 : vector<16xf32> to vector<1x16xf32>
        tpu.vector_store %arg13[%swap3A, %swap3A_72], %swap3A_75 {strides = array<i32>} : memref<128x128xf32, #tpu.memory_space<vmem>>, vector<1x16xf32>,
        %get3A_76 = arith.index_cast %scan3A_62 : i32 to index
        %get3A_77 = arith.constant 16 : index
        %get3A_78 = tpu.vector_load %arg12[%get3A_76, %get3A_77] {strides = array<i32>} : memref<128x128xf32, #tpu.memory_space<vmem>>, vector<1x16xf32>,
        %get3A_79 = vector.shape_cast %get3A_78 : vector<1x16xf32> to vector<16xf32>
        %mul3A_80 = vector.broadcast %squeeze3A : f32 to vector<16xf32>
        %mul3A_81 = arith.mulf %get3A_79, %mul3A_80 : vector<16xf32>
        %swap3A_82 = arith.index_cast %scan3A_62 : i32 to index
        %swap3A_83 = arith.constant 16 : index
        %swap3A_84 = tpu.vector_load %arg13[%swap3A_82, %swap3A_83] {strides = array<i32>} : memref<128x128xf32, #tpu.memory_space<vmem>>, vector<1x16xf32>,
        %swap3A_85 = vector.shape_cast %swap3A_84 : vector<1x16xf32> to vector<16xf32>
        %swap3A_86 = vector.shape_cast %mul3A_81 : vector<16xf32> to vector<1x16xf32>
        tpu.vector_store %arg13[%swap3A_82, %swap3A_83], %swap3A_86 {strides = array<i32>} : memref<128x128xf32, #tpu.memory_space<vmem>>, vector<1x16xf32>,
        %get3A_87 = arith.index_cast %scan3A_62 : i32 to index
        %get3A_88 = arith.constant 32 : index
        %get3A_89 = tpu.vector_load %arg12[%get3A_87, %get3A_88] {strides = array<i32>} : memref<128x128xf32, #tpu.memory_space<vmem>>, vector<1x16xf32>,
        %get3A_90 = vector.shape_cast %get3A_89 : vector<1x16xf32> to vector<16xf32>
        %mul3A_91 = vector.broadcast %squeeze3A : f32 to vector<16xf32>
        %mul3A_92 = arith.mulf %get3A_90, %mul3A_91 : vector<16xf32>
        %swap3A_93 = arith.index_cast %scan3A_62 : i32 to index
        %swap3A_94 = arith.constant 32 : index
        %swap3A_95 = tpu.vector_load %arg13[%swap3A_93, %swap3A_94] {strides = array<i32>} : memref<128x128xf32, #tpu.memory_space<vmem>>, vector<1x16xf32>,
        %swap3A_96 = vector.shape_cast %swap3A_95 : vector<1x16xf32> to vector<16xf32>
        %swap3A_97 = vector.shape_cast %mul3A_92 : vector<16xf32> to vector<1x16xf32>
        tpu.vector_store %arg13[%swap3A_93, %swap3A_94], %swap3A_97 {strides = array<i32>} : memref<128x128xf32, #tpu.memory_space<vmem>>, vector<1x16xf32>,
        %get3A_98 = arith.index_cast %scan3A_62 : i32 to index
        %get3A_99 = arith.constant 48 : index
        %get3A_100 = tpu.vector_load %arg12[%get3A_98, %get3A_99] {strides = array<i32>} : memref<128x128xf32, #tpu.memory_space<vmem>>, vector<1x16xf32>,
        %get3A_101 = vector.shape_cast %get3A_100 : vector<1x16xf32> to vector<16xf32>
        %mul3A_102 = vector.broadcast %squeeze3A : f32 to vector<16xf32>
        %mul3A_103 = arith.mulf %get3A_101, %mul3A_102 : vector<16xf32>
        %swap3A_104 = arith.index_cast %scan3A_62 : i32 to index
        %swap3A_105 = arith.constant 48 : index
        %swap3A_106 = tpu.vector_load %arg13[%swap3A_104, %swap3A_105] {strides = array<i32>} : memref<128x128xf32, #tpu.memory_space<vmem>>, vector<1x16xf32>,
        %swap3A_107 = vector.shape_cast %swap3A_106 : vector<1x16xf32> to vector<16xf32>
        %swap3A_108 = vector.shape_cast %mul3A_103 : vector<16xf32> to vector<1x16xf32>
        tpu.vector_store %arg13[%swap3A_104, %swap3A_105], %swap3A_108 {strides = array<i32>} : memref<128x128xf32, #tpu.memory_space<vmem>>, vector<1x16xf32>,
      }
      %scan3A_61 = arith.constant 128 : i32
      "tpu.region"() ({
        %run_scoped3A_62 = tpu.sem_alloc : memref<!tpu.dma_semaphore, #tpu.memory_space<semaphore_mem>>
        %dma_start3A_63 = arith.constant 0 : i32
        %dma_start3A_64 = arith.constant 0 : i32
        %dma_start3A_65 = tpu.memref_slice %arg14[%dma_start3A_63, %dma_start3A_64] : memref<10112x128xf32, #tpu.memory_space<vmem_shared>> -> memref<10112x128xf32, #tpu.memory_space<vmem_shared>>
        tpu.enqueue_indirect_dma source(%arg13 : memref<128x128xf32, #tpu.memory_space<vmem>>) target(%dma_start3A_65 : memref<10112x128xf32, #tpu.memory_space<vmem_shared>>) offsets(%arg10 : memref<128xi32, #tpu.memory_space<vmem>>) semaphore(%run_scoped3A_62 : memref<!tpu.dma_semaphore, #tpu.memory_space<semaphore_mem>>) {add = true}
        %dma_wait3A_66 = arith.constant 0 : i32
        %dma_wait3A_67 = arith.constant 0 : i32
        %dma_wait3A_68 = tpu.memref_slice %arg14[%dma_wait3A_66, %dma_wait3A_67] : memref<10112x128xf32, #tpu.memory_space<vmem_shared>> -> memref<10112x128xf32, #tpu.memory_space<vmem_shared>>
        tpu.wait_indirect_dma semaphore(%run_scoped3A_62 : memref<!tpu.dma_semaphore, #tpu.memory_space<semaphore_mem>>) src(%arg13 : memref<128x128xf32, #tpu.memory_space<vmem>>) dst(%dma_wait3A_68 : memref<10112x128xf32, #tpu.memory_space<vmem_shared>>)
        tpu.yield
      }) : () -> ()
    }
    %scan3A_36 = arith.constant 81 : i32
    %barrier3A_37 = arith.constant 0 : index
    tpu.barrier barrier_id(%barrier3A_37)
    %run_scoped3A_38 = arith.constant 3 : i32
    "tpu.region"() ({
      %run_scoped3A_40 = tpu.sem_alloc : memref<!tpu.dma_semaphore, #tpu.memory_space<semaphore_mem>>
      %dma_start3A = arith.constant 0 : i32
      %dma_start3A_41 = tpu.memref_slice %arg7[%run_scoped3A_38, %arg0, %mul3A_2, %dma_start3A] : memref<4x2x10112x128xf32, #tpu.memory_space<hbm>> -> memref<1x1x632x128xf32, #tpu.memory_space<hbm>>
      %dma_start3A_42 = tpu.memref_squeeze %dma_start3A_41 : memref<1x1x632x128xf32, #tpu.memory_space<hbm>> -> memref<632x128xf32, #tpu.memory_space<hbm>>
      %dma_start3A_43 = arith.constant 0 : i32
      %dma_start3A_44 = tpu.memref_slice %arg14[%mul3A_2, %dma_start3A_43] : memref<10112x128xf32, #tpu.memory_space<vmem_shared>> -> memref<632x128xf32, #tpu.memory_space<vmem_shared>>
      tpu.enqueue_dma source(%dma_start3A_44 : memref<632x128xf32, #tpu.memory_space<vmem_shared>>) target(%dma_start3A_42 : memref<632x128xf32, #tpu.memory_space<hbm>>) target_semaphore(%run_scoped3A_40 : memref<!tpu.dma_semaphore, #tpu.memory_space<semaphore_mem>>)
      %dma_wait3A = arith.constant 0 : i32
      %dma_wait3A_45 = tpu.memref_slice %arg7[%run_scoped3A_38, %arg0, %mul3A_2, %dma_wait3A] : memref<4x2x10112x128xf32, #tpu.memory_space<hbm>> -> memref<1x1x632x128xf32, #tpu.memory_space<hbm>>
      %dma_wait3A_46 = tpu.memref_squeeze %dma_wait3A_45 : memref<1x1x632x128xf32, #tpu.memory_space<hbm>> -> memref<632x128xf32, #tpu.memory_space<hbm>>
      %dma_wait3A_47 = arith.constant 0 : i32
      %dma_wait3A_48 = tpu.memref_slice %arg14[%mul3A_2, %dma_wait3A_47] : memref<10112x128xf32, #tpu.memory_space<vmem_shared>> -> memref<632x128xf32, #tpu.memory_space<vmem_shared>>
      tpu.wait_dma2 semaphore(%run_scoped3A_40 : memref<!tpu.dma_semaphore, #tpu.memory_space<semaphore_mem>>) src(%dma_wait3A_48 : memref<632x128xf32, #tpu.memory_space<vmem_shared>>) dst(%dma_wait3A_46 : memref<632x128xf32, #tpu.memory_space<hbm>>)
      tpu.yield
    }) : () -> ()
    %barrier3A_39 = arith.constant 0 : index
    tpu.barrier barrier_id(%barrier3A_39)
    return
  }
}

#map = affine_map<(d0, d1) -> (0)>
#map1 = affine_map<(d0, d1) -> (0, 0)>
#map2 = affine_map<(d0, d1) -> (0, 0, 0, 0)>
module attributes {stable_mosaic.version = 14 : i64} {
  func.func @_sc_aggregate(%arg0: i32, %arg1: i32, %arg2: memref<331776xi32, #tpu.memory_space<hbm>>, %arg3: memref<331776xi32, #tpu.memory_space<hbm>>, %arg4: memref<331776x128xf32, #tpu.memory_space<hbm>>, %arg5: memref<10112x128xf32, #tpu.memory_space<hbm>>, %arg6: memref<10112x128xf32, #tpu.memory_space<hbm>>, %arg7: memref<1x2x10112x128xf32, #tpu.memory_space<hbm>>, %arg8: memref<128xi32, #tpu.memory_space<vmem>>, %arg9: memref<128xi32, #tpu.memory_space<vmem>>, %arg10: memref<128xi32, #tpu.memory_space<vmem>>, %arg11: memref<128x128xf32, #tpu.memory_space<vmem>>, %arg12: memref<128x128xf32, #tpu.memory_space<vmem>>, %arg13: memref<128x128xf32, #tpu.memory_space<vmem>>, %arg14: memref<10112x128xf32, #tpu.memory_space<vmem_shared>>, %arg15: memref<!tpu.dma_semaphore, #tpu.memory_space<semaphore_mem>>) attributes {dimension_semantics = [#tpu.dimension_semantics<core_parallel>, #tpu.dimension_semantics<subcore_parallel>], iteration_bounds = array<i64: 2, 16>, scalar_prefetch = 0 : i64, scratch_operands = 8 : i64, tpu.core_type = #tpu.core_type<sc_vector_subcore>, window_params = [{transform_indices = #map}, {transform_indices = #map}, {transform_indices = #map1}, {transform_indices = #map1}, {transform_indices = #map1}, {transform_indices = #map2}]} {
    %mul3A = arith.constant 2 : i32
    %mul3A_0 = arith.muli %arg1, %mul3A : i32
    %add3A = arith.addi %mul3A_0, %arg0 : i32
    %mul3A_1 = arith.constant 632 : i32
    %mul3A_2 = arith.muli %arg1, %mul3A_1 : i32
    "tpu.region"() ({
      %run_scoped3A_10 = tpu.sem_alloc : memref<!tpu.dma_semaphore, #tpu.memory_space<semaphore_mem>>
      %dma_start3A = arith.constant 0 : i32
      %dma_start3A_11 = arith.constant 0 : i32
      %dma_start3A_12 = tpu.memref_slice %arg6[%dma_start3A, %dma_start3A_11] : memref<10112x128xf32, #tpu.memory_space<hbm>> -> memref<128x128xf32, #tpu.memory_space<hbm>>
      %dma_start3A_13 = arith.constant 0 : i32
      %dma_start3A_14 = arith.constant 0 : i32
      %dma_start3A_15 = tpu.memref_slice %arg6[%dma_start3A_13, %dma_start3A_14] : memref<10112x128xf32, #tpu.memory_space<hbm>> -> memref<128x128xf32, #tpu.memory_space<hbm>>
      tpu.enqueue_dma source(%dma_start3A_15 : memref<128x128xf32, #tpu.memory_space<hbm>>) target(%arg13 : memref<128x128xf32, #tpu.memory_space<vmem>>) target_semaphore(%run_scoped3A_10 : memref<!tpu.dma_semaphore, #tpu.memory_space<semaphore_mem>>)
      %dma_wait3A = arith.constant 0 : i32
      %dma_wait3A_16 = arith.constant 0 : i32
      %dma_wait3A_17 = tpu.memref_slice %arg6[%dma_wait3A, %dma_wait3A_16] : memref<10112x128xf32, #tpu.memory_space<hbm>> -> memref<128x128xf32, #tpu.memory_space<hbm>>
      %dma_wait3A_18 = arith.constant 0 : i32
      %dma_wait3A_19 = arith.constant 0 : i32
      %dma_wait3A_20 = tpu.memref_slice %arg6[%dma_wait3A_18, %dma_wait3A_19] : memref<10112x128xf32, #tpu.memory_space<hbm>> -> memref<128x128xf32, #tpu.memory_space<hbm>>
      tpu.wait_dma2 semaphore(%run_scoped3A_10 : memref<!tpu.dma_semaphore, #tpu.memory_space<semaphore_mem>>) src(%dma_wait3A_20 : memref<128x128xf32, #tpu.memory_space<hbm>>) dst(%arg13 : memref<128x128xf32, #tpu.memory_space<vmem>>)
      tpu.yield
    }) : () -> ()
    "tpu.region"() ({
      %run_scoped3A_10 = tpu.sem_alloc : memref<!tpu.dma_semaphore, #tpu.memory_space<semaphore_mem>>
      %dma_start3A = arith.constant 0 : i32
      %dma_start3A_11 = tpu.memref_slice %arg14[%mul3A_2, %dma_start3A] : memref<10112x128xf32, #tpu.memory_space<vmem_shared>> -> memref<632x128xf32, #tpu.memory_space<vmem_shared>>
      %dma_start3A_12 = arith.constant 0 : i32
      %dma_start3A_13 = tpu.memref_slice %arg6[%mul3A_2, %dma_start3A_12] : memref<10112x128xf32, #tpu.memory_space<hbm>> -> memref<632x128xf32, #tpu.memory_space<hbm>>
      tpu.enqueue_dma source(%dma_start3A_13 : memref<632x128xf32, #tpu.memory_space<hbm>>) target(%dma_start3A_11 : memref<632x128xf32, #tpu.memory_space<vmem_shared>>) target_semaphore(%run_scoped3A_10 : memref<!tpu.dma_semaphore, #tpu.memory_space<semaphore_mem>>)
      %dma_wait3A = arith.constant 0 : i32
      %dma_wait3A_14 = tpu.memref_slice %arg14[%mul3A_2, %dma_wait3A] : memref<10112x128xf32, #tpu.memory_space<vmem_shared>> -> memref<632x128xf32, #tpu.memory_space<vmem_shared>>
      %dma_wait3A_15 = arith.constant 0 : i32
      %dma_wait3A_16 = tpu.memref_slice %arg6[%mul3A_2, %dma_wait3A_15] : memref<10112x128xf32, #tpu.memory_space<hbm>> -> memref<632x128xf32, #tpu.memory_space<hbm>>
      tpu.wait_dma2 semaphore(%run_scoped3A_10 : memref<!tpu.dma_semaphore, #tpu.memory_space<semaphore_mem>>) src(%dma_wait3A_16 : memref<632x128xf32, #tpu.memory_space<hbm>>) dst(%dma_wait3A_14 : memref<632x128xf32, #tpu.memory_space<vmem_shared>>)
      tpu.yield
    }) : () -> ()
    %barrier3A = arith.constant 0 : index
    tpu.barrier barrier_id(%barrier3A)
    %scan3A = arith.constant 0 : i32
    %scan3A_3 = arith.constant 0 : i32
    %scan3A_4 = arith.constant 81 : i32
    %scan3A_5 = arith.addi %scan3A_3, %scan3A_4 : i32
    %scan3A_6 = arith.constant 1 : i32
    scf.for %scan3A_10 = %scan3A_3 to %scan3A_5 step %scan3A_6  : i32 {
      %mul3A_11 = arith.constant 81 : i32
      %mul3A_12 = arith.muli %add3A, %mul3A_11 : i32
      %add3A_13 = arith.addi %mul3A_12, %scan3A_10 : i32
      %mul3A_14 = arith.constant 128 : i32
      %mul3A_15 = arith.muli %add3A_13, %mul3A_14 : i32
      "tpu.region"() ({
        %run_scoped3A_32 = tpu.sem_alloc : memref<!tpu.dma_semaphore, #tpu.memory_space<semaphore_mem>>
        %dma_start3A_33 = tpu.memref_slice %arg2[%mul3A_15] : memref<331776xi32, #tpu.memory_space<hbm>> -> memref<128xi32, #tpu.memory_space<hbm>>
        %dma_start3A_34 = tpu.memref_slice %arg2[%mul3A_15] : memref<331776xi32, #tpu.memory_space<hbm>> -> memref<128xi32, #tpu.memory_space<hbm>>
        tpu.enqueue_dma source(%dma_start3A_34 : memref<128xi32, #tpu.memory_space<hbm>>) target(%arg8 : memref<128xi32, #tpu.memory_space<vmem>>) target_semaphore(%run_scoped3A_32 : memref<!tpu.dma_semaphore, #tpu.memory_space<semaphore_mem>>)
        %dma_wait3A_35 = tpu.memref_slice %arg2[%mul3A_15] : memref<331776xi32, #tpu.memory_space<hbm>> -> memref<128xi32, #tpu.memory_space<hbm>>
        %dma_wait3A_36 = tpu.memref_slice %arg2[%mul3A_15] : memref<331776xi32, #tpu.memory_space<hbm>> -> memref<128xi32, #tpu.memory_space<hbm>>
        tpu.wait_dma2 semaphore(%run_scoped3A_32 : memref<!tpu.dma_semaphore, #tpu.memory_space<semaphore_mem>>) src(%dma_wait3A_36 : memref<128xi32, #tpu.memory_space<hbm>>) dst(%arg8 : memref<128xi32, #tpu.memory_space<vmem>>)
        tpu.yield
      }) : () -> ()
      "tpu.region"() ({
        %run_scoped3A_32 = tpu.sem_alloc : memref<!tpu.dma_semaphore, #tpu.memory_space<semaphore_mem>>
        %dma_start3A_33 = tpu.memref_slice %arg3[%mul3A_15] : memref<331776xi32, #tpu.memory_space<hbm>> -> memref<128xi32, #tpu.memory_space<hbm>>
        %dma_start3A_34 = tpu.memref_slice %arg3[%mul3A_15] : memref<331776xi32, #tpu.memory_space<hbm>> -> memref<128xi32, #tpu.memory_space<hbm>>
        tpu.enqueue_dma source(%dma_start3A_34 : memref<128xi32, #tpu.memory_space<hbm>>) target(%arg10 : memref<128xi32, #tpu.memory_space<vmem>>) target_semaphore(%run_scoped3A_32 : memref<!tpu.dma_semaphore, #tpu.memory_space<semaphore_mem>>)
        %dma_wait3A_35 = tpu.memref_slice %arg3[%mul3A_15] : memref<331776xi32, #tpu.memory_space<hbm>> -> memref<128xi32, #tpu.memory_space<hbm>>
        %dma_wait3A_36 = tpu.memref_slice %arg3[%mul3A_15] : memref<331776xi32, #tpu.memory_space<hbm>> -> memref<128xi32, #tpu.memory_space<hbm>>
        tpu.wait_dma2 semaphore(%run_scoped3A_32 : memref<!tpu.dma_semaphore, #tpu.memory_space<semaphore_mem>>) src(%dma_wait3A_36 : memref<128xi32, #tpu.memory_space<hbm>>) dst(%arg10 : memref<128xi32, #tpu.memory_space<vmem>>)
        tpu.yield
      }) : () -> ()
      "tpu.region"() ({
        %run_scoped3A_32 = tpu.sem_alloc : memref<!tpu.dma_semaphore, #tpu.memory_space<semaphore_mem>>
        %dma_start3A_33 = arith.constant 0 : i32
        %dma_start3A_34 = tpu.memref_slice %arg4[%mul3A_15, %dma_start3A_33] : memref<331776x128xf32, #tpu.memory_space<hbm>> -> memref<128x128xf32, #tpu.memory_space<hbm>>
        %dma_start3A_35 = arith.constant 0 : i32
        %dma_start3A_36 = tpu.memref_slice %arg4[%mul3A_15, %dma_start3A_35] : memref<331776x128xf32, #tpu.memory_space<hbm>> -> memref<128x128xf32, #tpu.memory_space<hbm>>
        tpu.enqueue_dma source(%dma_start3A_36 : memref<128x128xf32, #tpu.memory_space<hbm>>) target(%arg11 : memref<128x128xf32, #tpu.memory_space<vmem>>) target_semaphore(%run_scoped3A_32 : memref<!tpu.dma_semaphore, #tpu.memory_space<semaphore_mem>>)
        %dma_wait3A_37 = arith.constant 0 : i32
        %dma_wait3A_38 = tpu.memref_slice %arg4[%mul3A_15, %dma_wait3A_37] : memref<331776x128xf32, #tpu.memory_space<hbm>> -> memref<128x128xf32, #tpu.memory_space<hbm>>
        %dma_wait3A_39 = arith.constant 0 : i32
        %dma_wait3A_40 = tpu.memref_slice %arg4[%mul3A_15, %dma_wait3A_39] : memref<331776x128xf32, #tpu.memory_space<hbm>> -> memref<128x128xf32, #tpu.memory_space<hbm>>
        tpu.wait_dma2 semaphore(%run_scoped3A_32 : memref<!tpu.dma_semaphore, #tpu.memory_space<semaphore_mem>>) src(%dma_wait3A_40 : memref<128x128xf32, #tpu.memory_space<hbm>>) dst(%arg11 : memref<128x128xf32, #tpu.memory_space<vmem>>)
        tpu.yield
      }) : () -> ()
      %scan3A_16 = arith.constant 0 : i32
      %scan3A_17 = arith.constant 0 : i32
      %scan3A_18 = arith.constant 8 : i32
      %scan3A_19 = arith.addi %scan3A_17, %scan3A_18 : i32
      %scan3A_20 = arith.constant 1 : i32
      scf.for %scan3A_32 = %scan3A_17 to %scan3A_19 step %scan3A_20  : i32 {
        %mul3A_33 = arith.constant 16 : i32
        %mul3A_34 = arith.muli %scan3A_32, %mul3A_33 : i32
        %get3A = arith.index_cast %mul3A_34 : i32 to index
        %get3A_35 = tpu.vector_load %arg8[%get3A] {strides = array<i32>} : memref<128xi32, #tpu.memory_space<vmem>>, vector<16xi32>,
        %get3A_36 = vector.shape_cast %get3A_35 : vector<16xi32> to vector<16xi32>
        %add3A_37 = arith.constant 0 : i32
        %add3A_38 = vector.broadcast %add3A_37 : i32 to vector<16xi32>
        %add3A_39 = arith.addi %get3A_36, %add3A_38 : vector<16xi32>
        %mul3A_40 = arith.constant 16 : i32
        %mul3A_41 = arith.muli %scan3A_32, %mul3A_40 : i32
        %swap3A = arith.index_cast %mul3A_41 : i32 to index
        %swap3A_42 = tpu.vector_load %arg9[%swap3A] {strides = array<i32>} : memref<128xi32, #tpu.memory_space<vmem>>, vector<16xi32>,
        %swap3A_43 = vector.shape_cast %swap3A_42 : vector<16xi32> to vector<16xi32>
        %swap3A_44 = vector.shape_cast %add3A_39 : vector<16xi32> to vector<16xi32>
        tpu.vector_store %arg9[%swap3A], %swap3A_44 {strides = array<i32>} : memref<128xi32, #tpu.memory_space<vmem>>, vector<16xi32>,
      }
      %scan3A_21 = arith.constant 8 : i32
      %dma_start3A = arith.constant 0 : i32
      %dma_start3A_22 = arith.constant 0 : i32
      %dma_start3A_23 = tpu.memref_slice %arg5[%dma_start3A, %dma_start3A_22] : memref<10112x128xf32, #tpu.memory_space<hbm>> -> memref<10112x128xf32, #tpu.memory_space<hbm>>
      tpu.enqueue_indirect_dma source(%dma_start3A_23 : memref<10112x128xf32, #tpu.memory_space<hbm>>) target(%arg12 : memref<128x128xf32, #tpu.memory_space<vmem>>) offsets(%arg9 : memref<128xi32, #tpu.memory_space<vmem>>) semaphore(%arg15 : memref<!tpu.dma_semaphore, #tpu.memory_space<semaphore_mem>>)
      %dma_wait3A = arith.constant 0 : i32
      %dma_wait3A_24 = arith.constant 0 : i32
      %dma_wait3A_25 = tpu.memref_slice %arg5[%dma_wait3A, %dma_wait3A_24] : memref<10112x128xf32, #tpu.memory_space<hbm>> -> memref<10112x128xf32, #tpu.memory_space<hbm>>
      tpu.wait_indirect_dma semaphore(%arg15 : memref<!tpu.dma_semaphore, #tpu.memory_space<semaphore_mem>>) src(%dma_wait3A_25 : memref<10112x128xf32, #tpu.memory_space<hbm>>) dst(%arg12 : memref<128x128xf32, #tpu.memory_space<vmem>>)
      %scan3A_26 = arith.constant 0 : i32
      %scan3A_27 = arith.constant 0 : i32
      %scan3A_28 = arith.constant 128 : i32
      %scan3A_29 = arith.addi %scan3A_27, %scan3A_28 : i32
      %scan3A_30 = arith.constant 1 : i32
      scf.for %scan3A_32 = %scan3A_27 to %scan3A_29 step %scan3A_30  : i32 {
        %get3A = arith.index_cast %scan3A_32 : i32 to index
        %get3A_33 = arith.constant 0 : index
        %get3A_34 = tpu.vector_load %arg11[%get3A, %get3A_33] {strides = array<i32>} : memref<128x128xf32, #tpu.memory_space<vmem>>, vector<1x16xf32>,
        %get3A_35 = vector.shape_cast %get3A_34 : vector<1x16xf32> to vector<16xf32>
        %slice3A = vector.extract_strided_slice %get3A_35 {offsets = [0], sizes = [1], strides = [1]} : vector<16xf32> to vector<1xf32>
        %squeeze3A = vector.extract %slice3A[0] : f32 from vector<1xf32>
        %get3A_36 = arith.index_cast %scan3A_32 : i32 to index
        %get3A_37 = arith.constant 0 : index
        %get3A_38 = tpu.vector_load %arg12[%get3A_36, %get3A_37] {strides = array<i32>} : memref<128x128xf32, #tpu.memory_space<vmem>>, vector<1x16xf32>,
        %get3A_39 = vector.shape_cast %get3A_38 : vector<1x16xf32> to vector<16xf32>
        %mul3A_40 = vector.broadcast %squeeze3A : f32 to vector<16xf32>
        %mul3A_41 = arith.mulf %get3A_39, %mul3A_40 : vector<16xf32>
        %swap3A = arith.index_cast %scan3A_32 : i32 to index
        %swap3A_42 = arith.constant 0 : index
        %swap3A_43 = tpu.vector_load %arg13[%swap3A, %swap3A_42] {strides = array<i32>} : memref<128x128xf32, #tpu.memory_space<vmem>>, vector<1x16xf32>,
        %swap3A_44 = vector.shape_cast %swap3A_43 : vector<1x16xf32> to vector<16xf32>
        %swap3A_45 = vector.shape_cast %mul3A_41 : vector<16xf32> to vector<1x16xf32>
        tpu.vector_store %arg13[%swap3A, %swap3A_42], %swap3A_45 {strides = array<i32>} : memref<128x128xf32, #tpu.memory_space<vmem>>, vector<1x16xf32>,
        %get3A_46 = arith.index_cast %scan3A_32 : i32 to index
        %get3A_47 = arith.constant 16 : index
        %get3A_48 = tpu.vector_load %arg12[%get3A_46, %get3A_47] {strides = array<i32>} : memref<128x128xf32, #tpu.memory_space<vmem>>, vector<1x16xf32>,
        %get3A_49 = vector.shape_cast %get3A_48 : vector<1x16xf32> to vector<16xf32>
        %mul3A_50 = vector.broadcast %squeeze3A : f32 to vector<16xf32>
        %mul3A_51 = arith.mulf %get3A_49, %mul3A_50 : vector<16xf32>
        %swap3A_52 = arith.index_cast %scan3A_32 : i32 to index
        %swap3A_53 = arith.constant 16 : index
        %swap3A_54 = tpu.vector_load %arg13[%swap3A_52, %swap3A_53] {strides = array<i32>} : memref<128x128xf32, #tpu.memory_space<vmem>>, vector<1x16xf32>,
        %swap3A_55 = vector.shape_cast %swap3A_54 : vector<1x16xf32> to vector<16xf32>
        %swap3A_56 = vector.shape_cast %mul3A_51 : vector<16xf32> to vector<1x16xf32>
        tpu.vector_store %arg13[%swap3A_52, %swap3A_53], %swap3A_56 {strides = array<i32>} : memref<128x128xf32, #tpu.memory_space<vmem>>, vector<1x16xf32>,
        %get3A_57 = arith.index_cast %scan3A_32 : i32 to index
        %get3A_58 = arith.constant 32 : index
        %get3A_59 = tpu.vector_load %arg12[%get3A_57, %get3A_58] {strides = array<i32>} : memref<128x128xf32, #tpu.memory_space<vmem>>, vector<1x16xf32>,
        %get3A_60 = vector.shape_cast %get3A_59 : vector<1x16xf32> to vector<16xf32>
        %mul3A_61 = vector.broadcast %squeeze3A : f32 to vector<16xf32>
        %mul3A_62 = arith.mulf %get3A_60, %mul3A_61 : vector<16xf32>
        %swap3A_63 = arith.index_cast %scan3A_32 : i32 to index
        %swap3A_64 = arith.constant 32 : index
        %swap3A_65 = tpu.vector_load %arg13[%swap3A_63, %swap3A_64] {strides = array<i32>} : memref<128x128xf32, #tpu.memory_space<vmem>>, vector<1x16xf32>,
        %swap3A_66 = vector.shape_cast %swap3A_65 : vector<1x16xf32> to vector<16xf32>
        %swap3A_67 = vector.shape_cast %mul3A_62 : vector<16xf32> to vector<1x16xf32>
        tpu.vector_store %arg13[%swap3A_63, %swap3A_64], %swap3A_67 {strides = array<i32>} : memref<128x128xf32, #tpu.memory_space<vmem>>, vector<1x16xf32>,
        %get3A_68 = arith.index_cast %scan3A_32 : i32 to index
        %get3A_69 = arith.constant 48 : index
        %get3A_70 = tpu.vector_load %arg12[%get3A_68, %get3A_69] {strides = array<i32>} : memref<128x128xf32, #tpu.memory_space<vmem>>, vector<1x16xf32>,
        %get3A_71 = vector.shape_cast %get3A_70 : vector<1x16xf32> to vector<16xf32>
        %mul3A_72 = vector.broadcast %squeeze3A : f32 to vector<16xf32>
        %mul3A_73 = arith.mulf %get3A_71, %mul3A_72 : vector<16xf32>
        %swap3A_74 = arith.index_cast %scan3A_32 : i32 to index
        %swap3A_75 = arith.constant 48 : index
        %swap3A_76 = tpu.vector_load %arg13[%swap3A_74, %swap3A_75] {strides = array<i32>} : memref<128x128xf32, #tpu.memory_space<vmem>>, vector<1x16xf32>,
        %swap3A_77 = vector.shape_cast %swap3A_76 : vector<1x16xf32> to vector<16xf32>
        %swap3A_78 = vector.shape_cast %mul3A_73 : vector<16xf32> to vector<1x16xf32>
        tpu.vector_store %arg13[%swap3A_74, %swap3A_75], %swap3A_78 {strides = array<i32>} : memref<128x128xf32, #tpu.memory_space<vmem>>, vector<1x16xf32>,
      }
      %scan3A_31 = arith.constant 128 : i32
      "tpu.region"() ({
        %run_scoped3A_32 = tpu.sem_alloc : memref<!tpu.dma_semaphore, #tpu.memory_space<semaphore_mem>>
        %dma_start3A_33 = arith.constant 0 : i32
        %dma_start3A_34 = arith.constant 0 : i32
        %dma_start3A_35 = tpu.memref_slice %arg14[%dma_start3A_33, %dma_start3A_34] : memref<10112x128xf32, #tpu.memory_space<vmem_shared>> -> memref<10112x128xf32, #tpu.memory_space<vmem_shared>>
        tpu.enqueue_indirect_dma source(%arg13 : memref<128x128xf32, #tpu.memory_space<vmem>>) target(%dma_start3A_35 : memref<10112x128xf32, #tpu.memory_space<vmem_shared>>) offsets(%arg10 : memref<128xi32, #tpu.memory_space<vmem>>) semaphore(%run_scoped3A_32 : memref<!tpu.dma_semaphore, #tpu.memory_space<semaphore_mem>>) {add = true}
        %dma_wait3A_36 = arith.constant 0 : i32
        %dma_wait3A_37 = arith.constant 0 : i32
        %dma_wait3A_38 = tpu.memref_slice %arg14[%dma_wait3A_36, %dma_wait3A_37] : memref<10112x128xf32, #tpu.memory_space<vmem_shared>> -> memref<10112x128xf32, #tpu.memory_space<vmem_shared>>
        tpu.wait_indirect_dma semaphore(%run_scoped3A_32 : memref<!tpu.dma_semaphore, #tpu.memory_space<semaphore_mem>>) src(%arg13 : memref<128x128xf32, #tpu.memory_space<vmem>>) dst(%dma_wait3A_38 : memref<10112x128xf32, #tpu.memory_space<vmem_shared>>)
        tpu.yield
      }) : () -> ()
    }
    %scan3A_7 = arith.constant 81 : i32
    %barrier3A_8 = arith.constant 0 : index
    tpu.barrier barrier_id(%barrier3A_8)
    %run_scoped3A = arith.constant 0 : i32
    "tpu.region"() ({
      %run_scoped3A_10 = tpu.sem_alloc : memref<!tpu.dma_semaphore, #tpu.memory_space<semaphore_mem>>
      %dma_start3A = arith.constant 0 : i32
      %dma_start3A_11 = tpu.memref_slice %arg7[%run_scoped3A, %arg0, %mul3A_2, %dma_start3A] : memref<1x2x10112x128xf32, #tpu.memory_space<hbm>> -> memref<1x1x632x128xf32, #tpu.memory_space<hbm>>
      %dma_start3A_12 = tpu.memref_squeeze %dma_start3A_11 : memref<1x1x632x128xf32, #tpu.memory_space<hbm>> -> memref<632x128xf32, #tpu.memory_space<hbm>>
      %dma_start3A_13 = arith.constant 0 : i32
      %dma_start3A_14 = tpu.memref_slice %arg14[%mul3A_2, %dma_start3A_13] : memref<10112x128xf32, #tpu.memory_space<vmem_shared>> -> memref<632x128xf32, #tpu.memory_space<vmem_shared>>
      tpu.enqueue_dma source(%dma_start3A_14 : memref<632x128xf32, #tpu.memory_space<vmem_shared>>) target(%dma_start3A_12 : memref<632x128xf32, #tpu.memory_space<hbm>>) target_semaphore(%run_scoped3A_10 : memref<!tpu.dma_semaphore, #tpu.memory_space<semaphore_mem>>)
      %dma_wait3A = arith.constant 0 : i32
      %dma_wait3A_15 = tpu.memref_slice %arg7[%run_scoped3A, %arg0, %mul3A_2, %dma_wait3A] : memref<1x2x10112x128xf32, #tpu.memory_space<hbm>> -> memref<1x1x632x128xf32, #tpu.memory_space<hbm>>
      %dma_wait3A_16 = tpu.memref_squeeze %dma_wait3A_15 : memref<1x1x632x128xf32, #tpu.memory_space<hbm>> -> memref<632x128xf32, #tpu.memory_space<hbm>>
      %dma_wait3A_17 = arith.constant 0 : i32
      %dma_wait3A_18 = tpu.memref_slice %arg14[%mul3A_2, %dma_wait3A_17] : memref<10112x128xf32, #tpu.memory_space<vmem_shared>> -> memref<632x128xf32, #tpu.memory_space<vmem_shared>>
      tpu.wait_dma2 semaphore(%run_scoped3A_10 : memref<!tpu.dma_semaphore, #tpu.memory_space<semaphore_mem>>) src(%dma_wait3A_18 : memref<632x128xf32, #tpu.memory_space<vmem_shared>>) dst(%dma_wait3A_16 : memref<632x128xf32, #tpu.memory_space<hbm>>)
      tpu.yield
    }) : () -> ()
    %barrier3A_9 = arith.constant 0 : index
    tpu.barrier barrier_id(%barrier3A_9)
    return
  }
}

module attributes {stable_mosaic.version = 14 : i64} {
  func.func @_tc_proj1_kernel(%arg0: i32, %arg1: memref<1000x128xf32, #tpu.memory_space<vmem>>, %arg2: memref<128x256xf32, #tpu.memory_space<vmem>>, %arg3: memref<256x16xf32, #tpu.memory_space<vmem>>, %arg4: memref<256x16xf32, #tpu.memory_space<vmem>>, %arg5: memref<1000x256xf32, #tpu.memory_space<vmem>>, %arg6: memref<1000x16xf32, #tpu.memory_space<vmem>>, %arg7: memref<1000x16xf32, #tpu.memory_space<vmem>>) attributes {dimension_semantics = [#tpu.dimension_semantics<arbitrary>], iteration_bounds = array<i64: 10>, scalar_prefetch = 0 : i64, scratch_operands = 0 : i64, tpu.core_type = #tpu.core_type<tc>, window_params = [{transform_indices = @transform_0, window_bounds = array<i64: 1000, 128>}, {pipeline_mode = #tpu.pipeline_mode<synchronous>, transform_indices = @transform_1, window_bounds = array<i64: 128, 256>}, {pipeline_mode = #tpu.pipeline_mode<synchronous>, transform_indices = @transform_2, window_bounds = array<i64: 256, 16>}, {pipeline_mode = #tpu.pipeline_mode<synchronous>, transform_indices = @transform_3, window_bounds = array<i64: 256, 16>}, {transform_indices = @transform_4, window_bounds = array<i64: 1000, 256>}, {transform_indices = @transform_5, window_bounds = array<i64: 1000, 16>}, {transform_indices = @transform_6, window_bounds = array<i64: 1000, 16>}]} {
    %get3A = arith.constant 0 : index
    %get3A_0 = arith.constant 0 : index
    %get3A_1 = vector.load %arg1[%get3A, %get3A_0] : memref<1000x128xf32, #tpu.memory_space<vmem>>, vector<1000x128xf32>
    %get3A_2 = arith.constant 0 : index
    %get3A_3 = arith.constant 0 : index
    %get3A_4 = vector.load %arg2[%get3A_2, %get3A_3] : memref<128x256xf32, #tpu.memory_space<vmem>>, vector<128x256xf32>
    %dot_general3A = arith.constant dense<0.000000e+00> : vector<1000x256xf32>
    %dot_general3A_5 = tpu.matmul %get3A_1, %get3A_4, %dot_general3A {dimension_numbers = #tpu.dot_dimension_numbers<[1], [0], [0], [1], [0, 0, 1, 1], [], []>, transpose_lhs_hint = false} : vector<1000x128xf32>, vector<128x256xf32>, vector<1000x256xf32> -> vector<1000x256xf32>
    %swap3A = arith.constant 0 : index
    %swap3A_6 = arith.constant 0 : index
    %swap3A_7 = vector.load %arg5[%swap3A, %swap3A_6] : memref<1000x256xf32, #tpu.memory_space<vmem>>, vector<1000x256xf32>
    tpu.vector_store %arg5[%swap3A, %swap3A_6], %dot_general3A_5 {strides = array<i32>} : memref<1000x256xf32, #tpu.memory_space<vmem>>, vector<1000x256xf32>,
    %get3A_8 = arith.constant 0 : index
    %get3A_9 = arith.constant 0 : index
    %get3A_10 = vector.load %arg3[%get3A_8, %get3A_9] : memref<256x16xf32, #tpu.memory_space<vmem>>, vector<256x16xf32>
    %dot_general3A_11 = arith.constant dense<0.000000e+00> : vector<1000x16xf32>
    %dot_general3A_12 = tpu.matmul %dot_general3A_5, %get3A_10, %dot_general3A_11 {dimension_numbers = #tpu.dot_dimension_numbers<[1], [0], [0], [1], [0, 0, 1, 1], [], []>, transpose_lhs_hint = false} : vector<1000x256xf32>, vector<256x16xf32>, vector<1000x16xf32> -> vector<1000x16xf32>
    %swap3A_13 = arith.constant 0 : index
    %swap3A_14 = arith.constant 0 : index
    %swap3A_15 = vector.load %arg6[%swap3A_13, %swap3A_14] : memref<1000x16xf32, #tpu.memory_space<vmem>>, vector<1000x16xf32>
    tpu.vector_store %arg6[%swap3A_13, %swap3A_14], %dot_general3A_12 {strides = array<i32>} : memref<1000x16xf32, #tpu.memory_space<vmem>>, vector<1000x16xf32>,
    %get3A_16 = arith.constant 0 : index
    %get3A_17 = arith.constant 0 : index
    %get3A_18 = vector.load %arg4[%get3A_16, %get3A_17] : memref<256x16xf32, #tpu.memory_space<vmem>>, vector<256x16xf32>
    %dot_general3A_19 = arith.constant dense<0.000000e+00> : vector<1000x16xf32>
    %dot_general3A_20 = tpu.matmul %dot_general3A_5, %get3A_18, %dot_general3A_19 {dimension_numbers = #tpu.dot_dimension_numbers<[1], [0], [0], [1], [0, 0, 1, 1], [], []>, transpose_lhs_hint = false} : vector<1000x256xf32>, vector<256x16xf32>, vector<1000x16xf32> -> vector<1000x16xf32>
    %swap3A_21 = arith.constant 0 : index
    %swap3A_22 = arith.constant 0 : index
    %swap3A_23 = vector.load %arg7[%swap3A_21, %swap3A_22] : memref<1000x16xf32, #tpu.memory_space<vmem>>, vector<1000x16xf32>
    tpu.vector_store %arg7[%swap3A_21, %swap3A_22], %dot_general3A_20 {strides = array<i32>} : memref<1000x16xf32, #tpu.memory_space<vmem>>, vector<1000x16xf32>,
    return
  }
  func.func @transform_0(%arg0: i32) -> (i32, i32) {
    %c0_i32 = arith.constant 0 : i32
    %c0_i32_0 = arith.constant 0 : i32
    return %arg0, %c0_i32 : i32, i32
  }
  func.func @transform_1(%arg0: i32) -> (i32, i32) {
    %c0_i32 = arith.constant 0 : i32
    %c0_i32_0 = arith.constant 0 : i32
    %c0_i32_1 = arith.constant 0 : i32
    return %c0_i32, %c0_i32_0 : i32, i32
  }
  func.func @transform_2(%arg0: i32) -> (i32, i32) {
    %c0_i32 = arith.constant 0 : i32
    %c0_i32_0 = arith.constant 0 : i32
    %c0_i32_1 = arith.constant 0 : i32
    return %c0_i32, %c0_i32_0 : i32, i32
  }
  func.func @transform_3(%arg0: i32) -> (i32, i32) {
    %c0_i32 = arith.constant 0 : i32
    %c0_i32_0 = arith.constant 0 : i32
    %c0_i32_1 = arith.constant 0 : i32
    return %c0_i32, %c0_i32_0 : i32, i32
  }
  func.func @transform_4(%arg0: i32) -> (i32, i32) {
    %c0_i32 = arith.constant 0 : i32
    %c0_i32_0 = arith.constant 0 : i32
    return %arg0, %c0_i32 : i32, i32
  }
  func.func @transform_5(%arg0: i32) -> (i32, i32) {
    %c0_i32 = arith.constant 0 : i32
    %c0_i32_0 = arith.constant 0 : i32
    return %arg0, %c0_i32 : i32, i32
  }
  func.func @transform_6(%arg0: i32) -> (i32, i32) {
    %c0_i32 = arith.constant 0 : i32
    %c0_i32_0 = arith.constant 0 : i32
    return %arg0, %c0_i32 : i32, i32
  }
}

module attributes {stable_mosaic.version = 14 : i64} {
  func.func @_tc_layer2_kernel(%arg0: i32, %arg1: memref<4x2x1000x128xf32, #tpu.memory_space<vmem>>, %arg2: memref<2x1000x128xf32, #tpu.memory_space<vmem>>, %arg3: memref<1x4x64xf32, #tpu.memory_space<vmem>>, %arg4: memref<4x64x64xf32, #tpu.memory_space<vmem>>, %arg5: memref<64x16xf32, #tpu.memory_space<vmem>>, %arg6: memref<64x16xf32, #tpu.memory_space<vmem>>, %arg7: memref<1000x64xf32, #tpu.memory_space<vmem>>, %arg8: memref<1000x16xf32, #tpu.memory_space<vmem>>, %arg9: memref<1000x16xf32, #tpu.memory_space<vmem>>) attributes {dimension_semantics = [#tpu.dimension_semantics<arbitrary>], iteration_bounds = array<i64: 10>, scalar_prefetch = 0 : i64, scratch_operands = 0 : i64, tpu.core_type = #tpu.core_type<tc>, window_params = [{transform_indices = @transform_0, window_bounds = array<i64: 4, 2, 1000, 128>}, {transform_indices = @transform_1, window_bounds = array<i64: 2, 1000, 128>}, {pipeline_mode = #tpu.pipeline_mode<synchronous>, transform_indices = @transform_2, window_bounds = array<i64: 1, 4, 64>}, {pipeline_mode = #tpu.pipeline_mode<synchronous>, transform_indices = @transform_3, window_bounds = array<i64: 4, 64, 64>}, {pipeline_mode = #tpu.pipeline_mode<synchronous>, transform_indices = @transform_4, window_bounds = array<i64: 64, 16>}, {pipeline_mode = #tpu.pipeline_mode<synchronous>, transform_indices = @transform_5, window_bounds = array<i64: 64, 16>}, {transform_indices = @transform_6, window_bounds = array<i64: 1000, 64>}, {transform_indices = @transform_7, window_bounds = array<i64: 1000, 16>}, {transform_indices = @transform_8, window_bounds = array<i64: 1000, 16>}]} {
    %broadcast_in_dim3A = arith.constant 0.000000e+00 : f32
    %broadcast_in_dim3A_0 = vector.broadcast %broadcast_in_dim3A : f32 to vector<1000x64xf32>
    %get3A = arith.constant 0 : index
    %get3A_1 = arith.constant 0 : index
    %get3A_2 = arith.constant 0 : index
    %get3A_3 = arith.constant 0 : index
    %get3A_4 = vector.load %arg1[%get3A, %get3A_1, %get3A_2, %get3A_3] : memref<4x2x1000x128xf32, #tpu.memory_space<vmem>>, vector<1x1x1000x64xf32>
    %get3A_5 = vector.shape_cast %get3A_4 : vector<1x1x1000x64xf32> to vector<1000x64xf32>
    %get3A_6 = arith.constant 0 : index
    %get3A_7 = arith.constant 1 : index
    %get3A_8 = arith.constant 0 : index
    %get3A_9 = arith.constant 0 : index
    %get3A_10 = vector.load %arg1[%get3A_6, %get3A_7, %get3A_8, %get3A_9] : memref<4x2x1000x128xf32, #tpu.memory_space<vmem>>, vector<1x1x1000x64xf32>
    %get3A_11 = vector.shape_cast %get3A_10 : vector<1x1x1000x64xf32> to vector<1000x64xf32>
    %add3A = arith.addf %get3A_5, %get3A_11 : vector<1000x64xf32>
    %get3A_12 = arith.constant 0 : index
    %get3A_13 = arith.constant 0 : index
    %get3A_14 = arith.constant 0 : index
    %get3A_15 = vector.load %arg2[%get3A_12, %get3A_13, %get3A_14] : memref<2x1000x128xf32, #tpu.memory_space<vmem>>, vector<1x1000x1xf32>
    %get3A_16 = vector.shape_cast %get3A_15 : vector<1x1000x1xf32> to vector<1000xf32>
    %get3A_17 = arith.constant 1 : index
    %get3A_18 = arith.constant 0 : index
    %get3A_19 = arith.constant 0 : index
    %get3A_20 = vector.load %arg2[%get3A_17, %get3A_18, %get3A_19] : memref<2x1000x128xf32, #tpu.memory_space<vmem>>, vector<1x1000x1xf32>
    %get3A_21 = vector.shape_cast %get3A_20 : vector<1x1000x1xf32> to vector<1000xf32>
    %add3A_22 = arith.addf %get3A_16, %get3A_21 : vector<1000xf32>
    %broadcast_in_dim3A_23 = vector.shape_cast %add3A_22 : vector<1000xf32> to vector<1000x1xf32>
    %add3A_24 = arith.constant 1.000000e-16 : f32
    %add3A_25 = vector.broadcast %add3A_24 : f32 to vector<1000x1xf32>
    %add3A_26 = arith.addf %broadcast_in_dim3A_23, %add3A_25 : vector<1000x1xf32>
    %div3A = vector.broadcast %add3A_26 : vector<1000x1xf32> to vector<1000x64xf32>
    %div3A_27 = arith.divf %add3A, %div3A : vector<1000x64xf32>
    %get3A_28 = arith.constant 0 : index
    %get3A_29 = arith.constant 0 : index
    %get3A_30 = arith.constant 0 : index
    %get3A_31 = vector.load %arg3[%get3A_28, %get3A_29, %get3A_30] : memref<1x4x64xf32, #tpu.memory_space<vmem>>, vector<1x1x64xf32>
    %get3A_32 = vector.shape_cast %get3A_31 : vector<1x1x64xf32> to vector<64xf32>
    %broadcast_in_dim3A_33 = vector.shape_cast %get3A_32 : vector<64xf32> to vector<1x64xf32>
    %add3A_34 = vector.broadcast %broadcast_in_dim3A_33 : vector<1x64xf32> to vector<1000x64xf32>
    %add3A_35 = arith.addf %div3A_27, %add3A_34 : vector<1000x64xf32>
    %max3A = arith.constant 0.000000e+00 : f32
    %max3A_36 = vector.broadcast %max3A : f32 to vector<1000x64xf32>
    %max3A_37 = arith.maximumf %add3A_35, %max3A_36 : vector<1000x64xf32>
    %get3A_38 = arith.constant 0 : index
    %get3A_39 = arith.constant 0 : index
    %get3A_40 = arith.constant 0 : index
    %get3A_41 = vector.load %arg4[%get3A_38, %get3A_39, %get3A_40] : memref<4x64x64xf32, #tpu.memory_space<vmem>>, vector<1x64x64xf32>
    %get3A_42 = vector.shape_cast %get3A_41 : vector<1x64x64xf32> to vector<64x64xf32>
    %dot_general3A = arith.constant dense<0.000000e+00> : vector<1000x64xf32>
    %dot_general3A_43 = tpu.matmul %max3A_37, %get3A_42, %dot_general3A {dimension_numbers = #tpu.dot_dimension_numbers<[1], [0], [0], [1], [0, 0, 1, 1], [], []>, transpose_lhs_hint = false} : vector<1000x64xf32>, vector<64x64xf32>, vector<1000x64xf32> -> vector<1000x64xf32>
    %add3A_44 = arith.addf %broadcast_in_dim3A_0, %dot_general3A_43 : vector<1000x64xf32>
    %get3A_45 = arith.constant 1 : index
    %get3A_46 = arith.constant 0 : index
    %get3A_47 = arith.constant 0 : index
    %get3A_48 = arith.constant 0 : index
    %get3A_49 = vector.load %arg1[%get3A_45, %get3A_46, %get3A_47, %get3A_48] : memref<4x2x1000x128xf32, #tpu.memory_space<vmem>>, vector<1x1x1000x64xf32>
    %get3A_50 = vector.shape_cast %get3A_49 : vector<1x1x1000x64xf32> to vector<1000x64xf32>
    %get3A_51 = arith.constant 1 : index
    %get3A_52 = arith.constant 1 : index
    %get3A_53 = arith.constant 0 : index
    %get3A_54 = arith.constant 0 : index
    %get3A_55 = vector.load %arg1[%get3A_51, %get3A_52, %get3A_53, %get3A_54] : memref<4x2x1000x128xf32, #tpu.memory_space<vmem>>, vector<1x1x1000x64xf32>
    %get3A_56 = vector.shape_cast %get3A_55 : vector<1x1x1000x64xf32> to vector<1000x64xf32>
    %add3A_57 = arith.addf %get3A_50, %get3A_56 : vector<1000x64xf32>
    %get3A_58 = arith.constant 0 : index
    %get3A_59 = arith.constant 0 : index
    %get3A_60 = arith.constant 1 : index
    %get3A_61 = vector.load %arg2[%get3A_58, %get3A_59, %get3A_60] : memref<2x1000x128xf32, #tpu.memory_space<vmem>>, vector<1x1000x1xf32>
    %get3A_62 = vector.shape_cast %get3A_61 : vector<1x1000x1xf32> to vector<1000xf32>
    %get3A_63 = arith.constant 1 : index
    %get3A_64 = arith.constant 0 : index
    %get3A_65 = arith.constant 1 : index
    %get3A_66 = vector.load %arg2[%get3A_63, %get3A_64, %get3A_65] : memref<2x1000x128xf32, #tpu.memory_space<vmem>>, vector<1x1000x1xf32>
    %get3A_67 = vector.shape_cast %get3A_66 : vector<1x1000x1xf32> to vector<1000xf32>
    %add3A_68 = arith.addf %get3A_62, %get3A_67 : vector<1000xf32>
    %broadcast_in_dim3A_69 = vector.shape_cast %add3A_68 : vector<1000xf32> to vector<1000x1xf32>
    %add3A_70 = arith.constant 1.000000e-16 : f32
    %add3A_71 = vector.broadcast %add3A_70 : f32 to vector<1000x1xf32>
    %add3A_72 = arith.addf %broadcast_in_dim3A_69, %add3A_71 : vector<1000x1xf32>
    %div3A_73 = vector.broadcast %add3A_72 : vector<1000x1xf32> to vector<1000x64xf32>
    %div3A_74 = arith.divf %add3A_57, %div3A_73 : vector<1000x64xf32>
    %get3A_75 = arith.constant 0 : index
    %get3A_76 = arith.constant 1 : index
    %get3A_77 = arith.constant 0 : index
    %get3A_78 = vector.load %arg3[%get3A_75, %get3A_76, %get3A_77] : memref<1x4x64xf32, #tpu.memory_space<vmem>>, vector<1x1x64xf32>
    %get3A_79 = vector.shape_cast %get3A_78 : vector<1x1x64xf32> to vector<64xf32>
    %broadcast_in_dim3A_80 = vector.shape_cast %get3A_79 : vector<64xf32> to vector<1x64xf32>
    %add3A_81 = vector.broadcast %broadcast_in_dim3A_80 : vector<1x64xf32> to vector<1000x64xf32>
    %add3A_82 = arith.addf %div3A_74, %add3A_81 : vector<1000x64xf32>
    %max3A_83 = arith.constant 0.000000e+00 : f32
    %max3A_84 = vector.broadcast %max3A_83 : f32 to vector<1000x64xf32>
    %max3A_85 = arith.maximumf %add3A_82, %max3A_84 : vector<1000x64xf32>
    %get3A_86 = arith.constant 1 : index
    %get3A_87 = arith.constant 0 : index
    %get3A_88 = arith.constant 0 : index
    %get3A_89 = vector.load %arg4[%get3A_86, %get3A_87, %get3A_88] : memref<4x64x64xf32, #tpu.memory_space<vmem>>, vector<1x64x64xf32>
    %get3A_90 = vector.shape_cast %get3A_89 : vector<1x64x64xf32> to vector<64x64xf32>
    %dot_general3A_91 = arith.constant dense<0.000000e+00> : vector<1000x64xf32>
    %dot_general3A_92 = tpu.matmul %max3A_85, %get3A_90, %dot_general3A_91 {dimension_numbers = #tpu.dot_dimension_numbers<[1], [0], [0], [1], [0, 0, 1, 1], [], []>, transpose_lhs_hint = false} : vector<1000x64xf32>, vector<64x64xf32>, vector<1000x64xf32> -> vector<1000x64xf32>
    %add3A_93 = arith.addf %add3A_44, %dot_general3A_92 : vector<1000x64xf32>
    %get3A_94 = arith.constant 2 : index
    %get3A_95 = arith.constant 0 : index
    %get3A_96 = arith.constant 0 : index
    %get3A_97 = arith.constant 0 : index
    %get3A_98 = vector.load %arg1[%get3A_94, %get3A_95, %get3A_96, %get3A_97] : memref<4x2x1000x128xf32, #tpu.memory_space<vmem>>, vector<1x1x1000x64xf32>
    %get3A_99 = vector.shape_cast %get3A_98 : vector<1x1x1000x64xf32> to vector<1000x64xf32>
    %get3A_100 = arith.constant 2 : index
    %get3A_101 = arith.constant 1 : index
    %get3A_102 = arith.constant 0 : index
    %get3A_103 = arith.constant 0 : index
    %get3A_104 = vector.load %arg1[%get3A_100, %get3A_101, %get3A_102, %get3A_103] : memref<4x2x1000x128xf32, #tpu.memory_space<vmem>>, vector<1x1x1000x64xf32>
    %get3A_105 = vector.shape_cast %get3A_104 : vector<1x1x1000x64xf32> to vector<1000x64xf32>
    %add3A_106 = arith.addf %get3A_99, %get3A_105 : vector<1000x64xf32>
    %get3A_107 = arith.constant 0 : index
    %get3A_108 = arith.constant 0 : index
    %get3A_109 = arith.constant 2 : index
    %get3A_110 = vector.load %arg2[%get3A_107, %get3A_108, %get3A_109] : memref<2x1000x128xf32, #tpu.memory_space<vmem>>, vector<1x1000x1xf32>
    %get3A_111 = vector.shape_cast %get3A_110 : vector<1x1000x1xf32> to vector<1000xf32>
    %get3A_112 = arith.constant 1 : index
    %get3A_113 = arith.constant 0 : index
    %get3A_114 = arith.constant 2 : index
    %get3A_115 = vector.load %arg2[%get3A_112, %get3A_113, %get3A_114] : memref<2x1000x128xf32, #tpu.memory_space<vmem>>, vector<1x1000x1xf32>
    %get3A_116 = vector.shape_cast %get3A_115 : vector<1x1000x1xf32> to vector<1000xf32>
    %add3A_117 = arith.addf %get3A_111, %get3A_116 : vector<1000xf32>
    %broadcast_in_dim3A_118 = vector.shape_cast %add3A_117 : vector<1000xf32> to vector<1000x1xf32>
    %add3A_119 = arith.constant 1.000000e-16 : f32
    %add3A_120 = vector.broadcast %add3A_119 : f32 to vector<1000x1xf32>
    %add3A_121 = arith.addf %broadcast_in_dim3A_118, %add3A_120 : vector<1000x1xf32>
    %div3A_122 = vector.broadcast %add3A_121 : vector<1000x1xf32> to vector<1000x64xf32>
    %div3A_123 = arith.divf %add3A_106, %div3A_122 : vector<1000x64xf32>
    %get3A_124 = arith.constant 0 : index
    %get3A_125 = arith.constant 2 : index
    %get3A_126 = arith.constant 0 : index
    %get3A_127 = vector.load %arg3[%get3A_124, %get3A_125, %get3A_126] : memref<1x4x64xf32, #tpu.memory_space<vmem>>, vector<1x1x64xf32>
    %get3A_128 = vector.shape_cast %get3A_127 : vector<1x1x64xf32> to vector<64xf32>
    %broadcast_in_dim3A_129 = vector.shape_cast %get3A_128 : vector<64xf32> to vector<1x64xf32>
    %add3A_130 = vector.broadcast %broadcast_in_dim3A_129 : vector<1x64xf32> to vector<1000x64xf32>
    %add3A_131 = arith.addf %div3A_123, %add3A_130 : vector<1000x64xf32>
    %max3A_132 = arith.constant 0.000000e+00 : f32
    %max3A_133 = vector.broadcast %max3A_132 : f32 to vector<1000x64xf32>
    %max3A_134 = arith.maximumf %add3A_131, %max3A_133 : vector<1000x64xf32>
    %get3A_135 = arith.constant 2 : index
    %get3A_136 = arith.constant 0 : index
    %get3A_137 = arith.constant 0 : index
    %get3A_138 = vector.load %arg4[%get3A_135, %get3A_136, %get3A_137] : memref<4x64x64xf32, #tpu.memory_space<vmem>>, vector<1x64x64xf32>
    %get3A_139 = vector.shape_cast %get3A_138 : vector<1x64x64xf32> to vector<64x64xf32>
    %dot_general3A_140 = arith.constant dense<0.000000e+00> : vector<1000x64xf32>
    %dot_general3A_141 = tpu.matmul %max3A_134, %get3A_139, %dot_general3A_140 {dimension_numbers = #tpu.dot_dimension_numbers<[1], [0], [0], [1], [0, 0, 1, 1], [], []>, transpose_lhs_hint = false} : vector<1000x64xf32>, vector<64x64xf32>, vector<1000x64xf32> -> vector<1000x64xf32>
    %add3A_142 = arith.addf %add3A_93, %dot_general3A_141 : vector<1000x64xf32>
    %get3A_143 = arith.constant 3 : index
    %get3A_144 = arith.constant 0 : index
    %get3A_145 = arith.constant 0 : index
    %get3A_146 = arith.constant 0 : index
    %get3A_147 = vector.load %arg1[%get3A_143, %get3A_144, %get3A_145, %get3A_146] : memref<4x2x1000x128xf32, #tpu.memory_space<vmem>>, vector<1x1x1000x64xf32>
    %get3A_148 = vector.shape_cast %get3A_147 : vector<1x1x1000x64xf32> to vector<1000x64xf32>
    %get3A_149 = arith.constant 3 : index
    %get3A_150 = arith.constant 1 : index
    %get3A_151 = arith.constant 0 : index
    %get3A_152 = arith.constant 0 : index
    %get3A_153 = vector.load %arg1[%get3A_149, %get3A_150, %get3A_151, %get3A_152] : memref<4x2x1000x128xf32, #tpu.memory_space<vmem>>, vector<1x1x1000x64xf32>
    %get3A_154 = vector.shape_cast %get3A_153 : vector<1x1x1000x64xf32> to vector<1000x64xf32>
    %add3A_155 = arith.addf %get3A_148, %get3A_154 : vector<1000x64xf32>
    %get3A_156 = arith.constant 0 : index
    %get3A_157 = arith.constant 0 : index
    %get3A_158 = arith.constant 3 : index
    %get3A_159 = vector.load %arg2[%get3A_156, %get3A_157, %get3A_158] : memref<2x1000x128xf32, #tpu.memory_space<vmem>>, vector<1x1000x1xf32>
    %get3A_160 = vector.shape_cast %get3A_159 : vector<1x1000x1xf32> to vector<1000xf32>
    %get3A_161 = arith.constant 1 : index
    %get3A_162 = arith.constant 0 : index
    %get3A_163 = arith.constant 3 : index
    %get3A_164 = vector.load %arg2[%get3A_161, %get3A_162, %get3A_163] : memref<2x1000x128xf32, #tpu.memory_space<vmem>>, vector<1x1000x1xf32>
    %get3A_165 = vector.shape_cast %get3A_164 : vector<1x1000x1xf32> to vector<1000xf32>
    %add3A_166 = arith.addf %get3A_160, %get3A_165 : vector<1000xf32>
    %broadcast_in_dim3A_167 = vector.shape_cast %add3A_166 : vector<1000xf32> to vector<1000x1xf32>
    %add3A_168 = arith.constant 1.000000e-16 : f32
    %add3A_169 = vector.broadcast %add3A_168 : f32 to vector<1000x1xf32>
    %add3A_170 = arith.addf %broadcast_in_dim3A_167, %add3A_169 : vector<1000x1xf32>
    %div3A_171 = vector.broadcast %add3A_170 : vector<1000x1xf32> to vector<1000x64xf32>
    %div3A_172 = arith.divf %add3A_155, %div3A_171 : vector<1000x64xf32>
    %get3A_173 = arith.constant 0 : index
    %get3A_174 = arith.constant 3 : index
    %get3A_175 = arith.constant 0 : index
    %get3A_176 = vector.load %arg3[%get3A_173, %get3A_174, %get3A_175] : memref<1x4x64xf32, #tpu.memory_space<vmem>>, vector<1x1x64xf32>
    %get3A_177 = vector.shape_cast %get3A_176 : vector<1x1x64xf32> to vector<64xf32>
    %broadcast_in_dim3A_178 = vector.shape_cast %get3A_177 : vector<64xf32> to vector<1x64xf32>
    %add3A_179 = vector.broadcast %broadcast_in_dim3A_178 : vector<1x64xf32> to vector<1000x64xf32>
    %add3A_180 = arith.addf %div3A_172, %add3A_179 : vector<1000x64xf32>
    %max3A_181 = arith.constant 0.000000e+00 : f32
    %max3A_182 = vector.broadcast %max3A_181 : f32 to vector<1000x64xf32>
    %max3A_183 = arith.maximumf %add3A_180, %max3A_182 : vector<1000x64xf32>
    %get3A_184 = arith.constant 3 : index
    %get3A_185 = arith.constant 0 : index
    %get3A_186 = arith.constant 0 : index
    %get3A_187 = vector.load %arg4[%get3A_184, %get3A_185, %get3A_186] : memref<4x64x64xf32, #tpu.memory_space<vmem>>, vector<1x64x64xf32>
    %get3A_188 = vector.shape_cast %get3A_187 : vector<1x64x64xf32> to vector<64x64xf32>
    %dot_general3A_189 = arith.constant dense<0.000000e+00> : vector<1000x64xf32>
    %dot_general3A_190 = tpu.matmul %max3A_183, %get3A_188, %dot_general3A_189 {dimension_numbers = #tpu.dot_dimension_numbers<[1], [0], [0], [1], [0, 0, 1, 1], [], []>, transpose_lhs_hint = false} : vector<1000x64xf32>, vector<64x64xf32>, vector<1000x64xf32> -> vector<1000x64xf32>
    %add3A_191 = arith.addf %add3A_142, %dot_general3A_190 : vector<1000x64xf32>
    %swap3A = arith.constant 0 : index
    %swap3A_192 = arith.constant 0 : index
    %swap3A_193 = vector.load %arg7[%swap3A, %swap3A_192] : memref<1000x64xf32, #tpu.memory_space<vmem>>, vector<1000x64xf32>
    tpu.vector_store %arg7[%swap3A, %swap3A_192], %add3A_191 {strides = array<i32>} : memref<1000x64xf32, #tpu.memory_space<vmem>>, vector<1000x64xf32>,
    %get3A_194 = arith.constant 0 : index
    %get3A_195 = arith.constant 0 : index
    %get3A_196 = vector.load %arg5[%get3A_194, %get3A_195] : memref<64x16xf32, #tpu.memory_space<vmem>>, vector<64x16xf32>
    %dot_general3A_197 = arith.constant dense<0.000000e+00> : vector<1000x16xf32>
    %dot_general3A_198 = tpu.matmul %add3A_191, %get3A_196, %dot_general3A_197 {dimension_numbers = #tpu.dot_dimension_numbers<[1], [0], [0], [1], [0, 0, 1, 1], [], []>, transpose_lhs_hint = false} : vector<1000x64xf32>, vector<64x16xf32>, vector<1000x16xf32> -> vector<1000x16xf32>
    %swap3A_199 = arith.constant 0 : index
    %swap3A_200 = arith.constant 0 : index
    %swap3A_201 = vector.load %arg8[%swap3A_199, %swap3A_200] : memref<1000x16xf32, #tpu.memory_space<vmem>>, vector<1000x16xf32>
    tpu.vector_store %arg8[%swap3A_199, %swap3A_200], %dot_general3A_198 {strides = array<i32>} : memref<1000x16xf32, #tpu.memory_space<vmem>>, vector<1000x16xf32>,
    %get3A_202 = arith.constant 0 : index
    %get3A_203 = arith.constant 0 : index
    %get3A_204 = vector.load %arg6[%get3A_202, %get3A_203] : memref<64x16xf32, #tpu.memory_space<vmem>>, vector<64x16xf32>
    %dot_general3A_205 = arith.constant dense<0.000000e+00> : vector<1000x16xf32>
    %dot_general3A_206 = tpu.matmul %add3A_191, %get3A_204, %dot_general3A_205 {dimension_numbers = #tpu.dot_dimension_numbers<[1], [0], [0], [1], [0, 0, 1, 1], [], []>, transpose_lhs_hint = false} : vector<1000x64xf32>, vector<64x16xf32>, vector<1000x16xf32> -> vector<1000x16xf32>
    %swap3A_207 = arith.constant 0 : index
    %swap3A_208 = arith.constant 0 : index
    %swap3A_209 = vector.load %arg9[%swap3A_207, %swap3A_208] : memref<1000x16xf32, #tpu.memory_space<vmem>>, vector<1000x16xf32>
    tpu.vector_store %arg9[%swap3A_207, %swap3A_208], %dot_general3A_206 {strides = array<i32>} : memref<1000x16xf32, #tpu.memory_space<vmem>>, vector<1000x16xf32>,
    return
  }
  func.func @transform_0(%arg0: i32) -> (i32, i32, i32, i32) {
    %c0_i32 = arith.constant 0 : i32
    %c0_i32_0 = arith.constant 0 : i32
    %c0_i32_1 = arith.constant 0 : i32
    %c0_i32_2 = arith.constant 0 : i32
    return %c0_i32, %c0_i32_0, %arg0, %c0_i32_1 : i32, i32, i32, i32
  }
  func.func @transform_1(%arg0: i32) -> (i32, i32, i32) {
    %c0_i32 = arith.constant 0 : i32
    %c0_i32_0 = arith.constant 0 : i32
    %c0_i32_1 = arith.constant 0 : i32
    return %c0_i32, %arg0, %c0_i32_0 : i32, i32, i32
  }
  func.func @transform_2(%arg0: i32) -> (i32, i32, i32) {
    %c0_i32 = arith.constant 0 : i32
    %c0_i32_0 = arith.constant 0 : i32
    %c0_i32_1 = arith.constant 0 : i32
    %c0_i32_2 = arith.constant 0 : i32
    return %c0_i32, %c0_i32_0, %c0_i32_1 : i32, i32, i32
  }
  func.func @transform_3(%arg0: i32) -> (i32, i32, i32) {
    %c0_i32 = arith.constant 0 : i32
    %c0_i32_0 = arith.constant 0 : i32
    %c0_i32_1 = arith.constant 0 : i32
    %c0_i32_2 = arith.constant 0 : i32
    return %c0_i32, %c0_i32_0, %c0_i32_1 : i32, i32, i32
  }
  func.func @transform_4(%arg0: i32) -> (i32, i32) {
    %c0_i32 = arith.constant 0 : i32
    %c0_i32_0 = arith.constant 0 : i32
    %c0_i32_1 = arith.constant 0 : i32
    return %c0_i32, %c0_i32_0 : i32, i32
  }
  func.func @transform_5(%arg0: i32) -> (i32, i32) {
    %c0_i32 = arith.constant 0 : i32
    %c0_i32_0 = arith.constant 0 : i32
    %c0_i32_1 = arith.constant 0 : i32
    return %c0_i32, %c0_i32_0 : i32, i32
  }
  func.func @transform_6(%arg0: i32) -> (i32, i32) {
    %c0_i32 = arith.constant 0 : i32
    %c0_i32_0 = arith.constant 0 : i32
    return %arg0, %c0_i32 : i32, i32
  }
  func.func @transform_7(%arg0: i32) -> (i32, i32) {
    %c0_i32 = arith.constant 0 : i32
    %c0_i32_0 = arith.constant 0 : i32
    return %arg0, %c0_i32 : i32, i32
  }
  func.func @transform_8(%arg0: i32) -> (i32, i32) {
    %c0_i32 = arith.constant 0 : i32
    %c0_i32_0 = arith.constant 0 : i32
    return %arg0, %c0_i32 : i32, i32
  }
}

module attributes {stable_mosaic.version = 14 : i64} {
  func.func @_tc_classify_kernel(%arg0: i32, %arg1: memref<1x2x10000x128xf32, #tpu.memory_space<vmem>>, %arg2: memref<2x10000x128xf32, #tpu.memory_space<vmem>>, %arg3: memref<1x64xf32, #tpu.memory_space<vmem>>, %arg4: memref<10000x64xf32, #tpu.memory_space<vmem>>, %arg5: memref<64x10xf32, #tpu.memory_space<vmem>>, %arg6: memref<1x10xf32, #tpu.memory_space<vmem>>, %arg7: memref<64x10xf32, #tpu.memory_space<vmem>>) attributes {dimension_semantics = [#tpu.dimension_semantics<arbitrary>], iteration_bounds = array<i64: 1>, scalar_prefetch = 0 : i64, scratch_operands = 0 : i64, tpu.core_type = #tpu.core_type<tc>, window_params = [{transform_indices = @transform_0, window_bounds = array<i64: 1, 2, 10000, 128>}, {transform_indices = @transform_1, window_bounds = array<i64: 2, 10000, 128>}, {pipeline_mode = #tpu.pipeline_mode<synchronous>, transform_indices = @transform_2, window_bounds = array<i64: 1, 64>}, {pipeline_mode = #tpu.pipeline_mode<synchronous>, transform_indices = @transform_3, window_bounds = array<i64: 10000, 64>}, {pipeline_mode = #tpu.pipeline_mode<synchronous>, transform_indices = @transform_4, window_bounds = array<i64: 64, 10>}, {pipeline_mode = #tpu.pipeline_mode<synchronous>, transform_indices = @transform_5, window_bounds = array<i64: 1, 10>}, {pipeline_mode = #tpu.pipeline_mode<synchronous>, transform_indices = @transform_6, window_bounds = array<i64: 64, 10>}]} {
    %get3A = arith.constant 0 : index
    %get3A_0 = arith.constant 0 : index
    %get3A_1 = arith.constant 0 : index
    %get3A_2 = arith.constant 0 : index
    %get3A_3 = vector.load %arg1[%get3A, %get3A_0, %get3A_1, %get3A_2] : memref<1x2x10000x128xf32, #tpu.memory_space<vmem>>, vector<1x1x10000x64xf32>
    %get3A_4 = vector.shape_cast %get3A_3 : vector<1x1x10000x64xf32> to vector<10000x64xf32>
    %get3A_5 = arith.constant 0 : index
    %get3A_6 = arith.constant 1 : index
    %get3A_7 = arith.constant 0 : index
    %get3A_8 = arith.constant 0 : index
    %get3A_9 = vector.load %arg1[%get3A_5, %get3A_6, %get3A_7, %get3A_8] : memref<1x2x10000x128xf32, #tpu.memory_space<vmem>>, vector<1x1x10000x64xf32>
    %get3A_10 = vector.shape_cast %get3A_9 : vector<1x1x10000x64xf32> to vector<10000x64xf32>
    %add3A = arith.addf %get3A_4, %get3A_10 : vector<10000x64xf32>
    %get3A_11 = arith.constant 0 : index
    %get3A_12 = arith.constant 0 : index
    %get3A_13 = arith.constant 0 : index
    %get3A_14 = vector.load %arg2[%get3A_11, %get3A_12, %get3A_13] : memref<2x10000x128xf32, #tpu.memory_space<vmem>>, vector<1x10000x1xf32>
    %get3A_15 = vector.shape_cast %get3A_14 : vector<1x10000x1xf32> to vector<10000xf32>
    %get3A_16 = arith.constant 1 : index
    %get3A_17 = arith.constant 0 : index
    %get3A_18 = arith.constant 0 : index
    %get3A_19 = vector.load %arg2[%get3A_16, %get3A_17, %get3A_18] : memref<2x10000x128xf32, #tpu.memory_space<vmem>>, vector<1x10000x1xf32>
    %get3A_20 = vector.shape_cast %get3A_19 : vector<1x10000x1xf32> to vector<10000xf32>
    %add3A_21 = arith.addf %get3A_15, %get3A_20 : vector<10000xf32>
    %broadcast_in_dim3A = vector.shape_cast %add3A_21 : vector<10000xf32> to vector<10000x1xf32>
    %add3A_22 = arith.constant 1.000000e-16 : f32
    %add3A_23 = vector.broadcast %add3A_22 : f32 to vector<10000x1xf32>
    %add3A_24 = arith.addf %broadcast_in_dim3A, %add3A_23 : vector<10000x1xf32>
    %div3A = vector.broadcast %add3A_24 : vector<10000x1xf32> to vector<10000x64xf32>
    %div3A_25 = arith.divf %add3A, %div3A : vector<10000x64xf32>
    %get3A_26 = arith.constant 0 : index
    %get3A_27 = arith.constant 0 : index
    %get3A_28 = vector.load %arg3[%get3A_26, %get3A_27] : memref<1x64xf32, #tpu.memory_space<vmem>>, vector<1x64xf32>
    %get3A_29 = vector.shape_cast %get3A_28 : vector<1x64xf32> to vector<64xf32>
    %broadcast_in_dim3A_30 = vector.shape_cast %get3A_29 : vector<64xf32> to vector<1x64xf32>
    %add3A_31 = vector.broadcast %broadcast_in_dim3A_30 : vector<1x64xf32> to vector<10000x64xf32>
    %add3A_32 = arith.addf %div3A_25, %add3A_31 : vector<10000x64xf32>
    %max3A = arith.constant 0.000000e+00 : f32
    %max3A_33 = vector.broadcast %max3A : f32 to vector<10000x64xf32>
    %max3A_34 = arith.maximumf %add3A_32, %max3A_33 : vector<10000x64xf32>
    %get3A_35 = arith.constant 0 : index
    %get3A_36 = arith.constant 0 : index
    %get3A_37 = vector.load %arg4[%get3A_35, %get3A_36] : memref<10000x64xf32, #tpu.memory_space<vmem>>, vector<10000x64xf32>
    %dot_general3A = arith.constant dense<0.000000e+00> : vector<64x64xf32>
    %dot_general3A_38 = tpu.matmul %get3A_37, %max3A_34, %dot_general3A {dimension_numbers = #tpu.dot_dimension_numbers<[0], [0], [1], [1], [0, 1, 1, 1], [], []>, transpose_lhs_hint = false} : vector<10000x64xf32>, vector<10000x64xf32>, vector<64x64xf32> -> vector<64x64xf32>
    %get3A_39 = arith.constant 0 : index
    %get3A_40 = arith.constant 0 : index
    %get3A_41 = vector.load %arg4[%get3A_39, %get3A_40] : memref<10000x64xf32, #tpu.memory_space<vmem>>, vector<10000x64xf32>
    %reduce_sum3A = arith.constant dense<0.000000e+00> : vector<64xf32>
    %reduce_sum3A_42 = vector.multi_reduction <add>, %get3A_41, %reduce_sum3A [0] : vector<10000x64xf32> to vector<64xf32>
    %max3A_43 = arith.constant 1.000000e+00 : f32
    %max3A_44 = vector.broadcast %max3A_43 : f32 to vector<64xf32>
    %max3A_45 = arith.maximumf %reduce_sum3A_42, %max3A_44 : vector<64xf32>
    %broadcast_in_dim3A_46 = vector.shape_cast %max3A_45 : vector<64xf32> to vector<64x1xf32>
    %div3A_47 = vector.broadcast %broadcast_in_dim3A_46 : vector<64x1xf32> to vector<64x64xf32>
    %div3A_48 = arith.divf %dot_general3A_38, %div3A_47 : vector<64x64xf32>
    %get3A_49 = arith.constant 0 : index
    %get3A_50 = arith.constant 0 : index
    %get3A_51 = vector.load %arg5[%get3A_49, %get3A_50] : memref<64x10xf32, #tpu.memory_space<vmem>>, vector<64x10xf32>
    %dot_general3A_52 = arith.constant dense<0.000000e+00> : vector<64x10xf32>
    %dot_general3A_53 = tpu.matmul %div3A_48, %get3A_51, %dot_general3A_52 {dimension_numbers = #tpu.dot_dimension_numbers<[1], [0], [0], [1], [0, 0, 1, 1], [], []>, transpose_lhs_hint = false} : vector<64x64xf32>, vector<64x10xf32>, vector<64x10xf32> -> vector<64x10xf32>
    %get3A_54 = arith.constant 0 : index
    %get3A_55 = arith.constant 0 : index
    %get3A_56 = vector.load %arg6[%get3A_54, %get3A_55] : memref<1x10xf32, #tpu.memory_space<vmem>>, vector<1x10xf32>
    %get3A_57 = vector.shape_cast %get3A_56 : vector<1x10xf32> to vector<10xf32>
    %broadcast_in_dim3A_58 = vector.shape_cast %get3A_57 : vector<10xf32> to vector<1x10xf32>
    %add3A_59 = vector.broadcast %broadcast_in_dim3A_58 : vector<1x10xf32> to vector<64x10xf32>
    %add3A_60 = arith.addf %dot_general3A_53, %add3A_59 : vector<64x10xf32>
    %swap3A = arith.constant 0 : index
    %swap3A_61 = arith.constant 0 : index
    %swap3A_62 = vector.load %arg7[%swap3A, %swap3A_61] : memref<64x10xf32, #tpu.memory_space<vmem>>, vector<64x10xf32>
    tpu.vector_store %arg7[%swap3A, %swap3A_61], %add3A_60 {strides = array<i32>} : memref<64x10xf32, #tpu.memory_space<vmem>>, vector<64x10xf32>,
    return
  }
  func.func @transform_0(%arg0: i32) -> (i32, i32, i32, i32) {
    %c0_i32 = arith.constant 0 : i32
    %c0_i32_0 = arith.constant 0 : i32
    %c0_i32_1 = arith.constant 0 : i32
    %c0_i32_2 = arith.constant 0 : i32
    %c0_i32_3 = arith.constant 0 : i32
    return %c0_i32, %c0_i32_0, %c0_i32_1, %c0_i32_2 : i32, i32, i32, i32
  }
  func.func @transform_1(%arg0: i32) -> (i32, i32, i32) {
    %c0_i32 = arith.constant 0 : i32
    %c0_i32_0 = arith.constant 0 : i32
    %c0_i32_1 = arith.constant 0 : i32
    %c0_i32_2 = arith.constant 0 : i32
    return %c0_i32, %c0_i32_0, %c0_i32_1 : i32, i32, i32
  }
  func.func @transform_2(%arg0: i32) -> (i32, i32) {
    %c0_i32 = arith.constant 0 : i32
    %c0_i32_0 = arith.constant 0 : i32
    %c0_i32_1 = arith.constant 0 : i32
    return %c0_i32, %c0_i32_0 : i32, i32
  }
  func.func @transform_3(%arg0: i32) -> (i32, i32) {
    %c0_i32 = arith.constant 0 : i32
    %c0_i32_0 = arith.constant 0 : i32
    %c0_i32_1 = arith.constant 0 : i32
    return %c0_i32, %c0_i32_0 : i32, i32
  }
  func.func @transform_4(%arg0: i32) -> (i32, i32) {
    %c0_i32 = arith.constant 0 : i32
    %c0_i32_0 = arith.constant 0 : i32
    %c0_i32_1 = arith.constant 0 : i32
    return %c0_i32, %c0_i32_0 : i32, i32
  }
  func.func @transform_5(%arg0: i32) -> (i32, i32) {
    %c0_i32 = arith.constant 0 : i32
    %c0_i32_0 = arith.constant 0 : i32
    %c0_i32_1 = arith.constant 0 : i32
    return %c0_i32, %c0_i32_0 : i32, i32
  }
  func.func @transform_6(%arg0: i32) -> (i32, i32) {
    %c0_i32 = arith.constant 0 : i32
    %c0_i32_0 = arith.constant 0 : i32
    %c0_i32_1 = arith.constant 0 : i32
    return %c0_i32, %c0_i32_0 : i32, i32
  }
}

</mosaic_0001>

<sc_bundles>
// kernel: kernel.12.cloned.1.call-start
scs
__scs_entry_jumppad:
0x0: {  	(pc) =	sbr.rel $0x88, $3  }
0x1: {  	(tag) =	ssettag $0x0;
	lr =	simm.s32 $0x1  }
0x2: {  	[smem:$0x3F94] =	sst lr;
	_ =	strace $0xD0000000  }
0x3: {  	_ = 	snop  }
0x4: {  	_ = 	snop  }
0x5: {  	_ = 	snop  }
0x6: {  	_ = 	snop  }
0x7: {  	_ = 	snop  }
__scs_overlays_trampoline_lowered:
0x8: {  	[smem:$0x3FA3] =	sst s0  }
0x9: {  	[smem:$0x3FA4] =	sst s1  }
0xa: {  	[smem:$0x3FA5] =	sst s2  }
0xb: {  	[smem:$0x3FA6] =	sst s3  }
0xc: {  	[smem:$0x3FA7] =	sst s4  }
0xd: {  	[smem:$0x3FA8] =	sst s5  }
0xe: {  	[smem:$0x3FA9] =	sst s6  }
0xf: {  	[smem:$0x3FAA] =	sst s7  }
0x10: {  	[smem:$0x3FAB] =	sst s8  }
0x11: {  	[smem:$0x3FAC] =	sst s9;
	s0 =	simm.s32 @!p0 $0x0  }
0x12: {  	s1 =	sld [smem:$0x3F92];
	s0 =	simm.s32 @p0 $0x1  }
0x13: {  	[smem:$0x3FAD] =	sst s0;
	s0 =	simm.s32 @!p1 $0x0  }
0x14: {  	s2 =	sld [smem:$0x3F91];
	s0 =	simm.s32 @p1 $0x1  }
0x15: {  	[smem:$0x3FAE] =	sst s0;
	s0 =	simm.s32 @!p2 $0x0  }
0x16: {  	s3 =	sld [smem:$0x3FDB];
	s0 =	simm.s32 @p2 $0x1  }
0x17: {  	s4 =	simm.s32 $0x1BF5;
	[smem:$0x3FB0] =	sst s0  }
0x18: {  	s0 =	sld [smem:$0x3F93];
	_ =	swait.ge [sflag:s4], $0x0  }
0x19: {  	s7 =	sld [smem:$0x3F94]  }
0x1a: {  	s8 =	sadd.s32 $0xFFFFE003, lr  }
0x1b: {  	s9 =	sadd.s32 $0xFFFFFEF7, lr;
	s5 =	simm.s32 $0xFFFFFFFF;
	p2 =	slt.u32 s8, $0xFFFFF086  }
0x1c: {  	p1 =	slt.u32 s9, $0xF7A;
	s5 =	simm.s32 @!p2 $0x0  }
0x1d: {  	s5 =	simm.s32 @p1 $0x1;
	p0 =	seq.s32 s7, s2  }
0x1e: {  	s7 =	smul.u32 @!p0 $0xF7A, s2;
	p2 =	seq.s32 @!p0 s5, $0x0  }
0x1f: {  	s9 =	smul.u32 $0xF7A, s1;
	s8 =	simm.s32 @!p0 $0x1BF5;
	p2 =	por !p2, p0  }
0x20: {  	[sflag:s8] =	ssyncset.s32 @!p0 $0xFFFFF086;
	s6 =	sadd.s32 @!p0 s3, s7;
	s7 =	simm.s32 @!p0 $0x108  }
0x21: {  	s3 =	sadd.s32 s3, s9;
	s6 =	sadd.s32 @!p0 $0x88, s6;
	s7 =	simm.s32 @p2 $0x1082  }
0x22: {  	[simem:s7], [sflag:s8] =	dma.local @!p0 [hbm:s6], $0xF7A  }
0x23: {  	s9 =	sor.u32 $0xD0000000, s2;
	s6 =	simm.s32 $0x108;
	_ =	swait.ge @!p0 [sflag:s8], $0x0  }
0x24: {  	s3 =	sadd.s32 $0x88, s3;
	s6 =	simm.s32 @!p1 $0x1082;
	[sflag:s4] =	ssyncset.s32 $0xFFFFF086  }
0x25: {  	[simem:s6], [sflag:s4] =	dma.local [hbm:s3], $0xF7A  }
0x26: {  	[smem:$0x3F94] =	sst s1;
	(tag) =	ssettag s2;
	_ =	strace s9  }
0x27: {  	s1 =	sld [smem:$0x3FA4]  }
0x28: {  	s2 =	sld [smem:$0x3FA5]  }
0x29: {  	s4 =	sld [smem:$0x3FA7]  }
0x2a: {  	p0 =	seq.s32 s5, $0x0;
	s5 =	sld [smem:$0x3FA8]  }
0x2b: {  	s6 =	sld [smem:$0x3FA9]  }
0x2c: {  	s7 =	sld [smem:$0x3FAA]  }
0x2d: {  	s3 =	simm.s32 $0x108;
	s8 =	sld [smem:$0x3FAB]  }
0x2e: {  	s3 =	simm.s32 @!p0 $0x1082;
	s9 =	sld [smem:$0x3FAC]  }
0x2f: {  	lr =	sadd.s32 s0, s3;
	s0 =	sld [smem:$0x3FA3]  }
0x30: {  	s3 =	sld [smem:$0x3FA6]  }
0x31: {  	[smem:$0x3FAF] =	sst s10  }
0x32: {  	s10 =	sld [smem:$0x3FAD];
	_ =	sdelay $0x3  }
0x33: {  	p0 =	seq.s32 s10, $0x1;
	s10 =	sld [smem:$0x3FAF];
	_ =	sdelay $0x3  }
0x34: {  	[smem:$0x3FAF] =	sst s10  }
0x35: {  	s10 =	sld [smem:$0x3FAE];
	_ =	sdelay $0x3  }
0x36: {  	p1 =	seq.s32 s10, $0x1;
	s10 =	sld [smem:$0x3FAF];
	_ =	sdelay $0x3  }
0x37: {  	[smem:$0x3FAF] =	sst s10  }
0x38: {  	s10 =	sld [smem:$0x3FB0]  }
0x39: {  	_ = 	snop;
	(pc) =	sbr.ind lr, $3  }
0x3a: {  	_ = 	snop  }
0x3b: {  	_ = 	snop  }
0x3c: {  	p2 =	seq.s32 s10, $0x1;
	s10 =	sld [smem:$0x3FAF]  }
0x3d: {  	_ =	shalt  }
0x3e: {  	_ =	shalt  }
0x3f: {  	_ =	shalt  }
0x40: {  	_ =	shalt  }
0x41: {  	_ =	shalt  }
0x42: {  	_ =	shalt  }
0x43: {  	_ =	shalt  }
0x44: {  	_ =	shalt  }
0x45: {  	_ =	shalt  }
0x46: {  	_ =	shalt  }
0x47: {  	_ =	shalt  }
0x48: {  	_ =	shalt  }
0x49: {  	_ =	shalt  }
0x4a: {  	_ =	shalt  }
0x4b: {  	_ =	shalt  }
0x4c: {  	_ =	shalt  }
0x4d: {  	_ =	shalt  }
0x4e: {  	_ =	shalt  }
0x4f: {  	_ =	shalt  }
0x50: {  	_ =	shalt  }
0x51: {  	_ =	shalt  }
0x52: {  	_ =	shalt  }
0x53: {  	_ =	shalt  }
0x54: {  	_ =	shalt  }
0x55: {  	_ =	shalt  }
0x56: {  	_ =	shalt  }
0x57: {  	_ =	shalt  }
0x58: {  	_ =	shalt  }
0x59: {  	_ =	shalt  }
0x5a: {  	_ =	shalt  }
0x5b: {  	_ =	shalt  }
0x5c: {  	_ =	shalt  }
0x5d: {  	_ =	shalt  }
0x5e: {  	_ =	shalt  }
0x5f: {  	_ =	shalt  }
0x60: {  	_ =	shalt  }
0x61: {  	_ =	shalt  }
0x62: {  	_ =	shalt  }
0x63: {  	_ =	shalt  }
0x64: {  	_ =	shalt  }
0x65: {  	_ =	shalt  }
0x66: {  	_ =	shalt  }
0x67: {  	_ =	shalt  }
0x68: {  	_ =	shalt  }
0x69: {  	_ =	shalt  }
0x6a: {  	_ =	shalt  }
0x6b: {  	_ =	shalt  }
0x6c: {  	_ =	shalt  }
0x6d: {  	_ =	shalt  }
0x6e: {  	_ =	shalt  }
0x6f: {  	_ =	shalt  }
0x70: {  	_ =	shalt  }
0x71: {  	_ =	shalt  }
0x72: {  	_ =	shalt  }
0x73: {  	_ =	shalt  }
0x74: {  	_ =	shalt  }
0x75: {  	_ =	shalt  }
0x76: {  	_ =	shalt  }
0x77: {  	_ =	shalt  }
0x78: {  	_ =	shalt  }
0x79: {  	_ =	shalt  }
0x7a: {  	_ =	shalt  }
0x7b: {  	_ =	shalt  }
0x7c: {  	_ =	shalt  }
0x7d: {  	_ =	shalt  }
0x7e: {  	_ =	shalt  }
0x7f: {  	_ =	shalt  }
0x80: {  	_ =	shalt  }
0x81: {  	_ =	shalt  }
0x82: {  	_ =	shalt  }
0x83: {  	_ =	shalt  }
0x84: {  	_ =	shalt  }
0x85: {  	_ =	shalt  }
0x86: {  	_ =	shalt  }
0x87: {  	_ =	shalt  }
.Lfunc_end0:
.L_simem_size_0:
called_computation.1_lowered:
.L_overlay_start_0:
0x88: {  	s2 =	sld [smem:$0x3FD9]  }
0x89: {  	s3 =	sld [smem:$0x3FFE];
	_ =	sdelay $0x1  }
0x8a: {  	s1 =	srdreg.scid  }
0x8b: {  	s0 =	sand.u32 $0x1, s1  }
0x8c: {  	s16 =	sshll.u32 s0, $0xA;
	s2 =	sadd.s32 s3, s2  }
0x8d: {  	s2 =	sadd.s32 s2, s16  }
0x8e: {  	[smem:$0x3FBB] =	sst s2  }
0x8f: {  	_ = 	snop  }
0x90: {  	(tm) =	ssettm $0x1  }
0x91: {  	s17 =	sld [smem:$0x3FFB];
	_ =	sdelay $0x3  }
0x92: {  	_ =	strace s17  }
0x93: {  	s2 =	sld [smem:$0x3FFC];
	_ =	sdelay $0x3  }
0x94: {  	_ =	strace s2  }
0x95: {  	s2 =	sld [smem:$0x3FFD];
	_ =	sdelay $0x3  }
0x96: {  	_ =	strace s2  }
0x97: {  	_ =	strace $0x8FFFFFFF  }
0x98: {  	s18 =	sld [smem:$0x3FDB];
	_ =	sdelay $0x1  }
0x99: {  	s19 =	simm.s32 $_scs_section_size  }
0x9a: {  	s4 =	simm.s32 $_size__tile_overlayer_lowered;
	s5 =	simm.s32 $_tile_overlayer_lowered  }
0x9b: {  	s22 =	simm.s32 $0x1BFF;
	s21 =	sshll.u32 s5, $0x1;
	s2 =	sadd.s32 s19, s18  }
0x9c: {  	s6 =	simm.s32 $0x0;
	s20 =	sshll.u32 s4, $0x1;
	s4 =	sadd.s32 s21, s2  }
0x9d: {  	[timem:s6], [sflag:s22] =	dma.local [hbm:s4], s20  }
0x9e: {  	_ =	swait.ge [sflag:s22], s20  }
0x9f: {  	s3 =	ssub.s32 $0x0, s20;
	[sflag:s22] =	ssyncset.done $0x0  }
0xa0: {  	[sflag:s22] =	ssyncadd.s32 s3;
	_ =	sdelay $0x1  }
0xa1: {  	s23 =	simm.s32 $0x1B8B  }
0xa2: {  	_ =	swait.ge [sflag:s23], $0x1  }
0xa3: {  	[sflag:s23] =	ssyncset.done $0x0  }
0xa4: {  	s25 =	simm.s32 $0x1B8E;
	s24 =	sld [smem:$0x3FFE];
	[sflag:s23] =	ssyncadd.s32 $0xFFFFFFFF  }
0xa5: {  	s26 =	simm.s32 $execute0_lowered;
	[smem:$0x3FD2] =	sst s25  }
0xa6: {  	s4 =	sshll.u32 s26, $0x1;
	_ =	strace $0x80000049;
	[dreg:$0x1] =	wrdreg $0xFFFFFFFF  }
0xa7: {  	s28 =	simm.s32 $_size_execute0_lowered;
	s2 =	sadd.s32 s2, s4;
	[dreg:$0x0] =	wrdreg $0x0  }
0xa8: {  	s4 =	sshll.u32 s28, $0x1;
	[dreg:$0x2] =	wrdreg s2  }
0xa9: {  	[dreg:$0x3] =	wrdreg s4  }
0xaa: {  	[dreg:$0x4] =	wrdreg $0xC0  }
0xab: {  	_ =	task [dreg:s6], $0x5FFFF  }
0xac: {  	[dreg:$0x1] =	wrdreg $0xFFFFFFFF  }
0xad: {  	[dreg:$0x0] =	wrdreg $0x60  }
0xae: {  	[dreg:$0x2] =	wrdreg s24  }
0xaf: {  	[dreg:$0x3] =	wrdreg $0xC1800  }
0xb0: {  	[dreg:$0x4] =	wrdreg $0x9  }
0xb1: {  	_ =	task.clear_ibuf [dreg:s6], $0x5FFFF;
	_ =	strace $0x90000049  }
0xb2: {  	s29 =	simm.s32 $0x9;
	_ =	strace $0x8000004B  }
0xb3: {  	_ =	swait.ge [sflag:s29], $0x1  }
0xb4: {  	[sflag:s29] =	ssyncadd.s32 $0xFFFFFFFF  }
0xb5: {  	_ =	strace $0x9000004B  }
0xb6: {  	_ =	sfence  }
0xb7: {  	s30 =	sld [smem:$0x0];
	_ =	sdelay $0x2  }
0xb8: {  	s31 =	sshll.u32 s1, $0xD;
	s1 =	sshrl.u32 s1, $0x2  }
0xb9: {  	s3 =	sand.u32 $0x4000, s31;
	s1 =	sadd.s32 s1, s30  }
0xba: {  	s0 =	sor.u32 s3, s0;
	s1 =	sshll.u32 s1, $0x11  }
0xbb: {  	s0 =	sor.u32 s1, s0  }
0xbc: {  	s0 =	sadd.s32 $0x8F2B, s0  }
0xbd: {  	[sflag:s0] =	ssyncadd.remote.s32 $0x1  }
0xbe: {  	_ =	sfence.sel $0xFFFF  }
0xbf: {  	[dreg:$0x0] =	wrdreg $0xFFFFFFFF;
	(pc) =	sbr.abs _section_cstart, $3  }
0xc0: {  	[dreg:$0x1] =	wrdreg $0xFFFFFFFF  }
0xc1: {  	_ =	task.clear_ibuf [dreg:s6], $0x2FFFF;
	_ =	strace $0x9FFFFFFF  }
0xc2: {  	(tm) =	ssettm $0x7FFFFFFF  }
0xc3: {  	_ =	shalt  }
tec
execute0_lowered:
.L_overlay_start_1:
0x0: {  	(tag) =	ssettag $0x1  }
0x1: {  	s9 =	rddreg [dreg:$0x0]  }
0x2: {  	s2 =	rddreg [dreg:$0x1];
	s4 =	srdreg.scid  }
0x3: {  	s1 =	stileid.u32;
	s3 =	simm.s32 $0x0;
	s16 =	simm.s32 $0x8180  }
0x4: {  	s17 =	simm.s32 $0x2;
	s20 =	simm.s32 $0x100;
	s21 =	simm.s32 $0x180  }
0x5: {  	s22 =	simm.s32 $0x80;
	s23 =	simm.s32 $0x4180;
	s24 =	simm.s32 $0x1  }
0x6: {  	s25 =	simm.s32 $0x0;
	s10 =	sand.u32 $0x1, s4;
	s11 =	smul.u32 $0x13C00, s1  }
0x7: {  	[smem:$0x7FF] =	sst s3;
	s4 =	sadd.s32 $0x3000, s9;
	s5 =	sadd.s32 $0xD200, s9  }
0x8: {  	s6 =	sadd.s32 $0xDBE00, s9;
	s7 =	sadd.s32 $0x63AE00, s9;
	s13 =	smul.u32 $0x4F000, s1  }
0x9: {  	s29 =	sshll.u32 s1, $0x1;
	s18 =	sshll.u32 s1, $0x6;
	s8 =	smul.u32 $0x13C000, s10  }
0xa: {  	_ =	strace $0x8000004A;
	s28 =	ssub.s32 $0x2, s10;
	s10 =	sor.u32 s10, s29  }
0xb: {  	s18 =	sor.u32 $0x1C02, s18;
	s15 =	sshrl.u32 s28, $0x1;
	s30 =	sshrl.u32 s13, $0x2  }
0xc: {  	s31 =	sshrl.u32 s11, $0x3;
	s12 =	sadd.s32 s11, s8;
	s8 =	sadd.s32 $0xB4600, s9  }
0xd: {  	s15 =	ssub.s32 s28, s15;
	s19 =	sadd.s32 s30, s2;
	s12 =	sshrl.u32 s12, $0x3  }
0xe: {  	s15 =	smax.u32 s15, $0x1;
	s14 =	sadd.s32 s12, s9;
	s9 =	smul.u32 $0x51, s10  }
0xf: {  	s19 =	sshrl.u32 s19, $0x3;
	s10 =	sadd.s32 $0x6D8E00, s14;
	s11 =	sadd.s32 $0x727E00, s14  }
0x10: {  	s12 =	sadd.s32 s8, s31;
	s13 =	sadd.s32 $0x776E00, s14;
	s14 =	sadd.s32 $0x7C5E00, s14  }
.LBB2_1:
0x11: {  	[tilespmem:s16], [sflag:$0x2] =	stream.linear.gather [hbm4b:s8+s3], $0x4000, $0x38;
	[tilespmem:$0x1FD80] =	vst v63  }
0x12: {  	_ =	swait.ge [sflag:s17], $0x4000  }
0x13: {  	[sflag:s17] =	ssyncset.done $0x0  }
0x14: {  	[sflag:s17] =	ssyncadd.s32 $0xFFFFC000  }
0x15: {  	[spmem:s19], [sflag:s18] =	dma.local [hbm:s12], $0x2780  }
0x16: {  	_ =	swait.ge [sflag:s17], $0x2780  }
0x17: {  	[sflag:s17] =	ssyncset.done $0x0  }
0x18: {  	[sflag:s17] =	ssyncadd.s32 $0xFFFFD880  }
0x19: {  	s26 =	simm.s32 $0x0;
	[bflag:$0x0] =	sbarrier.arrive $0xFFFF  }
.LBB2_2:
0x1a: {  	s28 =	sadd.s32 s9, s26  }
0x1b: {  	s29 =	sshll.u32 s28, $0x4  }
0x1c: {  	s31 =	simm.s32 $0x0;
	s30 =	sadd.s32 s4, s29  }
0x1d: {  	[tilespmem:s31], [sflag:$0x2] =	stream.linear.gather [hbm4b:s30+s31], $0x80, $0x38;
	[tilespmem:$0x1FD80] =	vst v63  }
0x1e: {  	_ =	swait.ge [sflag:s17], $0x80  }
0x1f: {  	[sflag:s17] =	ssyncset.done $0x0  }
0x20: {  	s29 =	sadd.s32 s5, s29;
	[sflag:s17] =	ssyncadd.s32 $0xFFFFFF80  }
0x21: {  	[tilespmem:s20], [sflag:$0x2] =	stream.linear.gather [hbm4b:s29+s31], $0x80, $0x38;
	[tilespmem:$0x1FD80] =	vst v63  }
0x22: {  	_ =	swait.ge [sflag:s17], $0x80  }
0x23: {  	s28 =	sshll.u32 s28, $0xB;
	[sflag:s17] =	ssyncset.done $0x0  }
0x24: {  	s28 =	sadd.s32 s6, s28;
	[sflag:s17] =	ssyncadd.s32 $0xFFFFFF80  }
0x25: {  	[tilespmem:s21], [sflag:$0x2] =	stream.linear.gather [hbm4b:s28+s31], $0x4000, $0x38;
	[tilespmem:$0x1FD80] =	vst v63  }
0x26: {  	_ =	swait.ge [sflag:s17], $0x4000  }
0x27: {  	[sflag:s17] =	ssyncset.done $0x0  }
0x28: {  	[sflag:s17] =	ssyncadd.s32 $0xFFFFC000  }
0x29: {  	v0 =	vld [tilespmem:$0x0]  }
0x2a: {  	v1 =	vld [tilespmem:$0x10]  }
0x2b: {  	v2 =	vld [tilespmem:$0x20]  }
0x2c: {  	v3 =	vld [tilespmem:$0x30]  }
0x2d: {  	v4 =	vld [tilespmem:$0x40]  }
0x2e: {  	[tilespmem:$0x80] =	vst v0;
	v0 =	vld [tilespmem:$0x50]  }
0x2f: {  	[tilespmem:$0x90] =	vst v1;
	v1 =	vld [tilespmem:$0x60]  }
0x30: {  	[tilespmem:$0xA0] =	vst v2;
	v2 =	vld [tilespmem:$0x70]  }
0x31: {  	[tilespmem:$0xB0] =	vst v3  }
0x32: {  	[tilespmem:$0xC0] =	vst v4  }
0x33: {  	[tilespmem:$0xD0] =	vst v0  }
0x34: {  	[tilespmem:$0xE0] =	vst v1  }
0x35: {  	[tilespmem:$0xF0] =	vst v2  }
0x36: {  	[tilespmem:s23], [sflag:$0x1] =	stream.indirect.gather [hbm4b:s7+s22], $0x80, s22, s22, $0xb8;
	[tilespmem:$0x1FD80] =	vst v63  }
0x37: {  	_ =	swait.ge [sflag:s24], $0x4000  }
0x38: {  	[sflag:s24] =	ssyncset.done $0x0  }
0x39: {  	s28 =	simm.s32 $0x0;
	[sflag:s24] =	ssyncadd.s32 $0xFFFFC000  }
0x3a: {  	v0 =	vld [tilespmem:s28+$0x4180]  }
0x3b: {  	s29 =	simm.s32 $0x200;
	v1 =	vld [tilespmem:s28+$0x4190]  }
.LBB2_3:
0x3c: {  	p0 =	sne.s32 s29, $0xFE00;
	v2 =	vld.msk [tilespmem:s28+$0x180 ss:$0x0], $0xffff  }
0x3d: {  	v3 =	vld [tilespmem:s28+$0x41A0]  }
0x3e: {  	v4 =	vld [tilespmem:s28+$0x41B0];
	_ =	sdelay $0x3  }
0x3f: {  	v0 =	vmul.f32 v2, v0;
	v1 =	vmul.f32 v1, v2  }
.Ltmp0:
0x40: {  	v3 =	vmul.f32 v3, v2;
	v2 =	vmul.f32 v4, v2;
	(pc) =	sbr.rel @p0 .LBB2_3-.Ltmp0, $4  }
0x41: {  	[tilespmem:s28+$0x8180] =	vst v0  }
0x42: {  	s30 =	sshra.s32 s29, $0x2;
	[tilespmem:s28+$0x8190] =	vst v1  }
0x43: {  	v0 =	vld [tilespmem:s30+$0x4180];
	[tilespmem:s28+$0x81A0] =	vst v3  }
0x44: {  	s29 =	sadd.s32 $0x200, s29;
	v1 =	vld [tilespmem:s30+$0x4190];
	[tilespmem:s28+$0x81B0] =	vst v2;
	s28 =	smov.u32 s30  }
0x45: {  	v2 =	vld.msk [tilespmem:s28+$0x180 ss:$0x0], $0xffff;
	_ =	sdelay $0x1  }
0x46: {  	v3 =	vld [tilespmem:s28+$0x41A0]  }
0x47: {  	v4 =	vld [tilespmem:s28+$0x41B0];
	_ =	sdelay $0x1  }
0x48: {  	v0 =	vmul.f32 v2, v0  }
0x49: {  	v1 =	vmul.f32 v1, v2  }
0x4a: {  	v3 =	vmul.f32 v3, v2;
	[tilespmem:s28+$0x8180] =	vst v0  }
0x4b: {  	s26 =	sadd.s32 $0x1, s26;
	v63 =	vmul.f32 v4, v2;
	[tilespmem:s28+$0x8190] =	vst v1  }
0x4c: {  	p0 =	sne.s32 s26, $0x51;
	[tilespmem:s28+$0x81A0] =	vst v3  }
.Ltmp1:
0x4d: {  	[tilespmem:s28+$0x81B0] =	vst v63;
	(pc) =	sbr.rel @p0 .LBB2_2-.Ltmp1, $4  }
0x4e: {  	[spmem:s2] =	stream.indirect.scatter.add.f32 [tilespmem:s16], [sflag:$0x2], $0x80, s20, s22, $0xb8;
	[tilespmem:$0x1FD80] =	vst v63  }
0x4f: {  	_ =	swait.ge [sflag:s17], $0x4000  }
0x50: {  	[sflag:s17] =	ssyncset.done $0x0  }
0x51: {  	[sflag:s17] =	ssyncadd.s32 $0xFFFFC000  }
0x52: {  	[bflag:$0x0] =	sbarrier.arrive $0xFFFF  }
0x53: {  	[hbm:s10], [sflag:s18] =	dma.local [spmem:s19], $0x2780  }
0x54: {  	_ =	swait.ge [sflag:s17], $0x2780  }
0x55: {  	[sflag:s17] =	ssyncset.done $0x0  }
0x56: {  	[sflag:s17] =	ssyncadd.s32 $0xFFFFD880  }
0x57: {  	[bflag:$0x0] =	sbarrier.arrive $0xFFFF  }
0x58: {  	[spmem:s19], [sflag:s18] =	dma.local [hbm:s12], $0x2780  }
0x59: {  	_ =	swait.ge [sflag:s17], $0x2780  }
0x5a: {  	[sflag:s17] =	ssyncset.done $0x0  }
0x5b: {  	[sflag:s17] =	ssyncadd.s32 $0xFFFFD880  }
0x5c: {  	s26 =	simm.s32 $0x0;
	s28 =	simm.s32 $0x0;
	[bflag:$0x0] =	sbarrier.arrive $0xFFFF  }
.LBB2_6:
0x5d: {  	s29 =	sadd.s32 s9, s28  }
0x5e: {  	s30 =	sshll.u32 s29, $0x4  }
0x5f: {  	s31 =	sadd.s32 s4, s30  }
0x60: {  	[tilespmem:s26], [sflag:$0x2] =	stream.linear.gather [hbm4b:s31+s26], $0x80, $0x38;
	[tilespmem:$0x1FD80] =	vst v63  }
0x61: {  	_ =	swait.ge [sflag:s17], $0x80  }
0x62: {  	[sflag:s17] =	ssyncset.done $0x0  }
0x63: {  	s30 =	sadd.s32 s5, s30;
	[sflag:s17] =	ssyncadd.s32 $0xFFFFFF80  }
0x64: {  	[tilespmem:s20], [sflag:$0x2] =	stream.linear.gather [hbm4b:s30+s26], $0x80, $0x38;
	[tilespmem:$0x1FD80] =	vst v63  }
0x65: {  	_ =	swait.ge [sflag:s17], $0x80  }
0x66: {  	s29 =	sshll.u32 s29, $0xB;
	[sflag:s17] =	ssyncset.done $0x0  }
0x67: {  	s29 =	sadd.s32 s6, s29;
	[sflag:s17] =	ssyncadd.s32 $0xFFFFFF80  }
0x68: {  	[tilespmem:s21], [sflag:$0x2] =	stream.linear.gather [hbm4b:s29+s26], $0x4000, $0x38;
	[tilespmem:$0x1FD80] =	vst v63  }
0x69: {  	_ =	swait.ge [sflag:s17], $0x4000  }
0x6a: {  	[sflag:s17] =	ssyncset.done $0x0  }
0x6b: {  	[sflag:s17] =	ssyncadd.s32 $0xFFFFC000  }
0x6c: {  	v0 =	vld [tilespmem:$0x0]  }
0x6d: {  	v1 =	vld [tilespmem:$0x10]  }
0x6e: {  	v2 =	vld [tilespmem:$0x20]  }
0x6f: {  	v3 =	vld [tilespmem:$0x30]  }
0x70: {  	v4 =	vld [tilespmem:$0x40]  }
0x71: {  	v5 =	vld [tilespmem:$0x50];
	v0 =	vadd.s32 $0x2780, v0  }
0x72: {  	[tilespmem:$0x80] =	vst v0;
	v0 =	vadd.s32 $0x2780, v1;
	v1 =	vld [tilespmem:$0x60]  }
0x73: {  	[tilespmem:$0x90] =	vst v0;
	v0 =	vadd.s32 $0x2780, v2;
	v2 =	vld [tilespmem:$0x70]  }
0x74: {  	[tilespmem:$0xA0] =	vst v0;
	v0 =	vadd.s32 $0x2780, v3  }
0x75: {  	[tilespmem:$0xB0] =	vst v0;
	v0 =	vadd.s32 $0x2780, v4  }
0x76: {  	[tilespmem:$0xC0] =	vst v0;
	v0 =	vadd.s32 $0x2780, v5  }
0x77: {  	[tilespmem:$0xD0] =	vst v0;
	v0 =	vadd.s32 $0x2780, v1  }
0x78: {  	[tilespmem:$0xE0] =	vst v0;
	v0 =	vadd.s32 $0x2780, v2  }
0x79: {  	[tilespmem:$0xF0] =	vst v0  }
0x7a: {  	[tilespmem:s23], [sflag:$0x1] =	stream.indirect.gather [hbm4b:s7+s22], $0x80, s22, s22, $0xb8;
	[tilespmem:$0x1FD80] =	vst v63  }
0x7b: {  	_ =	swait.ge [sflag:s24], $0x4000  }
0x7c: {  	[sflag:s24] =	ssyncset.done $0x0  }
0x7d: {  	s30 =	simm.s32 $0x0;
	[sflag:s24] =	ssyncadd.s32 $0xFFFFC000  }
0x7e: {  	v0 =	vld [tilespmem:s30+$0x180];
	_ =	sdelay $0x1  }
0x7f: {  	v1 =	vld [tilespmem:s30+$0x41B0]  }
0x80: {  	v4 =	vld [tilespmem:s30+$0x4180]  }
0x81: {  	v5 =	vld [tilespmem:s30+$0x4190]  }
0x82: {  	s29 =	simm.s32 $0x80;
	v7 =	vld [tilespmem:s30+$0x41A0];
	v8 =	vbroadcast v0, $0x1  }
0x83: {  	v2 =	vld [tilespmem:s29+$0x180]  }
0x84: {  	v3 =	vld [tilespmem:s29+$0x41B0];
	v6 =	vmul.f32 v1, v8  }
0x85: {  	v0 =	vld [tilespmem:s29+$0x4180];
	v9 =	vmul.f32 v8, v4  }
0x86: {  	v1 =	vld [tilespmem:s29+$0x4190];
	[tilespmem:s30+$0x81B0] =	vst v6;
	v6 =	vmul.f32 v5, v8  }
0x87: {  	s31 =	simm.s32 $0x400;
	v5 =	vmul.f32 v7, v8;
	v4 =	vld [tilespmem:s29+$0x41A0];
	[tilespmem:s30+$0x8180] =	vst v9  }
.LBB2_7:
0x88: {  	s0 =	sshra.s32 s31, $0x2;
	p0 =	sne.s32 s31, $0xFE00;
	s31 =	sadd.s32 $0x200, s31;
	v7 =	vbroadcast v2, $0x1;
	[tilespmem:s30+$0x8190] =	vst v6  }
.Ltmp2:
0x89: {  	v2 =	vld [tilespmem:s0+$0x180];
	[tilespmem:s30+$0x81A0] =	vst v5;
	s30 =	smov.u32 s29;
	s29 =	smov.u32 s0;
	(pc) =	sbr.rel @p0 .LBB2_7-.Ltmp2, $4  }
0x8a: {  	v8 =	vmul.f32 v7, v0;
	v0 =	vld [tilespmem:s29+$0x4180];
	v9 =	vmul.f32 v3, v7  }
0x8b: {  	v3 =	vld [tilespmem:s29+$0x41B0];
	v6 =	vmul.f32 v1, v7  }
0x8c: {  	v1 =	vld [tilespmem:s29+$0x4190];
	v5 =	vmul.f32 v4, v7;
	[tilespmem:s30+$0x81B0] =	vst v9  }
0x8d: {  	v4 =	vld [tilespmem:s29+$0x41A0];
	[tilespmem:s30+$0x8180] =	vst v8  }
0x8e: {  	v2 =	vbroadcast v2, $0x1;
	_ =	sdelay $0x1  }
0x8f: {  	[tilespmem:s30+$0x8190] =	vst v6;
	v3 =	vmul.f32 v3, v2  }
0x90: {  	[tilespmem:s30+$0x81A0] =	vst v5;
	v0 =	vmul.f32 v2, v0  }
0x91: {  	v1 =	vmul.f32 v1, v2;
	[tilespmem:s29+$0x81B0] =	vst v3  }
0x92: {  	s28 =	sadd.s32 $0x1, s28;
	v2 =	vmul.f32 v4, v2;
	[tilespmem:s29+$0x8180] =	vst v0  }
0x93: {  	p0 =	sne.s32 s28, $0x51;
	[tilespmem:s29+$0x8190] =	vst v1  }
.Ltmp3:
0x94: {  	[tilespmem:s29+$0x81A0] =	vst v2;
	(pc) =	sbr.rel @p0 .LBB2_6-.Ltmp3, $4  }
0x95: {  	[spmem:s2] =	stream.indirect.scatter.add.f32 [tilespmem:s16], [sflag:$0x2], $0x80, s20, s22, $0xb8;
	[tilespmem:$0x1FD80] =	vst v63  }
0x96: {  	_ =	swait.ge [sflag:s17], $0x4000  }
0x97: {  	[sflag:s17] =	ssyncset.done $0x0  }
0x98: {  	[sflag:s17] =	ssyncadd.s32 $0xFFFFC000  }
0x99: {  	[bflag:$0x0] =	sbarrier.arrive $0xFFFF  }
0x9a: {  	[hbm:s11], [sflag:s18] =	dma.local [spmem:s19], $0x2780  }
0x9b: {  	_ =	swait.ge [sflag:s17], $0x2780  }
0x9c: {  	[sflag:s17] =	ssyncset.done $0x0  }
0x9d: {  	[sflag:s17] =	ssyncadd.s32 $0xFFFFD880  }
0x9e: {  	[bflag:$0x0] =	sbarrier.arrive $0xFFFF  }
0x9f: {  	[spmem:s19], [sflag:s18] =	dma.local [hbm:s12], $0x2780  }
0xa0: {  	_ =	swait.ge [sflag:s17], $0x2780  }
0xa1: {  	[sflag:s17] =	ssyncset.done $0x0  }
0xa2: {  	[sflag:s17] =	ssyncadd.s32 $0xFFFFD880  }
0xa3: {  	s26 =	simm.s32 $0x0;
	s28 =	simm.s32 $0x0;
	[bflag:$0x0] =	sbarrier.arrive $0xFFFF  }
.LBB2_10:
0xa4: {  	s0 =	sadd.s32 s9, s28  }
0xa5: {  	s29 =	sshll.u32 s0, $0x4  }
0xa6: {  	s30 =	sadd.s32 s4, s29  }
0xa7: {  	[tilespmem:s26], [sflag:$0x2] =	stream.linear.gather [hbm4b:s30+s26], $0x80, $0x38;
	[tilespmem:$0x1FD80] =	vst v63  }
0xa8: {  	_ =	swait.ge [sflag:s17], $0x80  }
0xa9: {  	[sflag:s17] =	ssyncset.done $0x0  }
0xaa: {  	s29 =	sadd.s32 s5, s29;
	[sflag:s17] =	ssyncadd.s32 $0xFFFFFF80  }
0xab: {  	[tilespmem:s20], [sflag:$0x2] =	stream.linear.gather [hbm4b:s29+s26], $0x80, $0x38;
	[tilespmem:$0x1FD80] =	vst v63  }
0xac: {  	_ =	swait.ge [sflag:s17], $0x80  }
0xad: {  	s0 =	sshll.u32 s0, $0xB;
	[sflag:s17] =	ssyncset.done $0x0  }
0xae: {  	s0 =	sadd.s32 s6, s0;
	[sflag:s17] =	ssyncadd.s32 $0xFFFFFF80  }
0xaf: {  	[tilespmem:s21], [sflag:$0x2] =	stream.linear.gather [hbm4b:s0+s26], $0x4000, $0x38;
	[tilespmem:$0x1FD80] =	vst v63  }
0xb0: {  	_ =	swait.ge [sflag:s17], $0x4000  }
0xb1: {  	[sflag:s17] =	ssyncset.done $0x0  }
0xb2: {  	[sflag:s17] =	ssyncadd.s32 $0xFFFFC000  }
0xb3: {  	v0 =	vld [tilespmem:$0x0]  }
0xb4: {  	v1 =	vld [tilespmem:$0x10]  }
0xb5: {  	v2 =	vld [tilespmem:$0x20]  }
0xb6: {  	v3 =	vld [tilespmem:$0x30]  }
0xb7: {  	v4 =	vld [tilespmem:$0x40]  }
0xb8: {  	v5 =	vld [tilespmem:$0x50];
	v0 =	vadd.s32 $0x4F00, v0  }
0xb9: {  	[tilespmem:$0x80] =	vst v0;
	v0 =	vadd.s32 $0x4F00, v1;
	v1 =	vld [tilespmem:$0x60]  }
0xba: {  	[tilespmem:$0x90] =	vst v0;
	v0 =	vadd.s32 $0x4F00, v2;
	v2 =	vld [tilespmem:$0x70]  }
0xbb: {  	[tilespmem:$0xA0] =	vst v0;
	v0 =	vadd.s32 $0x4F00, v3  }
0xbc: {  	[tilespmem:$0xB0] =	vst v0;
	v0 =	vadd.s32 $0x4F00, v4  }
0xbd: {  	[tilespmem:$0xC0] =	vst v0;
	v0 =	vadd.s32 $0x4F00, v5  }
0xbe: {  	[tilespmem:$0xD0] =	vst v0;
	v0 =	vadd.s32 $0x4F00, v1  }
0xbf: {  	[tilespmem:$0xE0] =	vst v0;
	v0 =	vadd.s32 $0x4F00, v2  }
0xc0: {  	[tilespmem:$0xF0] =	vst v0  }
0xc1: {  	[tilespmem:s23], [sflag:$0x1] =	stream.indirect.gather [hbm4b:s7+s22], $0x80, s22, s22, $0xb8;
	[tilespmem:$0x1FD80] =	vst v63  }
0xc2: {  	_ =	swait.ge [sflag:s24], $0x4000  }
0xc3: {  	[sflag:s24] =	ssyncset.done $0x0  }
0xc4: {  	s30 =	simm.s32 $0x0;
	[sflag:s24] =	ssyncadd.s32 $0xFFFFC000  }
0xc5: {  	v0 =	vld [tilespmem:s30+$0x180];
	_ =	sdelay $0x1  }
0xc6: {  	v1 =	vld [tilespmem:s30+$0x41B0]  }
0xc7: {  	v4 =	vld [tilespmem:s30+$0x4180]  }
0xc8: {  	v5 =	vld [tilespmem:s30+$0x4190]  }
0xc9: {  	s29 =	simm.s32 $0x80;
	v7 =	vld [tilespmem:s30+$0x41A0];
	v8 =	vbroadcast v0, $0x2  }
0xca: {  	v2 =	vld [tilespmem:s29+$0x180]  }
0xcb: {  	v3 =	vld [tilespmem:s29+$0x41B0];
	v6 =	vmul.f32 v1, v8  }
0xcc: {  	v0 =	vld [tilespmem:s29+$0x4180];
	v9 =	vmul.f32 v8, v4  }
0xcd: {  	v1 =	vld [tilespmem:s29+$0x4190];
	[tilespmem:s30+$0x81B0] =	vst v6;
	v6 =	vmul.f32 v5, v8  }
0xce: {  	s31 =	simm.s32 $0x400;
	v5 =	vmul.f32 v7, v8;
	v4 =	vld [tilespmem:s29+$0x41A0];
	[tilespmem:s30+$0x8180] =	vst v9  }
.LBB2_11:
0xcf: {  	s0 =	sshra.s32 s31, $0x2;
	p0 =	sne.s32 s31, $0xFE00;
	s31 =	sadd.s32 $0x200, s31;
	v7 =	vbroadcast v2, $0x2;
	[tilespmem:s30+$0x8190] =	vst v6  }
.Ltmp4:
0xd0: {  	v2 =	vld [tilespmem:s0+$0x180];
	[tilespmem:s30+$0x81A0] =	vst v5;
	s30 =	smov.u32 s29;
	s29 =	smov.u32 s0;
	(pc) =	sbr.rel @p0 .LBB2_11-.Ltmp4, $4  }
0xd1: {  	v8 =	vmul.f32 v7, v0;
	v0 =	vld [tilespmem:s29+$0x4180];
	v9 =	vmul.f32 v3, v7  }
0xd2: {  	v3 =	vld [tilespmem:s29+$0x41B0];
	v6 =	vmul.f32 v1, v7  }
0xd3: {  	v1 =	vld [tilespmem:s29+$0x4190];
	v5 =	vmul.f32 v4, v7;
	[tilespmem:s30+$0x81B0] =	vst v9  }
0xd4: {  	v4 =	vld [tilespmem:s29+$0x41A0];
	[tilespmem:s30+$0x8180] =	vst v8  }
0xd5: {  	v2 =	vbroadcast v2, $0x2;
	_ =	sdelay $0x1  }
0xd6: {  	[tilespmem:s30+$0x8190] =	vst v6;
	v3 =	vmul.f32 v3, v2  }
0xd7: {  	[tilespmem:s30+$0x81A0] =	vst v5;
	v0 =	vmul.f32 v2, v0  }
0xd8: {  	v1 =	vmul.f32 v1, v2;
	[tilespmem:s29+$0x81B0] =	vst v3  }
0xd9: {  	s28 =	sadd.s32 $0x1, s28;
	v2 =	vmul.f32 v4, v2;
	[tilespmem:s29+$0x8180] =	vst v0  }
0xda: {  	p0 =	sne.s32 s28, $0x51;
	[tilespmem:s29+$0x8190] =	vst v1  }
.Ltmp5:
0xdb: {  	[tilespmem:s29+$0x81A0] =	vst v2;
	(pc) =	sbr.rel @p0 .LBB2_10-.Ltmp5, $4  }
0xdc: {  	[spmem:s2] =	stream.indirect.scatter.add.f32 [tilespmem:s16], [sflag:$0x2], $0x80, s20, s22, $0xb8;
	[tilespmem:$0x1FD80] =	vst v63  }
0xdd: {  	_ =	swait.ge [sflag:s17], $0x4000  }
0xde: {  	[sflag:s17] =	ssyncset.done $0x0  }
0xdf: {  	[sflag:s17] =	ssyncadd.s32 $0xFFFFC000  }
0xe0: {  	[bflag:$0x0] =	sbarrier.arrive $0xFFFF  }
0xe1: {  	[hbm:s13], [sflag:s18] =	dma.local [spmem:s19], $0x2780  }
0xe2: {  	_ =	swait.ge [sflag:s17], $0x2780  }
0xe3: {  	[sflag:s17] =	ssyncset.done $0x0  }
0xe4: {  	[sflag:s17] =	ssyncadd.s32 $0xFFFFD880  }
0xe5: {  	[bflag:$0x0] =	sbarrier.arrive $0xFFFF  }
0xe6: {  	[spmem:s19], [sflag:s18] =	dma.local [hbm:s12], $0x2780  }
0xe7: {  	_ =	swait.ge [sflag:s17], $0x2780  }
0xe8: {  	[sflag:s17] =	ssyncset.done $0x0  }
0xe9: {  	[sflag:s17] =	ssyncadd.s32 $0xFFFFD880  }
0xea: {  	s26 =	simm.s32 $0x0;
	s28 =	simm.s32 $0x0;
	[bflag:$0x0] =	sbarrier.arrive $0xFFFF  }
.LBB2_14:
0xeb: {  	s0 =	sadd.s32 s9, s28  }
0xec: {  	s29 =	sshll.u32 s0, $0x4  }
0xed: {  	s30 =	sadd.s32 s4, s29  }
0xee: {  	[tilespmem:s26], [sflag:$0x2] =	stream.linear.gather [hbm4b:s30+s26], $0x80, $0x38;
	[tilespmem:$0x1FD80] =	vst v63  }
0xef: {  	_ =	swait.ge [sflag:s17], $0x80  }
0xf0: {  	[sflag:s17] =	ssyncset.done $0x0  }
0xf1: {  	s29 =	sadd.s32 s5, s29;
	[sflag:s17] =	ssyncadd.s32 $0xFFFFFF80  }
0xf2: {  	[tilespmem:s20], [sflag:$0x2] =	stream.linear.gather [hbm4b:s29+s26], $0x80, $0x38;
	[tilespmem:$0x1FD80] =	vst v63  }
0xf3: {  	_ =	swait.ge [sflag:s17], $0x80  }
0xf4: {  	s0 =	sshll.u32 s0, $0xB;
	[sflag:s17] =	ssyncset.done $0x0  }
0xf5: {  	s0 =	sadd.s32 s6, s0;
	[sflag:s17] =	ssyncadd.s32 $0xFFFFFF80  }
0xf6: {  	[tilespmem:s21], [sflag:$0x2] =	stream.linear.gather [hbm4b:s0+s26], $0x4000, $0x38;
	[tilespmem:$0x1FD80] =	vst v63  }
0xf7: {  	_ =	swait.ge [sflag:s17], $0x4000  }
0xf8: {  	[sflag:s17] =	ssyncset.done $0x0  }
0xf9: {  	[sflag:s17] =	ssyncadd.s32 $0xFFFFC000  }
0xfa: {  	v0 =	vld [tilespmem:$0x0]  }
0xfb: {  	v1 =	vld [tilespmem:$0x10]  }
0xfc: {  	v2 =	vld [tilespmem:$0x20]  }
0xfd: {  	v3 =	vld [tilespmem:$0x30]  }
0xfe: {  	v4 =	vld [tilespmem:$0x40]  }
0xff: {  	v5 =	vld [tilespmem:$0x50];
	v0 =	vadd.s32 $0x7680, v0  }
0x100: {  	[tilespmem:$0x80] =	vst v0;
	v0 =	vadd.s32 $0x7680, v1;
	v1 =	vld [tilespmem:$0x60]  }
0x101: {  	[tilespmem:$0x90] =	vst v0;
	v0 =	vadd.s32 $0x7680, v2;
	v2 =	vld [tilespmem:$0x70]  }
0x102: {  	[tilespmem:$0xA0] =	vst v0;
	v0 =	vadd.s32 $0x7680, v3  }
0x103: {  	[tilespmem:$0xB0] =	vst v0;
	v0 =	vadd.s32 $0x7680, v4  }
0x104: {  	[tilespmem:$0xC0] =	vst v0;
	v0 =	vadd.s32 $0x7680, v5  }
0x105: {  	[tilespmem:$0xD0] =	vst v0;
	v0 =	vadd.s32 $0x7680, v1  }
0x106: {  	[tilespmem:$0xE0] =	vst v0;
	v0 =	vadd.s32 $0x7680, v2  }
0x107: {  	[tilespmem:$0xF0] =	vst v0  }
0x108: {  	[tilespmem:s23], [sflag:$0x1] =	stream.indirect.gather [hbm4b:s7+s22], $0x80, s22, s22, $0xb8;
	[tilespmem:$0x1FD80] =	vst v63  }
0x109: {  	_ =	swait.ge [sflag:s24], $0x4000  }
0x10a: {  	[sflag:s24] =	ssyncset.done $0x0  }
0x10b: {  	s30 =	simm.s32 $0x0;
	[sflag:s24] =	ssyncadd.s32 $0xFFFFC000  }
0x10c: {  	v0 =	vld [tilespmem:s30+$0x180];
	_ =	sdelay $0x1  }
0x10d: {  	v1 =	vld [tilespmem:s30+$0x41B0]  }
0x10e: {  	v4 =	vld [tilespmem:s30+$0x4180]  }
0x10f: {  	v5 =	vld [tilespmem:s30+$0x4190]  }
0x110: {  	s29 =	simm.s32 $0x80;
	v7 =	vld [tilespmem:s30+$0x41A0];
	v8 =	vbroadcast v0, $0x3  }
0x111: {  	v2 =	vld [tilespmem:s29+$0x180]  }
0x112: {  	v3 =	vld [tilespmem:s29+$0x41B0];
	v6 =	vmul.f32 v1, v8  }
0x113: {  	v0 =	vld [tilespmem:s29+$0x4180];
	v9 =	vmul.f32 v8, v4  }
0x114: {  	v1 =	vld [tilespmem:s29+$0x4190];
	[tilespmem:s30+$0x81B0] =	vst v6;
	v6 =	vmul.f32 v5, v8  }
0x115: {  	s31 =	simm.s32 $0x400;
	v5 =	vmul.f32 v7, v8;
	v4 =	vld [tilespmem:s29+$0x41A0];
	[tilespmem:s30+$0x8180] =	vst v9  }
.LBB2_15:
0x116: {  	s0 =	sshra.s32 s31, $0x2;
	p0 =	sne.s32 s31, $0xFE00;
	s31 =	sadd.s32 $0x200, s31;
	v7 =	vbroadcast v2, $0x3;
	[tilespmem:s30+$0x8190] =	vst v6  }
.Ltmp6:
0x117: {  	v2 =	vld [tilespmem:s0+$0x180];
	[tilespmem:s30+$0x81A0] =	vst v5;
	s30 =	smov.u32 s29;
	s29 =	smov.u32 s0;
	(pc) =	sbr.rel @p0 .LBB2_15-.Ltmp6, $4  }
0x118: {  	v8 =	vmul.f32 v7, v0;
	v0 =	vld [tilespmem:s29+$0x4180];
	v9 =	vmul.f32 v3, v7  }
0x119: {  	v3 =	vld [tilespmem:s29+$0x41B0];
	v6 =	vmul.f32 v1, v7  }
0x11a: {  	v1 =	vld [tilespmem:s29+$0x4190];
	v5 =	vmul.f32 v4, v7;
	[tilespmem:s30+$0x81B0] =	vst v9  }
0x11b: {  	v4 =	vld [tilespmem:s29+$0x41A0];
	[tilespmem:s30+$0x8180] =	vst v8  }
0x11c: {  	v2 =	vbroadcast v2, $0x3;
	_ =	sdelay $0x1  }
0x11d: {  	[tilespmem:s30+$0x8190] =	vst v6;
	v3 =	vmul.f32 v3, v2  }
0x11e: {  	[tilespmem:s30+$0x81A0] =	vst v5;
	v0 =	vmul.f32 v2, v0  }
0x11f: {  	v1 =	vmul.f32 v1, v2;
	[tilespmem:s29+$0x81B0] =	vst v3  }
0x120: {  	s28 =	sadd.s32 $0x1, s28;
	v2 =	vmul.f32 v4, v2;
	[tilespmem:s29+$0x8180] =	vst v0  }
0x121: {  	p0 =	sne.s32 s28, $0x51;
	[tilespmem:s29+$0x8190] =	vst v1  }
.Ltmp7:
0x122: {  	[tilespmem:s29+$0x81A0] =	vst v2;
	(pc) =	sbr.rel @p0 .LBB2_14-.Ltmp7, $4  }
0x123: {  	[spmem:s2] =	stream.indirect.scatter.add.f32 [tilespmem:s16], [sflag:$0x2], $0x80, s20, s22, $0xb8;
	[tilespmem:$0x1FD80] =	vst v63  }
0x124: {  	_ =	swait.ge [sflag:s17], $0x4000  }
0x125: {  	[sflag:s17] =	ssyncset.done $0x0  }
0x126: {  	[sflag:s17] =	ssyncadd.s32 $0xFFFFC000  }
0x127: {  	[bflag:$0x0] =	sbarrier.arrive $0xFFFF;
	s25 =	sadd.s32 $0x1, s25  }
0x128: {  	[hbm:s14], [sflag:s18] =	dma.local [spmem:s19], $0x2780  }
0x129: {  	p0 =	sne.s32 s25, s15  }
.Ltmp8:
0x12a: {  	_ =	swait.ge [sflag:s17], $0x2780;
	(pc) =	sbr.rel @p0 .LBB2_1-.Ltmp8, $3  }
0x12b: {  	[sflag:s17] =	ssyncset.done $0x0  }
0x12c: {  	[sflag:s17] =	ssyncadd.s32 $0xFFFFD880  }
0x12d: {  	[bflag:$0x0] =	sbarrier.arrive $0xFFFF;
	_ =	sdelay $0x1  }
0x12e: {  	_ =	sfence.sel $0x180000  }
0x12f: {  	[bflag:$0x0] =	sbarrier.arrive $0xFFFF  }
0x130: {  	_ =	strace $0x9000004A  }
0x131: {  	[bflag:$0x2] =	sbarrier.arrive $0xFFFF  }
0x132: {  	p0 =	sne.s32 s1, $0x0;
	s0 =	rddreg [dreg:$0x2]  }
0x133: {  	s0 =	sadd.s32 @!p0 $0x100000, s0  }
0x134: {  	[sflag:s0] =	ssyncadd.tile.s32 @!p0 $0x1;
	_ =	shalt  }
.Lfunc_end2:
_tile_overlayer_lowered:
.L_overlay_start_2:
0x135: {  	(tag) =	ssettag $0x2  }
0x136: {  	s0 =	rddreg [dreg:$0x0];
	s2 =	stileid.u32  }
0x137: {  	s1 =	rddreg [dreg:$0x1];
	p0 =	sne.s32 s2, $0x0  }
0x138: {  	s3 =	rddreg [dreg:$0x2];
	[bflag:$0x3] =	sbarrier.arrive $0xFFFF;
	s2 =	simm.s32 @!p0 $0x1C02  }
0x139: {  	[timem:s3], [sflag:s2] =	dma.local @!p0 [hbm:s0], s1  }
0x13a: {  	s0 =	simm.s32 @!p0 $0x2  }
0x13b: {  	_ =	swait.ge @!p0 [sflag:s0], s1  }
0x13c: {  	s1 =	ssub.s32 @!p0 $0x0, s1;
	[sflag:s0] =	ssyncset.done @!p0 $0x0  }
0x13d: {  	[sflag:s0] =	ssyncadd.s32 @!p0 s1  }
0x13e: {  	[bflag:$0x3] =	sbarrier.arrive $0xFFFF  }
0x13f: {  	_ =	shalt  }

// kernel: kernel.15.cloned.1.call-start
scs
__scs_entry_jumppad:
0x0: {  	(pc) =	sbr.rel $0x88, $3  }
0x1: {  	(tag) =	ssettag $0x0;
	lr =	simm.s32 $0x1  }
0x2: {  	[smem:$0x3F94] =	sst lr;
	_ =	strace $0xD0000000  }
0x3: {  	_ = 	snop  }
0x4: {  	_ = 	snop  }
0x5: {  	_ = 	snop  }
0x6: {  	_ = 	snop  }
0x7: {  	_ = 	snop  }
__scs_overlays_trampoline_lowered:
0x8: {  	[smem:$0x3FA3] =	sst s0  }
0x9: {  	[smem:$0x3FA4] =	sst s1  }
0xa: {  	[smem:$0x3FA5] =	sst s2  }
0xb: {  	[smem:$0x3FA6] =	sst s3  }
0xc: {  	[smem:$0x3FA7] =	sst s4  }
0xd: {  	[smem:$0x3FA8] =	sst s5  }
0xe: {  	[smem:$0x3FA9] =	sst s6  }
0xf: {  	[smem:$0x3FAA] =	sst s7  }
0x10: {  	[smem:$0x3FAB] =	sst s8  }
0x11: {  	[smem:$0x3FAC] =	sst s9;
	s0 =	simm.s32 @!p0 $0x0  }
0x12: {  	s1 =	sld [smem:$0x3F92];
	s0 =	simm.s32 @p0 $0x1  }
0x13: {  	[smem:$0x3FAD] =	sst s0;
	s0 =	simm.s32 @!p1 $0x0  }
0x14: {  	s2 =	sld [smem:$0x3F91];
	s0 =	simm.s32 @p1 $0x1  }
0x15: {  	[smem:$0x3FAE] =	sst s0;
	s0 =	simm.s32 @!p2 $0x0  }
0x16: {  	s3 =	sld [smem:$0x3FDB];
	s0 =	simm.s32 @p2 $0x1  }
0x17: {  	s4 =	simm.s32 $0x1BF5;
	[smem:$0x3FB0] =	sst s0  }
0x18: {  	s0 =	sld [smem:$0x3F93];
	_ =	swait.ge [sflag:s4], $0x0  }
0x19: {  	s7 =	sld [smem:$0x3F94]  }
0x1a: {  	s8 =	sadd.s32 $0xFFFFE003, lr  }
0x1b: {  	s9 =	sadd.s32 $0xFFFFFEF7, lr;
	s5 =	simm.s32 $0xFFFFFFFF;
	p2 =	slt.u32 s8, $0xFFFFF086  }
0x1c: {  	p1 =	slt.u32 s9, $0xF7A;
	s5 =	simm.s32 @!p2 $0x0  }
0x1d: {  	s5 =	simm.s32 @p1 $0x1;
	p0 =	seq.s32 s7, s2  }
0x1e: {  	s7 =	smul.u32 @!p0 $0xF7A, s2;
	p2 =	seq.s32 @!p0 s5, $0x0  }
0x1f: {  	s9 =	smul.u32 $0xF7A, s1;
	s8 =	simm.s32 @!p0 $0x1BF5;
	p2 =	por !p2, p0  }
0x20: {  	[sflag:s8] =	ssyncset.s32 @!p0 $0xFFFFF086;
	s6 =	sadd.s32 @!p0 s3, s7;
	s7 =	simm.s32 @!p0 $0x108  }
0x21: {  	s3 =	sadd.s32 s3, s9;
	s6 =	sadd.s32 @!p0 $0x88, s6;
	s7 =	simm.s32 @p2 $0x1082  }
0x22: {  	[simem:s7], [sflag:s8] =	dma.local @!p0 [hbm:s6], $0xF7A  }
0x23: {  	s9 =	sor.u32 $0xD0000000, s2;
	s6 =	simm.s32 $0x108;
	_ =	swait.ge @!p0 [sflag:s8], $0x0  }
0x24: {  	s3 =	sadd.s32 $0x88, s3;
	s6 =	simm.s32 @!p1 $0x1082;
	[sflag:s4] =	ssyncset.s32 $0xFFFFF086  }
0x25: {  	[simem:s6], [sflag:s4] =	dma.local [hbm:s3], $0xF7A  }
0x26: {  	[smem:$0x3F94] =	sst s1;
	(tag) =	ssettag s2;
	_ =	strace s9  }
0x27: {  	s1 =	sld [smem:$0x3FA4]  }
0x28: {  	s2 =	sld [smem:$0x3FA5]  }
0x29: {  	s4 =	sld [smem:$0x3FA7]  }
0x2a: {  	p0 =	seq.s32 s5, $0x0;
	s5 =	sld [smem:$0x3FA8]  }
0x2b: {  	s6 =	sld [smem:$0x3FA9]  }
0x2c: {  	s7 =	sld [smem:$0x3FAA]  }
0x2d: {  	s3 =	simm.s32 $0x108;
	s8 =	sld [smem:$0x3FAB]  }
0x2e: {  	s3 =	simm.s32 @!p0 $0x1082;
	s9 =	sld [smem:$0x3FAC]  }
0x2f: {  	lr =	sadd.s32 s0, s3;
	s0 =	sld [smem:$0x3FA3]  }
0x30: {  	s3 =	sld [smem:$0x3FA6]  }
0x31: {  	[smem:$0x3FAF] =	sst s10  }
0x32: {  	s10 =	sld [smem:$0x3FAD];
	_ =	sdelay $0x3  }
0x33: {  	p0 =	seq.s32 s10, $0x1;
	s10 =	sld [smem:$0x3FAF];
	_ =	sdelay $0x3  }
0x34: {  	[smem:$0x3FAF] =	sst s10  }
0x35: {  	s10 =	sld [smem:$0x3FAE];
	_ =	sdelay $0x3  }
0x36: {  	p1 =	seq.s32 s10, $0x1;
	s10 =	sld [smem:$0x3FAF];
	_ =	sdelay $0x3  }
0x37: {  	[smem:$0x3FAF] =	sst s10  }
0x38: {  	s10 =	sld [smem:$0x3FB0]  }
0x39: {  	_ = 	snop;
	(pc) =	sbr.ind lr, $3  }
0x3a: {  	_ = 	snop  }
0x3b: {  	_ = 	snop  }
0x3c: {  	p2 =	seq.s32 s10, $0x1;
	s10 =	sld [smem:$0x3FAF]  }
0x3d: {  	_ =	shalt  }
0x3e: {  	_ =	shalt  }
0x3f: {  	_ =	shalt  }
0x40: {  	_ =	shalt  }
0x41: {  	_ =	shalt  }
0x42: {  	_ =	shalt  }
0x43: {  	_ =	shalt  }
0x44: {  	_ =	shalt  }
0x45: {  	_ =	shalt  }
0x46: {  	_ =	shalt  }
0x47: {  	_ =	shalt  }
0x48: {  	_ =	shalt  }
0x49: {  	_ =	shalt  }
0x4a: {  	_ =	shalt  }
0x4b: {  	_ =	shalt  }
0x4c: {  	_ =	shalt  }
0x4d: {  	_ =	shalt  }
0x4e: {  	_ =	shalt  }
0x4f: {  	_ =	shalt  }
0x50: {  	_ =	shalt  }
0x51: {  	_ =	shalt  }
0x52: {  	_ =	shalt  }
0x53: {  	_ =	shalt  }
0x54: {  	_ =	shalt  }
0x55: {  	_ =	shalt  }
0x56: {  	_ =	shalt  }
0x57: {  	_ =	shalt  }
0x58: {  	_ =	shalt  }
0x59: {  	_ =	shalt  }
0x5a: {  	_ =	shalt  }
0x5b: {  	_ =	shalt  }
0x5c: {  	_ =	shalt  }
0x5d: {  	_ =	shalt  }
0x5e: {  	_ =	shalt  }
0x5f: {  	_ =	shalt  }
0x60: {  	_ =	shalt  }
0x61: {  	_ =	shalt  }
0x62: {  	_ =	shalt  }
0x63: {  	_ =	shalt  }
0x64: {  	_ =	shalt  }
0x65: {  	_ =	shalt  }
0x66: {  	_ =	shalt  }
0x67: {  	_ =	shalt  }
0x68: {  	_ =	shalt  }
0x69: {  	_ =	shalt  }
0x6a: {  	_ =	shalt  }
0x6b: {  	_ =	shalt  }
0x6c: {  	_ =	shalt  }
0x6d: {  	_ =	shalt  }
0x6e: {  	_ =	shalt  }
0x6f: {  	_ =	shalt  }
0x70: {  	_ =	shalt  }
0x71: {  	_ =	shalt  }
0x72: {  	_ =	shalt  }
0x73: {  	_ =	shalt  }
0x74: {  	_ =	shalt  }
0x75: {  	_ =	shalt  }
0x76: {  	_ =	shalt  }
0x77: {  	_ =	shalt  }
0x78: {  	_ =	shalt  }
0x79: {  	_ =	shalt  }
0x7a: {  	_ =	shalt  }
0x7b: {  	_ =	shalt  }
0x7c: {  	_ =	shalt  }
0x7d: {  	_ =	shalt  }
0x7e: {  	_ =	shalt  }
0x7f: {  	_ =	shalt  }
0x80: {  	_ =	shalt  }
0x81: {  	_ =	shalt  }
0x82: {  	_ =	shalt  }
0x83: {  	_ =	shalt  }
0x84: {  	_ =	shalt  }
0x85: {  	_ =	shalt  }
0x86: {  	_ =	shalt  }
0x87: {  	_ =	shalt  }
.Lfunc_end0:
.L_simem_size_0:
called_computation.2_lowered:
.L_overlay_start_0:
0x88: {  	s2 =	sld [smem:$0x3FD9]  }
0x89: {  	s3 =	sld [smem:$0x3FFE];
	_ =	sdelay $0x1  }
0x8a: {  	s1 =	srdreg.scid  }
0x8b: {  	s0 =	sand.u32 $0x1, s1  }
0x8c: {  	s16 =	sshll.u32 s0, $0xA;
	s2 =	sadd.s32 s3, s2  }
0x8d: {  	s2 =	sadd.s32 s2, s16  }
0x8e: {  	[smem:$0x3FBB] =	sst s2  }
0x8f: {  	_ = 	snop  }
0x90: {  	(tm) =	ssettm $0x1  }
0x91: {  	s17 =	sld [smem:$0x3FFB];
	_ =	sdelay $0x3  }
0x92: {  	_ =	strace s17  }
0x93: {  	s2 =	sld [smem:$0x3FFC];
	_ =	sdelay $0x3  }
0x94: {  	_ =	strace s2  }
0x95: {  	s2 =	sld [smem:$0x3FFD];
	_ =	sdelay $0x3  }
0x96: {  	_ =	strace s2  }
0x97: {  	_ =	strace $0x8FFFFFFF  }
0x98: {  	s18 =	sld [smem:$0x3FDB];
	_ =	sdelay $0x1  }
0x99: {  	s19 =	simm.s32 $_scs_section_size  }
0x9a: {  	s4 =	simm.s32 $_size__tile_overlayer_lowered;
	s5 =	simm.s32 $_tile_overlayer_lowered  }
0x9b: {  	s22 =	simm.s32 $0x1BFF;
	s21 =	sshll.u32 s5, $0x1;
	s2 =	sadd.s32 s19, s18  }
0x9c: {  	s6 =	simm.s32 $0x0;
	s20 =	sshll.u32 s4, $0x1;
	s4 =	sadd.s32 s21, s2  }
0x9d: {  	[timem:s6], [sflag:s22] =	dma.local [hbm:s4], s20  }
0x9e: {  	_ =	swait.ge [sflag:s22], s20  }
0x9f: {  	s3 =	ssub.s32 $0x0, s20;
	[sflag:s22] =	ssyncset.done $0x0  }
0xa0: {  	[sflag:s22] =	ssyncadd.s32 s3;
	_ =	sdelay $0x1  }
0xa1: {  	s23 =	simm.s32 $0x1B8B  }
0xa2: {  	_ =	swait.ge [sflag:s23], $0x1  }
0xa3: {  	[sflag:s23] =	ssyncset.done $0x0  }
0xa4: {  	s25 =	simm.s32 $0x1B8E;
	s24 =	sld [smem:$0x3FFE];
	[sflag:s23] =	ssyncadd.s32 $0xFFFFFFFF  }
0xa5: {  	s26 =	simm.s32 $execute0_lowered;
	[smem:$0x3FD2] =	sst s25  }
0xa6: {  	s4 =	sshll.u32 s26, $0x1;
	_ =	strace $0x8000004C;
	[dreg:$0x1] =	wrdreg $0xFFFFFFFF  }
0xa7: {  	s28 =	simm.s32 $_size_execute0_lowered;
	s2 =	sadd.s32 s2, s4;
	[dreg:$0x0] =	wrdreg $0x0  }
0xa8: {  	s4 =	sshll.u32 s28, $0x1;
	[dreg:$0x2] =	wrdreg s2  }
0xa9: {  	[dreg:$0x3] =	wrdreg s4  }
0xaa: {  	[dreg:$0x4] =	wrdreg $0xC0  }
0xab: {  	_ =	task [dreg:s6], $0x5FFFF  }
0xac: {  	[dreg:$0x1] =	wrdreg $0xFFFFFFFF  }
0xad: {  	[dreg:$0x0] =	wrdreg $0x60  }
0xae: {  	[dreg:$0x2] =	wrdreg s24  }
0xaf: {  	[dreg:$0x3] =	wrdreg $0xC1000  }
0xb0: {  	[dreg:$0x4] =	wrdreg $0x9  }
0xb1: {  	_ =	task.clear_ibuf [dreg:s6], $0x5FFFF;
	_ =	strace $0x9000004C  }
0xb2: {  	s29 =	simm.s32 $0x9;
	_ =	strace $0x8000004E  }
0xb3: {  	_ =	swait.ge [sflag:s29], $0x1  }
0xb4: {  	[sflag:s29] =	ssyncadd.s32 $0xFFFFFFFF  }
0xb5: {  	_ =	strace $0x9000004E  }
0xb6: {  	_ =	sfence  }
0xb7: {  	s30 =	sld [smem:$0x0];
	_ =	sdelay $0x2  }
0xb8: {  	s31 =	sshll.u32 s1, $0xD;
	s1 =	sshrl.u32 s1, $0x2  }
0xb9: {  	s3 =	sand.u32 $0x4000, s31;
	s1 =	sadd.s32 s1, s30  }
0xba: {  	s0 =	sor.u32 s3, s0;
	s1 =	sshll.u32 s1, $0x11  }
0xbb: {  	s0 =	sor.u32 s1, s0  }
0xbc: {  	s0 =	sadd.s32 $0x8F2B, s0  }
0xbd: {  	[sflag:s0] =	ssyncadd.remote.s32 $0x1  }
0xbe: {  	_ =	sfence.sel $0xFFFF  }
0xbf: {  	[dreg:$0x0] =	wrdreg $0xFFFFFFFF;
	(pc) =	sbr.abs _section_cstart, $3  }
0xc0: {  	[dreg:$0x1] =	wrdreg $0xFFFFFFFF  }
0xc1: {  	_ =	task.clear_ibuf [dreg:s6], $0x2FFFF;
	_ =	strace $0x9FFFFFFF  }
0xc2: {  	(tm) =	ssettm $0x7FFFFFFF  }
0xc3: {  	_ =	shalt  }
tec
execute0_lowered:
.L_overlay_start_1:
0x0: {  	(tag) =	ssettag $0x1  }
0x1: {  	s10 =	rddreg [dreg:$0x0]  }
0x2: {  	s2 =	rddreg [dreg:$0x1];
	s3 =	simm.s32 $0x0;
	s4 =	srdreg.scid  }
0x3: {  	s1 =	stileid.u32;
	s18 =	simm.s32 $0x80;
	s19 =	simm.s32 $0x100  }
0x4: {  	s20 =	simm.s32 $0x1;
	s21 =	simm.s32 $0x4100;
	s22 =	simm.s32 $0x2  }
0x5: {  	s23 =	simm.s32 $0x0;
	[smem:$0x7FF] =	sst s3;
	s11 =	sand.u32 $0x1, s4  }
0x6: {  	s12 =	smul.u32 $0x13C00, s1;
	s4 =	sadd.s32 $0x3000, s10;
	s5 =	sadd.s32 $0xD200, s10  }
0x7: {  	s6 =	sadd.s32 $0x17400, s10;
	s7 =	sadd.s32 $0x3EC00, s10;
	s8 =	sadd.s32 $0xB4600, s10  }
0x8: {  	s16 =	sshll.u32 s1, $0x1;
	s17 =	smul.u32 $0x4F000, s1;
	s30 =	sshll.u32 s1, $0x6  }
0x9: {  	_ =	strace $0x8000004D;
	s9 =	smul.u32 $0x13C000, s11;
	s14 =	ssub.s32 $0x2, s11  }
0xa: {  	s26 =	sor.u32 s11, s16;
	s11 =	sor.u32 $0x1C03, s30;
	s16 =	simm.s32 $0x3  }
0xb: {  	s15 =	sshrl.u32 s14, $0x1;
	s28 =	sshrl.u32 s17, $0x2;
	s29 =	sshrl.u32 s12, $0x3  }
0xc: {  	s17 =	simm.s32 $0x8100;
	s13 =	sadd.s32 s12, s9;
	s9 =	sadd.s32 $0xDBE00, s10  }
0xd: {  	s14 =	ssub.s32 s14, s15;
	s31 =	sadd.s32 s28, s2;
	s13 =	sshrl.u32 s13, $0x3  }
0xe: {  	s12 =	smul.u32 $0x51, s26;
	s14 =	smax.u32 s14, $0x1;
	s13 =	sadd.s32 s13, s10  }
0xf: {  	s15 =	sshrl.u32 s31, $0x3;
	s10 =	sadd.s32 s8, s29;
	s13 =	sadd.s32 $0x5EBE00, s13  }
.LBB2_1:
0x10: {  	[spmem:s15], [sflag:s11] =	dma.local [hbm:s10], $0x2780  }
0x11: {  	_ =	swait.ge [sflag:s16], $0x2780  }
0x12: {  	[sflag:s16] =	ssyncset.done $0x0  }
0x13: {  	[sflag:s16] =	ssyncadd.s32 $0xFFFFD880  }
0x14: {  	[tilespmem:s17], [sflag:$0x3] =	stream.linear.gather [hbm4b:s8+s3], $0x4000, $0x38;
	[tilespmem:$0x1FD00] =	vst v63  }
0x15: {  	_ =	swait.ge [sflag:s16], $0x4000  }
0x16: {  	[sflag:s16] =	ssyncset.done $0x0  }
0x17: {  	[sflag:s16] =	ssyncadd.s32 $0xFFFFC000  }
0x18: {  	s24 =	simm.s32 $0x0;
	[bflag:$0x0] =	sbarrier.arrive $0xFFFF  }
.LBB2_2:
0x19: {  	s25 =	sadd.s32 s12, s24  }
0x1a: {  	s26 =	sshll.u32 s25, $0x4  }
0x1b: {  	s29 =	simm.s32 $0x0;
	s28 =	sadd.s32 s4, s26  }
0x1c: {  	[tilespmem:s29], [sflag:$0x3] =	stream.linear.gather [hbm4b:s28+s29], $0x80, $0x38;
	[tilespmem:$0x1FD00] =	vst v63  }
0x1d: {  	_ =	swait.ge [sflag:s16], $0x80  }
0x1e: {  	[sflag:s16] =	ssyncset.done $0x0  }
0x1f: {  	s26 =	sadd.s32 s5, s26;
	[sflag:s16] =	ssyncadd.s32 $0xFFFFFF80  }
0x20: {  	[tilespmem:s18], [sflag:$0x3] =	stream.linear.gather [hbm4b:s26+s29], $0x80, $0x38;
	[tilespmem:$0x1FD00] =	vst v63  }
0x21: {  	_ =	swait.ge [sflag:s16], $0x80  }
0x22: {  	[sflag:s16] =	ssyncset.done $0x0  }
0x23: {  	[sflag:s16] =	ssyncadd.s32 $0xFFFFFF80  }
0x24: {  	[tilespmem:s19], [sflag:$0x1] =	stream.indirect.gather [hbm4b:s6+s18], $0x80, s29, s18, $0xb8;
	[tilespmem:$0x1FD00] =	vst v63  }
0x25: {  	_ =	swait.ge [sflag:s20], $0x4000  }
0x26: {  	[sflag:s20] =	ssyncset.done $0x0  }
0x27: {  	[sflag:s20] =	ssyncadd.s32 $0xFFFFC000  }
0x28: {  	[tilespmem:s21], [sflag:$0x2] =	stream.indirect.gather [hbm4b:s7+s18], $0x80, s18, s18, $0xb8;
	[tilespmem:$0x1FD00] =	vst v63  }
0x29: {  	_ =	swait.ge [sflag:s22], $0x4000  }
0x2a: {  	[sflag:s22] =	ssyncset.done $0x0  }
0x2b: {  	s26 =	simm.s32 $0x0;
	[sflag:s22] =	ssyncadd.s32 $0xFFFFC000  }
0x2c: {  	v0 =	vld [tilespmem:s26+$0x100]  }
0x2d: {  	v1 =	vld [tilespmem:s26+$0x4100];
	_ =	sdelay $0x4  }
0x2e: {  	v0 =	vadd.f32 v1, v0;
	_ =	sdelay $0x1  }
0x2f: {  	s28 =	simm.s32 $0x80;
	v1 =	vmul.f32 $2.000000030e-01, v0  }
0x30: {  	v2 =	vld [tilespmem:s28+$0x100]  }
0x31: {  	v3 =	vld [tilespmem:s28+$0x4100];
	v0 =	vmax.f32 v0, v1  }
0x32: {  	s30 =	simm.s32 $0x100;
	v0 =	vmul.f32 $1.442695020e+00, v0  }
0x33: {  	v1 =	vld [tilespmem:s30+$0x100]  }
0x34: {  	(erf) = vpow2.f32 v0;
	v0 =	vld [tilespmem:s30+$0x4100];
	_ =	sdelay $0x1  }
0x35: {  	v2 =	vadd.f32 v3, v2;
	_ =	sdelay $0x1  }
0x36: {  	v3 =	vmul.f32 $2.000000030e-01, v2  }
0x37: {  	v4 =	vadd.f32 v0, v1  }
0x38: {  	v0 =	vmax.f32 v2, v3  }
0x39: {  	s29 =	simm.s32 $0x180;
	v1 =	vmul.f32 $1.442695020e+00, v0;
	v2 =	vmul.f32 $2.000000030e-01, v4  }
0x3a: {  	v0 =	vld [tilespmem:s29+$0x100]  }
0x3b: {  	(erf) = vpow2.f32 v1;
	v1 =	vld [tilespmem:s29+$0x4100];
	_ =	sdelay $0x1  }
0x3c: {  	s31 =	simm.s32 $0x800;
	v3 =	vmax.f32 v4, v2;
	v2 =	vpop (erf)  }
.LBB2_3:
0x3d: {  	s0 =	sshra.s32 s31, $0x2  }
0x3e: {  	v3 =	vmul.f32 $1.442695020e+00, v3;
	[tilespmem:s26+$0x8100] =	vst v2;
	s26 =	smov.u32 s28;
	s28 =	smov.u32 s30;
	p0 =	sne.s32 s31, $0xFE00  }
.Ltmp0:
0x3f: {  	s31 =	sadd.s32 $0x200, s31;
	v2 =	vadd.f32 v1, v0;
	v0 =	vld [tilespmem:s0+$0x100];
	(pc) =	sbr.rel @p0 .LBB2_3-.Ltmp0, $3  }
0x40: {  	s30 =	smov.u32 s29;
	s29 =	smov.u32 s0;
	v1 =	vld [tilespmem:s0+$0x4100];
	(erf) = vpow2.f32 v3  }
0x41: {  	v3 =	vmul.f32 $2.000000030e-01, v2;
	_ =	sdelay $0x1  }
0x42: {  	v3 =	vmax.f32 v2, v3;
	v2 =	vpop (erf)  }
0x43: {  	_ = 	snop  }
0x44: {  	v0 =	vadd.f32 v1, v0;
	_ =	sdelay $0x1  }
0x45: {  	v1 =	vmul.f32 $2.000000030e-01, v0;
	_ =	sdelay $0x1  }
0x46: {  	v3 =	vmul.f32 $1.442695020e+00, v3;
	v0 =	vmax.f32 v0, v1  }
0x47: {  	v0 =	vmul.f32 $1.442695020e+00, v0  }
0x48: {  	(erf) = vpow2.f32 v3  }
0x49: {  	(erf) = vpow2.f32 v0;
	_ =	sdelay $0x6  }
0x4a: {  	[tilespmem:s26+$0x8100] =	vst v2;
	v61 =	vpop (erf)  }
0x4b: {  	[tilespmem:s28+$0x8100] =	vst v61;
	v62 =	vpop (erf)  }
0x4c: {  	s0 =	sshll.u32 s25, $0xB;
	[tilespmem:s30+$0x8100] =	vst v62;
	v63 =	vpop (erf)  }
0x4d: {  	s0 =	sadd.s32 s9, s0;
	[tilespmem:s29+$0x8100] =	vst v63  }
0x4e: {  	[hbm4b:s0+s3] =	stream.linear.scatter [tilespmem:s17], [sflag:$0x3], $0x4000, $0x38;
	[tilespmem:$0x1FD00] =	vst v63  }
0x4f: {  	s24 =	sadd.s32 $0x1, s24;
	_ =	swait.ge [sflag:s16], $0x4000  }
0x50: {  	p0 =	sne.s32 s24, $0x51;
	[sflag:s16] =	ssyncset.done $0x0  }
.Ltmp1:
0x51: {  	[sflag:s16] =	ssyncadd.s32 $0xFFFFC000;
	(pc) =	sbr.rel @p0 .LBB2_2-.Ltmp1, $4  }
0x52: {  	[spmem:s2] =	stream.indirect.scatter.add.f32 [tilespmem:s17], [sflag:$0x3], $0x80, s18, s18, $0xb8;
	[tilespmem:$0x1FD00] =	vst v63  }
0x53: {  	_ =	swait.ge [sflag:s16], $0x4000  }
0x54: {  	[sflag:s16] =	ssyncset.done $0x0  }
0x55: {  	[sflag:s16] =	ssyncadd.s32 $0xFFFFC000  }
0x56: {  	s23 =	sadd.s32 $0x1, s23  }
0x57: {  	p0 =	sne.s32 s23, s14  }
.Ltmp2:
0x58: {  	[bflag:$0x0] =	sbarrier.arrive $0xFFFF;
	(pc) =	sbr.rel @p0 .LBB2_1-.Ltmp2, $4  }
0x59: {  	[hbm:s13], [sflag:s11] =	dma.local [spmem:s15], $0x2780  }
0x5a: {  	_ =	swait.ge [sflag:s16], $0x2780  }
0x5b: {  	[sflag:s16] =	ssyncset.done $0x0  }
0x5c: {  	[sflag:s16] =	ssyncadd.s32 $0xFFFFD880  }
0x5d: {  	_ =	sfence.sel $0x180000  }
0x5e: {  	[bflag:$0x0] =	sbarrier.arrive $0xFFFF  }
0x5f: {  	_ =	strace $0x9000004D  }
0x60: {  	[bflag:$0x2] =	sbarrier.arrive $0xFFFF  }
0x61: {  	p0 =	sne.s32 s1, $0x0;
	s0 =	rddreg [dreg:$0x2]  }
0x62: {  	s0 =	sadd.s32 @!p0 $0x100000, s0  }
0x63: {  	[sflag:s0] =	ssyncadd.tile.s32 @!p0 $0x1;
	_ =	shalt  }
.Lfunc_end2:
_tile_overlayer_lowered:
.L_overlay_start_2:
0x64: {  	(tag) =	ssettag $0x2  }
0x65: {  	s0 =	rddreg [dreg:$0x0];
	s2 =	stileid.u32  }
0x66: {  	s1 =	rddreg [dreg:$0x1];
	p0 =	sne.s32 s2, $0x0  }
0x67: {  	s3 =	rddreg [dreg:$0x2];
	[bflag:$0x3] =	sbarrier.arrive $0xFFFF;
	s2 =	simm.s32 @!p0 $0x1C03  }
0x68: {  	[timem:s3], [sflag:s2] =	dma.local @!p0 [hbm:s0], s1  }
0x69: {  	s0 =	simm.s32 @!p0 $0x3  }
0x6a: {  	_ =	swait.ge @!p0 [sflag:s0], s1  }
0x6b: {  	s1 =	ssub.s32 @!p0 $0x0, s1;
	[sflag:s0] =	ssyncset.done @!p0 $0x0  }
0x6c: {  	[sflag:s0] =	ssyncadd.s32 @!p0 s1  }
0x6d: {  	[bflag:$0x3] =	sbarrier.arrive $0xFFFF  }
0x6e: {  	_ =	shalt  }

// kernel: kernel.18.cloned.1.call-start
scs
__scs_entry_jumppad:
0x0: {  	(pc) =	sbr.rel $0x88, $3  }
0x1: {  	(tag) =	ssettag $0x0;
	lr =	simm.s32 $0x1  }
0x2: {  	[smem:$0x3F94] =	sst lr;
	_ =	strace $0xD0000000  }
0x3: {  	_ = 	snop  }
0x4: {  	_ = 	snop  }
0x5: {  	_ = 	snop  }
0x6: {  	_ = 	snop  }
0x7: {  	_ = 	snop  }
__scs_overlays_trampoline_lowered:
0x8: {  	[smem:$0x3FA3] =	sst s0  }
0x9: {  	[smem:$0x3FA4] =	sst s1  }
0xa: {  	[smem:$0x3FA5] =	sst s2  }
0xb: {  	[smem:$0x3FA6] =	sst s3  }
0xc: {  	[smem:$0x3FA7] =	sst s4  }
0xd: {  	[smem:$0x3FA8] =	sst s5  }
0xe: {  	[smem:$0x3FA9] =	sst s6  }
0xf: {  	[smem:$0x3FAA] =	sst s7  }
0x10: {  	[smem:$0x3FAB] =	sst s8  }
0x11: {  	[smem:$0x3FAC] =	sst s9;
	s0 =	simm.s32 @!p0 $0x0  }
0x12: {  	s1 =	sld [smem:$0x3F92];
	s0 =	simm.s32 @p0 $0x1  }
0x13: {  	[smem:$0x3FAD] =	sst s0;
	s0 =	simm.s32 @!p1 $0x0  }
0x14: {  	s2 =	sld [smem:$0x3F91];
	s0 =	simm.s32 @p1 $0x1  }
0x15: {  	[smem:$0x3FAE] =	sst s0;
	s0 =	simm.s32 @!p2 $0x0  }
0x16: {  	s3 =	sld [smem:$0x3FDB];
	s0 =	simm.s32 @p2 $0x1  }
0x17: {  	s4 =	simm.s32 $0x1BF5;
	[smem:$0x3FB0] =	sst s0  }
0x18: {  	s0 =	sld [smem:$0x3F93];
	_ =	swait.ge [sflag:s4], $0x0  }
0x19: {  	s7 =	sld [smem:$0x3F94]  }
0x1a: {  	s8 =	sadd.s32 $0xFFFFE003, lr  }
0x1b: {  	s9 =	sadd.s32 $0xFFFFFEF7, lr;
	s5 =	simm.s32 $0xFFFFFFFF;
	p2 =	slt.u32 s8, $0xFFFFF086  }
0x1c: {  	p1 =	slt.u32 s9, $0xF7A;
	s5 =	simm.s32 @!p2 $0x0  }
0x1d: {  	s5 =	simm.s32 @p1 $0x1;
	p0 =	seq.s32 s7, s2  }
0x1e: {  	s7 =	smul.u32 @!p0 $0xF7A, s2;
	p2 =	seq.s32 @!p0 s5, $0x0  }
0x1f: {  	s9 =	smul.u32 $0xF7A, s1;
	s8 =	simm.s32 @!p0 $0x1BF5;
	p2 =	por !p2, p0  }
0x20: {  	[sflag:s8] =	ssyncset.s32 @!p0 $0xFFFFF086;
	s6 =	sadd.s32 @!p0 s3, s7;
	s7 =	simm.s32 @!p0 $0x108  }
0x21: {  	s3 =	sadd.s32 s3, s9;
	s6 =	sadd.s32 @!p0 $0x88, s6;
	s7 =	simm.s32 @p2 $0x1082  }
0x22: {  	[simem:s7], [sflag:s8] =	dma.local @!p0 [hbm:s6], $0xF7A  }
0x23: {  	s9 =	sor.u32 $0xD0000000, s2;
	s6 =	simm.s32 $0x108;
	_ =	swait.ge @!p0 [sflag:s8], $0x0  }
0x24: {  	s3 =	sadd.s32 $0x88, s3;
	s6 =	simm.s32 @!p1 $0x1082;
	[sflag:s4] =	ssyncset.s32 $0xFFFFF086  }
0x25: {  	[simem:s6], [sflag:s4] =	dma.local [hbm:s3], $0xF7A  }
0x26: {  	[smem:$0x3F94] =	sst s1;
	(tag) =	ssettag s2;
	_ =	strace s9  }
0x27: {  	s1 =	sld [smem:$0x3FA4]  }
0x28: {  	s2 =	sld [smem:$0x3FA5]  }
0x29: {  	s4 =	sld [smem:$0x3FA7]  }
0x2a: {  	p0 =	seq.s32 s5, $0x0;
	s5 =	sld [smem:$0x3FA8]  }
0x2b: {  	s6 =	sld [smem:$0x3FA9]  }
0x2c: {  	s7 =	sld [smem:$0x3FAA]  }
0x2d: {  	s3 =	simm.s32 $0x108;
	s8 =	sld [smem:$0x3FAB]  }
0x2e: {  	s3 =	simm.s32 @!p0 $0x1082;
	s9 =	sld [smem:$0x3FAC]  }
0x2f: {  	lr =	sadd.s32 s0, s3;
	s0 =	sld [smem:$0x3FA3]  }
0x30: {  	s3 =	sld [smem:$0x3FA6]  }
0x31: {  	[smem:$0x3FAF] =	sst s10  }
0x32: {  	s10 =	sld [smem:$0x3FAD];
	_ =	sdelay $0x3  }
0x33: {  	p0 =	seq.s32 s10, $0x1;
	s10 =	sld [smem:$0x3FAF];
	_ =	sdelay $0x3  }
0x34: {  	[smem:$0x3FAF] =	sst s10  }
0x35: {  	s10 =	sld [smem:$0x3FAE];
	_ =	sdelay $0x3  }
0x36: {  	p1 =	seq.s32 s10, $0x1;
	s10 =	sld [smem:$0x3FAF];
	_ =	sdelay $0x3  }
0x37: {  	[smem:$0x3FAF] =	sst s10  }
0x38: {  	s10 =	sld [smem:$0x3FB0]  }
0x39: {  	_ = 	snop;
	(pc) =	sbr.ind lr, $3  }
0x3a: {  	_ = 	snop  }
0x3b: {  	_ = 	snop  }
0x3c: {  	p2 =	seq.s32 s10, $0x1;
	s10 =	sld [smem:$0x3FAF]  }
0x3d: {  	_ =	shalt  }
0x3e: {  	_ =	shalt  }
0x3f: {  	_ =	shalt  }
0x40: {  	_ =	shalt  }
0x41: {  	_ =	shalt  }
0x42: {  	_ =	shalt  }
0x43: {  	_ =	shalt  }
0x44: {  	_ =	shalt  }
0x45: {  	_ =	shalt  }
0x46: {  	_ =	shalt  }
0x47: {  	_ =	shalt  }
0x48: {  	_ =	shalt  }
0x49: {  	_ =	shalt  }
0x4a: {  	_ =	shalt  }
0x4b: {  	_ =	shalt  }
0x4c: {  	_ =	shalt  }
0x4d: {  	_ =	shalt  }
0x4e: {  	_ =	shalt  }
0x4f: {  	_ =	shalt  }
0x50: {  	_ =	shalt  }
0x51: {  	_ =	shalt  }
0x52: {  	_ =	shalt  }
0x53: {  	_ =	shalt  }
0x54: {  	_ =	shalt  }
0x55: {  	_ =	shalt  }
0x56: {  	_ =	shalt  }
0x57: {  	_ =	shalt  }
0x58: {  	_ =	shalt  }
0x59: {  	_ =	shalt  }
0x5a: {  	_ =	shalt  }
0x5b: {  	_ =	shalt  }
0x5c: {  	_ =	shalt  }
0x5d: {  	_ =	shalt  }
0x5e: {  	_ =	shalt  }
0x5f: {  	_ =	shalt  }
0x60: {  	_ =	shalt  }
0x61: {  	_ =	shalt  }
0x62: {  	_ =	shalt  }
0x63: {  	_ =	shalt  }
0x64: {  	_ =	shalt  }
0x65: {  	_ =	shalt  }
0x66: {  	_ =	shalt  }
0x67: {  	_ =	shalt  }
0x68: {  	_ =	shalt  }
0x69: {  	_ =	shalt  }
0x6a: {  	_ =	shalt  }
0x6b: {  	_ =	shalt  }
0x6c: {  	_ =	shalt  }
0x6d: {  	_ =	shalt  }
0x6e: {  	_ =	shalt  }
0x6f: {  	_ =	shalt  }
0x70: {  	_ =	shalt  }
0x71: {  	_ =	shalt  }
0x72: {  	_ =	shalt  }
0x73: {  	_ =	shalt  }
0x74: {  	_ =	shalt  }
0x75: {  	_ =	shalt  }
0x76: {  	_ =	shalt  }
0x77: {  	_ =	shalt  }
0x78: {  	_ =	shalt  }
0x79: {  	_ =	shalt  }
0x7a: {  	_ =	shalt  }
0x7b: {  	_ =	shalt  }
0x7c: {  	_ =	shalt  }
0x7d: {  	_ =	shalt  }
0x7e: {  	_ =	shalt  }
0x7f: {  	_ =	shalt  }
0x80: {  	_ =	shalt  }
0x81: {  	_ =	shalt  }
0x82: {  	_ =	shalt  }
0x83: {  	_ =	shalt  }
0x84: {  	_ =	shalt  }
0x85: {  	_ =	shalt  }
0x86: {  	_ =	shalt  }
0x87: {  	_ =	shalt  }
.Lfunc_end0:
.L_simem_size_0:
called_computation.3_lowered:
.L_overlay_start_0:
0x88: {  	s2 =	sld [smem:$0x3FD9]  }
0x89: {  	s3 =	sld [smem:$0x3FFE];
	_ =	sdelay $0x1  }
0x8a: {  	s1 =	srdreg.scid  }
0x8b: {  	s0 =	sand.u32 $0x1, s1  }
0x8c: {  	s16 =	sshll.u32 s0, $0xA;
	s2 =	sadd.s32 s3, s2  }
0x8d: {  	s2 =	sadd.s32 s2, s16  }
0x8e: {  	[smem:$0x3FBB] =	sst s2  }
0x8f: {  	_ = 	snop  }
0x90: {  	(tm) =	ssettm $0x1  }
0x91: {  	s17 =	sld [smem:$0x3FFB];
	_ =	sdelay $0x3  }
0x92: {  	_ =	strace s17  }
0x93: {  	s2 =	sld [smem:$0x3FFC];
	_ =	sdelay $0x3  }
0x94: {  	_ =	strace s2  }
0x95: {  	s2 =	sld [smem:$0x3FFD];
	_ =	sdelay $0x3  }
0x96: {  	_ =	strace s2  }
0x97: {  	_ =	strace $0x8FFFFFFF  }
0x98: {  	s18 =	sld [smem:$0x3FDB];
	_ =	sdelay $0x1  }
0x99: {  	s19 =	simm.s32 $_scs_section_size  }
0x9a: {  	s4 =	simm.s32 $_size__tile_overlayer_lowered;
	s5 =	simm.s32 $_tile_overlayer_lowered  }
0x9b: {  	s22 =	simm.s32 $0x1BFF;
	s21 =	sshll.u32 s5, $0x1;
	s2 =	sadd.s32 s19, s18  }
0x9c: {  	s6 =	simm.s32 $0x0;
	s20 =	sshll.u32 s4, $0x1;
	s4 =	sadd.s32 s21, s2  }
0x9d: {  	[timem:s6], [sflag:s22] =	dma.local [hbm:s4], s20  }
0x9e: {  	_ =	swait.ge [sflag:s22], s20  }
0x9f: {  	s3 =	ssub.s32 $0x0, s20;
	[sflag:s22] =	ssyncset.done $0x0  }
0xa0: {  	[sflag:s22] =	ssyncadd.s32 s3;
	_ =	sdelay $0x1  }
0xa1: {  	s23 =	simm.s32 $0x1B8B  }
0xa2: {  	_ =	swait.ge [sflag:s23], $0x1  }
0xa3: {  	[sflag:s23] =	ssyncset.done $0x0  }
0xa4: {  	s25 =	simm.s32 $0x1B8E;
	s24 =	sld [smem:$0x3FFE];
	[sflag:s23] =	ssyncadd.s32 $0xFFFFFFFF  }
0xa5: {  	s26 =	simm.s32 $execute0_lowered;
	[smem:$0x3FD2] =	sst s25  }
0xa6: {  	s4 =	sshll.u32 s26, $0x1;
	_ =	strace $0x8000004F;
	[dreg:$0x1] =	wrdreg $0xFFFFFFFF  }
0xa7: {  	s28 =	simm.s32 $_size_execute0_lowered;
	s2 =	sadd.s32 s2, s4;
	[dreg:$0x0] =	wrdreg $0x0  }
0xa8: {  	s4 =	sshll.u32 s28, $0x1;
	[dreg:$0x2] =	wrdreg s2  }
0xa9: {  	[dreg:$0x3] =	wrdreg s4  }
0xaa: {  	[dreg:$0x4] =	wrdreg $0xC0  }
0xab: {  	_ =	task [dreg:s6], $0x5FFFF  }
0xac: {  	[dreg:$0x1] =	wrdreg $0xFFFFFFFF  }
0xad: {  	[dreg:$0x0] =	wrdreg $0x60  }
0xae: {  	[dreg:$0x2] =	wrdreg s24  }
0xaf: {  	[dreg:$0x3] =	wrdreg $0xC1800  }
0xb0: {  	[dreg:$0x4] =	wrdreg $0x9  }
0xb1: {  	_ =	task.clear_ibuf [dreg:s6], $0x5FFFF;
	_ =	strace $0x9000004F  }
0xb2: {  	s29 =	simm.s32 $0x9;
	_ =	strace $0x80000051  }
0xb3: {  	_ =	swait.ge [sflag:s29], $0x1  }
0xb4: {  	[sflag:s29] =	ssyncadd.s32 $0xFFFFFFFF  }
0xb5: {  	_ =	strace $0x90000051  }
0xb6: {  	_ =	sfence  }
0xb7: {  	s30 =	sld [smem:$0x0];
	_ =	sdelay $0x2  }
0xb8: {  	s31 =	sshll.u32 s1, $0xD;
	s1 =	sshrl.u32 s1, $0x2  }
0xb9: {  	s3 =	sand.u32 $0x4000, s31;
	s1 =	sadd.s32 s1, s30  }
0xba: {  	s0 =	sor.u32 s3, s0;
	s1 =	sshll.u32 s1, $0x11  }
0xbb: {  	s0 =	sor.u32 s1, s0  }
0xbc: {  	s0 =	sadd.s32 $0x8F2B, s0  }
0xbd: {  	[sflag:s0] =	ssyncadd.remote.s32 $0x1  }
0xbe: {  	_ =	sfence.sel $0xFFFF  }
0xbf: {  	[dreg:$0x0] =	wrdreg $0xFFFFFFFF;
	(pc) =	sbr.abs _section_cstart, $3  }
0xc0: {  	[dreg:$0x1] =	wrdreg $0xFFFFFFFF  }
0xc1: {  	_ =	task.clear_ibuf [dreg:s6], $0x2FFFF;
	_ =	strace $0x9FFFFFFF  }
0xc2: {  	(tm) =	ssettm $0x7FFFFFFF  }
0xc3: {  	_ =	shalt  }
tec
execute0_lowered:
.L_overlay_start_1:
0x0: {  	(tag) =	ssettag $0x1  }
0x1: {  	s9 =	rddreg [dreg:$0x0]  }
0x2: {  	s2 =	rddreg [dreg:$0x1]  }
0x3: {  	s0 =	rddreg [dreg:$0x2]  }
0x4: {  	s4 =	srdreg.scid;
	s1 =	stileid.u32  }
0x5: {  	s3 =	simm.s32 $0x0;
	s17 =	simm.s32 $0x100;
	s18 =	simm.s32 $0x180  }
0x6: {  	s19 =	simm.s32 $0x80;
	s20 =	simm.s32 $0x4180;
	s21 =	simm.s32 $0x1  }
0x7: {  	s22 =	simm.s32 $0x0;
	s28 =	simm.s32 $0x0;
	s10 =	sand.u32 $0x1, s4  }
0x8: {  	s11 =	smul.u32 $0x13C00, s1;
	[smem:$0x7FF] =	sst s3;
	s4 =	sadd.s32 $0x3000, s9  }
0x9: {  	s5 =	sadd.s32 $0xD200, s9;
	s6 =	sadd.s32 $0xDBE00, s9;
	s7 =	sadd.s32 $0x66400, s9  }
0xa: {  	s14 =	smul.u32 $0x4F000, s1;
	s30 =	sshll.u32 s1, $0x1;
	s15 =	sshll.u32 s1, $0x6  }
0xb: {  	s8 =	smul.u32 $0x13C000, s10;
	_ =	strace $0x80000050;
	s13 =	ssub.s32 $0x2, s10  }
0xc: {  	s10 =	sor.u32 s10, s30;
	s15 =	sor.u32 $0x1C02, s15;
	s29 =	sshrl.u32 s13, $0x1  }
0xd: {  	s14 =	sshrl.u32 s14, $0x2;
	s31 =	sshrl.u32 s11, $0x3;
	s10 =	smul.u32 $0x51, s10  }
0xe: {  	s8 =	sadd.s32 s11, s8;
	s13 =	ssub.s32 s13, s29;
	s16 =	sadd.s32 s14, s2  }
0xf: {  	s14 =	simm.s32 $0x2;
	s12 =	sshrl.u32 s8, $0x3;
	s8 =	sadd.s32 $0xB4600, s9  }
0x10: {  	s16 =	sshrl.u32 s16, $0x3;
	s12 =	sadd.s32 s12, s9;
	s9 =	sadd.s32 s8, s31  }
0x11: {  	s11 =	sadd.s32 $0x17400, s12;
	s12 =	smax.u32 s13, $0x1;
	s13 =	simm.s32 $0x8180  }
.LBB2_1:
0x12: {  	[tilespmem:s13], [sflag:$0x2] =	stream.linear.gather [hbm4b:s8+s3], $0x4000, $0x38;
	[tilespmem:$0x1FD80] =	vst v63  }
0x13: {  	_ =	swait.ge [sflag:s14], $0x4000  }
0x14: {  	[sflag:s14] =	ssyncset.done $0x0  }
0x15: {  	[sflag:s14] =	ssyncadd.s32 $0xFFFFC000  }
0x16: {  	[spmem:s16], [sflag:s15] =	dma.local [hbm:s9], $0x2780  }
0x17: {  	_ =	swait.ge [sflag:s14], $0x2780  }
0x18: {  	[sflag:s14] =	ssyncset.done $0x0  }
0x19: {  	[sflag:s14] =	ssyncadd.s32 $0xFFFFD880  }
0x1a: {  	s23 =	simm.s32 $0x0;
	[bflag:$0x0] =	sbarrier.arrive $0xFFFF  }
.LBB2_2:
0x1b: {  	s24 =	sadd.s32 s10, s23  }
0x1c: {  	s25 =	sshll.u32 s24, $0x4  }
0x1d: {  	s26 =	sadd.s32 s4, s25  }
0x1e: {  	[tilespmem:s28], [sflag:$0x2] =	stream.linear.gather [hbm4b:s26+s28], $0x80, $0x38;
	[tilespmem:$0x1FD80] =	vst v63  }
0x1f: {  	_ =	swait.ge [sflag:s14], $0x80  }
0x20: {  	[sflag:s14] =	ssyncset.done $0x0  }
0x21: {  	s25 =	sadd.s32 s5, s25;
	[sflag:s14] =	ssyncadd.s32 $0xFFFFFF80  }
0x22: {  	[tilespmem:s17], [sflag:$0x2] =	stream.linear.gather [hbm4b:s25+s28], $0x80, $0x38;
	[tilespmem:$0x1FD80] =	vst v63  }
0x23: {  	_ =	swait.ge [sflag:s14], $0x80  }
0x24: {  	s24 =	sshll.u32 s24, $0xB;
	[sflag:s14] =	ssyncset.done $0x0  }
0x25: {  	s24 =	sadd.s32 s6, s24;
	[sflag:s14] =	ssyncadd.s32 $0xFFFFFF80  }
0x26: {  	[tilespmem:s18], [sflag:$0x2] =	stream.linear.gather [hbm4b:s24+s28], $0x4000, $0x38;
	[tilespmem:$0x1FD80] =	vst v63  }
0x27: {  	_ =	swait.ge [sflag:s14], $0x4000  }
0x28: {  	[sflag:s14] =	ssyncset.done $0x0  }
0x29: {  	[sflag:s14] =	ssyncadd.s32 $0xFFFFC000  }
0x2a: {  	v0 =	vld [tilespmem:$0x0]  }
0x2b: {  	v1 =	vld [tilespmem:$0x10]  }
0x2c: {  	v2 =	vld [tilespmem:$0x20]  }
0x2d: {  	v3 =	vld [tilespmem:$0x30]  }
0x2e: {  	v4 =	vld [tilespmem:$0x40]  }
0x2f: {  	[tilespmem:$0x80] =	vst v0;
	v0 =	vld [tilespmem:$0x50]  }
0x30: {  	[tilespmem:$0x90] =	vst v1;
	v1 =	vld [tilespmem:$0x60]  }
0x31: {  	[tilespmem:$0xA0] =	vst v2;
	v2 =	vld [tilespmem:$0x70]  }
0x32: {  	[tilespmem:$0xB0] =	vst v3  }
0x33: {  	[tilespmem:$0xC0] =	vst v4  }
0x34: {  	[tilespmem:$0xD0] =	vst v0  }
0x35: {  	[tilespmem:$0xE0] =	vst v1  }
0x36: {  	[tilespmem:$0xF0] =	vst v2  }
0x37: {  	[tilespmem:s20], [sflag:$0x1] =	stream.indirect.gather [hbm4b:s7+s19], $0x80, s19, s19, $0xb8;
	[tilespmem:$0x1FD80] =	vst v63  }
0x38: {  	_ =	swait.ge [sflag:s21], $0x4000  }
0x39: {  	[sflag:s21] =	ssyncset.done $0x0  }
0x3a: {  	s24 =	simm.s32 $0x0;
	[sflag:s21] =	ssyncadd.s32 $0xFFFFC000  }
0x3b: {  	v0 =	vld [tilespmem:s24+$0x4180]  }
0x3c: {  	s25 =	simm.s32 $0x200;
	v1 =	vld [tilespmem:s24+$0x4190]  }
.LBB2_3:
0x3d: {  	p0 =	sne.s32 s25, $0xFE00;
	v2 =	vld.msk [tilespmem:s24+$0x180 ss:$0x0], $0xffff  }
0x3e: {  	v3 =	vld [tilespmem:s24+$0x41A0]  }
0x3f: {  	v4 =	vld [tilespmem:s24+$0x41B0];
	_ =	sdelay $0x3  }
0x40: {  	v0 =	vmul.f32 v2, v0;
	v1 =	vmul.f32 v1, v2  }
.Ltmp0:
0x41: {  	v3 =	vmul.f32 v3, v2;
	v2 =	vmul.f32 v4, v2;
	(pc) =	sbr.rel @p0 .LBB2_3-.Ltmp0, $4  }
0x42: {  	[tilespmem:s24+$0x8180] =	vst v0  }
0x43: {  	s26 =	sshra.s32 s25, $0x2;
	[tilespmem:s24+$0x8190] =	vst v1  }
0x44: {  	v0 =	vld [tilespmem:s26+$0x4180];
	[tilespmem:s24+$0x81A0] =	vst v3  }
0x45: {  	s25 =	sadd.s32 $0x200, s25;
	v1 =	vld [tilespmem:s26+$0x4190];
	[tilespmem:s24+$0x81B0] =	vst v2;
	s24 =	smov.u32 s26  }
0x46: {  	v2 =	vld.msk [tilespmem:s24+$0x180 ss:$0x0], $0xffff;
	_ =	sdelay $0x1  }
0x47: {  	v3 =	vld [tilespmem:s24+$0x41A0]  }
0x48: {  	v4 =	vld [tilespmem:s24+$0x41B0];
	_ =	sdelay $0x1  }
0x49: {  	v0 =	vmul.f32 v2, v0  }
0x4a: {  	v1 =	vmul.f32 v1, v2  }
0x4b: {  	v3 =	vmul.f32 v3, v2;
	[tilespmem:s24+$0x8180] =	vst v0  }
0x4c: {  	s23 =	sadd.s32 $0x1, s23;
	v63 =	vmul.f32 v4, v2;
	[tilespmem:s24+$0x8190] =	vst v1  }
0x4d: {  	p0 =	sne.s32 s23, $0x51;
	[tilespmem:s24+$0x81A0] =	vst v3  }
.Ltmp1:
0x4e: {  	[tilespmem:s24+$0x81B0] =	vst v63;
	(pc) =	sbr.rel @p0 .LBB2_2-.Ltmp1, $4  }
0x4f: {  	[spmem:s2] =	stream.indirect.scatter.add.f32 [tilespmem:s13], [sflag:$0x2], $0x80, s17, s19, $0xb8;
	[tilespmem:$0x1FD80] =	vst v63  }
0x50: {  	_ =	swait.ge [sflag:s14], $0x4000  }
0x51: {  	[sflag:s14] =	ssyncset.done $0x0  }
0x52: {  	[sflag:s14] =	ssyncadd.s32 $0xFFFFC000  }
0x53: {  	[bflag:$0x0] =	sbarrier.arrive $0xFFFF;
	s22 =	sadd.s32 $0x1, s22  }
0x54: {  	[hbm:s11], [sflag:s15] =	dma.local [spmem:s16], $0x2780  }
0x55: {  	p0 =	sne.s32 s22, s12  }
.Ltmp2:
0x56: {  	_ =	swait.ge [sflag:s14], $0x2780;
	(pc) =	sbr.rel @p0 .LBB2_1-.Ltmp2, $3  }
0x57: {  	[sflag:s14] =	ssyncset.done $0x0  }
0x58: {  	[sflag:s14] =	ssyncadd.s32 $0xFFFFD880  }
0x59: {  	[bflag:$0x0] =	sbarrier.arrive $0xFFFF;
	_ =	sdelay $0x1  }
0x5a: {  	_ =	sfence.sel $0x180000  }
0x5b: {  	[bflag:$0x0] =	sbarrier.arrive $0xFFFF  }
0x5c: {  	p0 =	sne.s32 s1, $0x0;
	_ =	strace $0x90000050  }
0x5d: {  	s0 =	sadd.s32 @!p0 $0x100000, s0;
	[bflag:$0x2] =	sbarrier.arrive $0xFFFF  }
0x5e: {  	[sflag:s0] =	ssyncadd.tile.s32 @!p0 $0x1;
	_ =	shalt  }
.Lfunc_end2:
_tile_overlayer_lowered:
.L_overlay_start_2:
0x5f: {  	(tag) =	ssettag $0x2  }
0x60: {  	s0 =	rddreg [dreg:$0x0];
	s2 =	stileid.u32  }
0x61: {  	s1 =	rddreg [dreg:$0x1];
	p0 =	sne.s32 s2, $0x0  }
0x62: {  	s3 =	rddreg [dreg:$0x2];
	[bflag:$0x3] =	sbarrier.arrive $0xFFFF;
	s2 =	simm.s32 @!p0 $0x1C02  }
0x63: {  	[timem:s3], [sflag:s2] =	dma.local @!p0 [hbm:s0], s1  }
0x64: {  	s0 =	simm.s32 @!p0 $0x2  }
0x65: {  	_ =	swait.ge @!p0 [sflag:s0], s1  }
0x66: {  	s1 =	ssub.s32 @!p0 $0x0, s1;
	[sflag:s0] =	ssyncset.done @!p0 $0x0  }
0x67: {  	[sflag:s0] =	ssyncadd.s32 @!p0 s1  }
0x68: {  	[bflag:$0x3] =	sbarrier.arrive $0xFFFF  }
0x69: {  	_ =	shalt  }

// kernel: kernel.9.cloned.1.call-start
scs
__scs_entry_jumppad:
0x0: {  	(pc) =	sbr.rel $0x88, $3  }
0x1: {  	(tag) =	ssettag $0x0;
	lr =	simm.s32 $0x1  }
0x2: {  	[smem:$0x3F94] =	sst lr;
	_ =	strace $0xD0000000  }
0x3: {  	_ = 	snop  }
0x4: {  	_ = 	snop  }
0x5: {  	_ = 	snop  }
0x6: {  	_ = 	snop  }
0x7: {  	_ = 	snop  }
__scs_overlays_trampoline_lowered:
0x8: {  	[smem:$0x3FA3] =	sst s0  }
0x9: {  	[smem:$0x3FA4] =	sst s1  }
0xa: {  	[smem:$0x3FA5] =	sst s2  }
0xb: {  	[smem:$0x3FA6] =	sst s3  }
0xc: {  	[smem:$0x3FA7] =	sst s4  }
0xd: {  	[smem:$0x3FA8] =	sst s5  }
0xe: {  	[smem:$0x3FA9] =	sst s6  }
0xf: {  	[smem:$0x3FAA] =	sst s7  }
0x10: {  	[smem:$0x3FAB] =	sst s8  }
0x11: {  	[smem:$0x3FAC] =	sst s9;
	s0 =	simm.s32 @!p0 $0x0  }
0x12: {  	s1 =	sld [smem:$0x3F92];
	s0 =	simm.s32 @p0 $0x1  }
0x13: {  	[smem:$0x3FAD] =	sst s0;
	s0 =	simm.s32 @!p1 $0x0  }
0x14: {  	s2 =	sld [smem:$0x3F91];
	s0 =	simm.s32 @p1 $0x1  }
0x15: {  	[smem:$0x3FAE] =	sst s0;
	s0 =	simm.s32 @!p2 $0x0  }
0x16: {  	s3 =	sld [smem:$0x3FDB];
	s0 =	simm.s32 @p2 $0x1  }
0x17: {  	s4 =	simm.s32 $0x1BF5;
	[smem:$0x3FB0] =	sst s0  }
0x18: {  	s0 =	sld [smem:$0x3F93];
	_ =	swait.ge [sflag:s4], $0x0  }
0x19: {  	s7 =	sld [smem:$0x3F94]  }
0x1a: {  	s8 =	sadd.s32 $0xFFFFE003, lr  }
0x1b: {  	s9 =	sadd.s32 $0xFFFFFEF7, lr;
	s5 =	simm.s32 $0xFFFFFFFF;
	p2 =	slt.u32 s8, $0xFFFFF086  }
0x1c: {  	p1 =	slt.u32 s9, $0xF7A;
	s5 =	simm.s32 @!p2 $0x0  }
0x1d: {  	s5 =	simm.s32 @p1 $0x1;
	p0 =	seq.s32 s7, s2  }
0x1e: {  	s7 =	smul.u32 @!p0 $0xF7A, s2;
	p2 =	seq.s32 @!p0 s5, $0x0  }
0x1f: {  	s9 =	smul.u32 $0xF7A, s1;
	s8 =	simm.s32 @!p0 $0x1BF5;
	p2 =	por !p2, p0  }
0x20: {  	[sflag:s8] =	ssyncset.s32 @!p0 $0xFFFFF086;
	s6 =	sadd.s32 @!p0 s3, s7;
	s7 =	simm.s32 @!p0 $0x108  }
0x21: {  	s3 =	sadd.s32 s3, s9;
	s6 =	sadd.s32 @!p0 $0x88, s6;
	s7 =	simm.s32 @p2 $0x1082  }
0x22: {  	[simem:s7], [sflag:s8] =	dma.local @!p0 [hbm:s6], $0xF7A  }
0x23: {  	s9 =	sor.u32 $0xD0000000, s2;
	s6 =	simm.s32 $0x108;
	_ =	swait.ge @!p0 [sflag:s8], $0x0  }
0x24: {  	s3 =	sadd.s32 $0x88, s3;
	s6 =	simm.s32 @!p1 $0x1082;
	[sflag:s4] =	ssyncset.s32 $0xFFFFF086  }
0x25: {  	[simem:s6], [sflag:s4] =	dma.local [hbm:s3], $0xF7A  }
0x26: {  	[smem:$0x3F94] =	sst s1;
	(tag) =	ssettag s2;
	_ =	strace s9  }
0x27: {  	s1 =	sld [smem:$0x3FA4]  }
0x28: {  	s2 =	sld [smem:$0x3FA5]  }
0x29: {  	s4 =	sld [smem:$0x3FA7]  }
0x2a: {  	p0 =	seq.s32 s5, $0x0;
	s5 =	sld [smem:$0x3FA8]  }
0x2b: {  	s6 =	sld [smem:$0x3FA9]  }
0x2c: {  	s7 =	sld [smem:$0x3FAA]  }
0x2d: {  	s3 =	simm.s32 $0x108;
	s8 =	sld [smem:$0x3FAB]  }
0x2e: {  	s3 =	simm.s32 @!p0 $0x1082;
	s9 =	sld [smem:$0x3FAC]  }
0x2f: {  	lr =	sadd.s32 s0, s3;
	s0 =	sld [smem:$0x3FA3]  }
0x30: {  	s3 =	sld [smem:$0x3FA6]  }
0x31: {  	[smem:$0x3FAF] =	sst s10  }
0x32: {  	s10 =	sld [smem:$0x3FAD];
	_ =	sdelay $0x3  }
0x33: {  	p0 =	seq.s32 s10, $0x1;
	s10 =	sld [smem:$0x3FAF];
	_ =	sdelay $0x3  }
0x34: {  	[smem:$0x3FAF] =	sst s10  }
0x35: {  	s10 =	sld [smem:$0x3FAE];
	_ =	sdelay $0x3  }
0x36: {  	p1 =	seq.s32 s10, $0x1;
	s10 =	sld [smem:$0x3FAF];
	_ =	sdelay $0x3  }
0x37: {  	[smem:$0x3FAF] =	sst s10  }
0x38: {  	s10 =	sld [smem:$0x3FB0]  }
0x39: {  	_ = 	snop;
	(pc) =	sbr.ind lr, $3  }
0x3a: {  	_ = 	snop  }
0x3b: {  	_ = 	snop  }
0x3c: {  	p2 =	seq.s32 s10, $0x1;
	s10 =	sld [smem:$0x3FAF]  }
0x3d: {  	_ =	shalt  }
0x3e: {  	_ =	shalt  }
0x3f: {  	_ =	shalt  }
0x40: {  	_ =	shalt  }
0x41: {  	_ =	shalt  }
0x42: {  	_ =	shalt  }
0x43: {  	_ =	shalt  }
0x44: {  	_ =	shalt  }
0x45: {  	_ =	shalt  }
0x46: {  	_ =	shalt  }
0x47: {  	_ =	shalt  }
0x48: {  	_ =	shalt  }
0x49: {  	_ =	shalt  }
0x4a: {  	_ =	shalt  }
0x4b: {  	_ =	shalt  }
0x4c: {  	_ =	shalt  }
0x4d: {  	_ =	shalt  }
0x4e: {  	_ =	shalt  }
0x4f: {  	_ =	shalt  }
0x50: {  	_ =	shalt  }
0x51: {  	_ =	shalt  }
0x52: {  	_ =	shalt  }
0x53: {  	_ =	shalt  }
0x54: {  	_ =	shalt  }
0x55: {  	_ =	shalt  }
0x56: {  	_ =	shalt  }
0x57: {  	_ =	shalt  }
0x58: {  	_ =	shalt  }
0x59: {  	_ =	shalt  }
0x5a: {  	_ =	shalt  }
0x5b: {  	_ =	shalt  }
0x5c: {  	_ =	shalt  }
0x5d: {  	_ =	shalt  }
0x5e: {  	_ =	shalt  }
0x5f: {  	_ =	shalt  }
0x60: {  	_ =	shalt  }
0x61: {  	_ =	shalt  }
0x62: {  	_ =	shalt  }
0x63: {  	_ =	shalt  }
0x64: {  	_ =	shalt  }
0x65: {  	_ =	shalt  }
0x66: {  	_ =	shalt  }
0x67: {  	_ =	shalt  }
0x68: {  	_ =	shalt  }
0x69: {  	_ =	shalt  }
0x6a: {  	_ =	shalt  }
0x6b: {  	_ =	shalt  }
0x6c: {  	_ =	shalt  }
0x6d: {  	_ =	shalt  }
0x6e: {  	_ =	shalt  }
0x6f: {  	_ =	shalt  }
0x70: {  	_ =	shalt  }
0x71: {  	_ =	shalt  }
0x72: {  	_ =	shalt  }
0x73: {  	_ =	shalt  }
0x74: {  	_ =	shalt  }
0x75: {  	_ =	shalt  }
0x76: {  	_ =	shalt  }
0x77: {  	_ =	shalt  }
0x78: {  	_ =	shalt  }
0x79: {  	_ =	shalt  }
0x7a: {  	_ =	shalt  }
0x7b: {  	_ =	shalt  }
0x7c: {  	_ =	shalt  }
0x7d: {  	_ =	shalt  }
0x7e: {  	_ =	shalt  }
0x7f: {  	_ =	shalt  }
0x80: {  	_ =	shalt  }
0x81: {  	_ =	shalt  }
0x82: {  	_ =	shalt  }
0x83: {  	_ =	shalt  }
0x84: {  	_ =	shalt  }
0x85: {  	_ =	shalt  }
0x86: {  	_ =	shalt  }
0x87: {  	_ =	shalt  }
.Lfunc_end0:
.L_simem_size_0:
called_computation_lowered:
.L_overlay_start_0:
0x88: {  	s2 =	sld [smem:$0x3FD9]  }
0x89: {  	s3 =	sld [smem:$0x3FFE];
	_ =	sdelay $0x1  }
0x8a: {  	s1 =	srdreg.scid  }
0x8b: {  	s0 =	sand.u32 $0x1, s1  }
0x8c: {  	s16 =	sshll.u32 s0, $0xA;
	s2 =	sadd.s32 s3, s2  }
0x8d: {  	s2 =	sadd.s32 s2, s16  }
0x8e: {  	[smem:$0x3FBB] =	sst s2  }
0x8f: {  	_ = 	snop  }
0x90: {  	(tm) =	ssettm $0x1  }
0x91: {  	s17 =	sld [smem:$0x3FFB];
	_ =	sdelay $0x3  }
0x92: {  	_ =	strace s17  }
0x93: {  	s2 =	sld [smem:$0x3FFC];
	_ =	sdelay $0x3  }
0x94: {  	_ =	strace s2  }
0x95: {  	s2 =	sld [smem:$0x3FFD];
	_ =	sdelay $0x3  }
0x96: {  	_ =	strace s2  }
0x97: {  	_ =	strace $0x8FFFFFFF  }
0x98: {  	s18 =	sld [smem:$0x3FDB];
	_ =	sdelay $0x1  }
0x99: {  	s19 =	simm.s32 $_scs_section_size  }
0x9a: {  	s4 =	simm.s32 $_size__tile_overlayer_lowered;
	s5 =	simm.s32 $_tile_overlayer_lowered  }
0x9b: {  	s22 =	simm.s32 $0x1BFF;
	s21 =	sshll.u32 s5, $0x1;
	s2 =	sadd.s32 s19, s18  }
0x9c: {  	s6 =	simm.s32 $0x0;
	s20 =	sshll.u32 s4, $0x1;
	s4 =	sadd.s32 s21, s2  }
0x9d: {  	[timem:s6], [sflag:s22] =	dma.local [hbm:s4], s20  }
0x9e: {  	_ =	swait.ge [sflag:s22], s20  }
0x9f: {  	s3 =	ssub.s32 $0x0, s20;
	[sflag:s22] =	ssyncset.done $0x0  }
0xa0: {  	[sflag:s22] =	ssyncadd.s32 s3;
	_ =	sdelay $0x1  }
0xa1: {  	s23 =	simm.s32 $0x1B8B  }
0xa2: {  	_ =	swait.ge [sflag:s23], $0x1  }
0xa3: {  	[sflag:s23] =	ssyncset.done $0x0  }
0xa4: {  	s25 =	simm.s32 $0x1B8E;
	s24 =	sld [smem:$0x3FFE];
	[sflag:s23] =	ssyncadd.s32 $0xFFFFFFFF  }
0xa5: {  	s26 =	simm.s32 $execute0_lowered;
	[smem:$0x3FD2] =	sst s25  }
0xa6: {  	s4 =	sshll.u32 s26, $0x1;
	_ =	strace $0x80000046;
	[dreg:$0x1] =	wrdreg $0xFFFFFFFF  }
0xa7: {  	s28 =	simm.s32 $_size_execute0_lowered;
	s2 =	sadd.s32 s2, s4;
	[dreg:$0x0] =	wrdreg $0x0  }
0xa8: {  	s4 =	sshll.u32 s28, $0x1;
	[dreg:$0x2] =	wrdreg s2  }
0xa9: {  	[dreg:$0x3] =	wrdreg s4  }
0xaa: {  	[dreg:$0x4] =	wrdreg $0xC0  }
0xab: {  	_ =	task [dreg:s6], $0x5FFFF  }
0xac: {  	[dreg:$0x1] =	wrdreg $0xFFFFFFFF  }
0xad: {  	[dreg:$0x0] =	wrdreg $0x60  }
0xae: {  	[dreg:$0x2] =	wrdreg s24  }
0xaf: {  	[dreg:$0x3] =	wrdreg $0xC1000  }
0xb0: {  	[dreg:$0x4] =	wrdreg $0x9  }
0xb1: {  	_ =	task.clear_ibuf [dreg:s6], $0x5FFFF;
	_ =	strace $0x90000046  }
0xb2: {  	s29 =	simm.s32 $0x9;
	_ =	strace $0x80000048  }
0xb3: {  	_ =	swait.ge [sflag:s29], $0x1  }
0xb4: {  	[sflag:s29] =	ssyncadd.s32 $0xFFFFFFFF  }
0xb5: {  	_ =	strace $0x90000048  }
0xb6: {  	_ =	sfence  }
0xb7: {  	s30 =	sld [smem:$0x0];
	_ =	sdelay $0x2  }
0xb8: {  	s31 =	sshll.u32 s1, $0xD;
	s1 =	sshrl.u32 s1, $0x2  }
0xb9: {  	s3 =	sand.u32 $0x4000, s31;
	s1 =	sadd.s32 s1, s30  }
0xba: {  	s0 =	sor.u32 s3, s0;
	s1 =	sshll.u32 s1, $0x11  }
0xbb: {  	s0 =	sor.u32 s1, s0  }
0xbc: {  	s0 =	sadd.s32 $0x8F2B, s0  }
0xbd: {  	[sflag:s0] =	ssyncadd.remote.s32 $0x1  }
0xbe: {  	_ =	sfence.sel $0xFFFF  }
0xbf: {  	[dreg:$0x0] =	wrdreg $0xFFFFFFFF;
	(pc) =	sbr.abs _section_cstart, $3  }
0xc0: {  	[dreg:$0x1] =	wrdreg $0xFFFFFFFF  }
0xc1: {  	_ =	task.clear_ibuf [dreg:s6], $0x2FFFF;
	_ =	strace $0x9FFFFFFF  }
0xc2: {  	(tm) =	ssettm $0x7FFFFFFF  }
0xc3: {  	_ =	shalt  }
tec
execute0_lowered:
.L_overlay_start_1:
0x0: {  	(tag) =	ssettag $0x1  }
0x1: {  	s10 =	rddreg [dreg:$0x0]  }
0x2: {  	s2 =	rddreg [dreg:$0x1];
	s3 =	simm.s32 $0x0;
	s4 =	srdreg.scid  }
0x3: {  	s1 =	stileid.u32;
	s18 =	simm.s32 $0x80;
	s19 =	simm.s32 $0x100  }
0x4: {  	s20 =	simm.s32 $0x1;
	s21 =	simm.s32 $0x4100;
	s22 =	simm.s32 $0x2  }
0x5: {  	s23 =	simm.s32 $0x0;
	[smem:$0x7FF] =	sst s3;
	s11 =	sand.u32 $0x1, s4  }
0x6: {  	s12 =	smul.u32 $0x13C00, s1;
	s4 =	sadd.s32 $0x3000, s10;
	s5 =	sadd.s32 $0xD200, s10  }
0x7: {  	s6 =	sadd.s32 $0x65600, s10;
	s7 =	sadd.s32 $0x8CE00, s10;
	s8 =	sadd.s32 $0xB4600, s10  }
0x8: {  	s16 =	sshll.u32 s1, $0x1;
	s17 =	smul.u32 $0x4F000, s1;
	s30 =	sshll.u32 s1, $0x6  }
0x9: {  	_ =	strace $0x80000047;
	s9 =	smul.u32 $0x13C000, s11;
	s14 =	ssub.s32 $0x2, s11  }
0xa: {  	s26 =	sor.u32 s11, s16;
	s11 =	sor.u32 $0x1C03, s30;
	s16 =	simm.s32 $0x3  }
0xb: {  	s15 =	sshrl.u32 s14, $0x1;
	s28 =	sshrl.u32 s17, $0x2;
	s29 =	sshrl.u32 s12, $0x3  }
0xc: {  	s17 =	simm.s32 $0x8100;
	s13 =	sadd.s32 s12, s9;
	s9 =	sadd.s32 $0xDBE00, s10  }
0xd: {  	s14 =	ssub.s32 s14, s15;
	s31 =	sadd.s32 s28, s2;
	s13 =	sshrl.u32 s13, $0x3  }
0xe: {  	s12 =	smul.u32 $0x51, s26;
	s14 =	smax.u32 s14, $0x1;
	s13 =	sadd.s32 s13, s10  }
0xf: {  	s15 =	sshrl.u32 s31, $0x3;
	s10 =	sadd.s32 s8, s29;
	s13 =	sadd.s32 $0x5EBE00, s13  }
.LBB2_1:
0x10: {  	[spmem:s15], [sflag:s11] =	dma.local [hbm:s10], $0x2780  }
0x11: {  	_ =	swait.ge [sflag:s16], $0x2780  }
0x12: {  	[sflag:s16] =	ssyncset.done $0x0  }
0x13: {  	[sflag:s16] =	ssyncadd.s32 $0xFFFFD880  }
0x14: {  	[tilespmem:s17], [sflag:$0x3] =	stream.linear.gather [hbm4b:s8+s3], $0x4000, $0x38;
	[tilespmem:$0x1FD00] =	vst v63  }
0x15: {  	_ =	swait.ge [sflag:s16], $0x4000  }
0x16: {  	[sflag:s16] =	ssyncset.done $0x0  }
0x17: {  	[sflag:s16] =	ssyncadd.s32 $0xFFFFC000  }
0x18: {  	s24 =	simm.s32 $0x0;
	[bflag:$0x0] =	sbarrier.arrive $0xFFFF  }
.LBB2_2:
0x19: {  	s25 =	sadd.s32 s12, s24  }
0x1a: {  	s26 =	sshll.u32 s25, $0x4  }
0x1b: {  	s29 =	simm.s32 $0x0;
	s28 =	sadd.s32 s4, s26  }
0x1c: {  	[tilespmem:s29], [sflag:$0x3] =	stream.linear.gather [hbm4b:s28+s29], $0x80, $0x38;
	[tilespmem:$0x1FD00] =	vst v63  }
0x1d: {  	_ =	swait.ge [sflag:s16], $0x80  }
0x1e: {  	[sflag:s16] =	ssyncset.done $0x0  }
0x1f: {  	s26 =	sadd.s32 s5, s26;
	[sflag:s16] =	ssyncadd.s32 $0xFFFFFF80  }
0x20: {  	[tilespmem:s18], [sflag:$0x3] =	stream.linear.gather [hbm4b:s26+s29], $0x80, $0x38;
	[tilespmem:$0x1FD00] =	vst v63  }
0x21: {  	_ =	swait.ge [sflag:s16], $0x80  }
0x22: {  	[sflag:s16] =	ssyncset.done $0x0  }
0x23: {  	[sflag:s16] =	ssyncadd.s32 $0xFFFFFF80  }
0x24: {  	[tilespmem:s19], [sflag:$0x1] =	stream.indirect.gather [hbm4b:s6+s18], $0x80, s29, s18, $0xb8;
	[tilespmem:$0x1FD00] =	vst v63  }
0x25: {  	_ =	swait.ge [sflag:s20], $0x4000  }
0x26: {  	[sflag:s20] =	ssyncset.done $0x0  }
0x27: {  	[sflag:s20] =	ssyncadd.s32 $0xFFFFC000  }
0x28: {  	[tilespmem:s21], [sflag:$0x2] =	stream.indirect.gather [hbm4b:s7+s18], $0x80, s18, s18, $0xb8;
	[tilespmem:$0x1FD00] =	vst v63  }
0x29: {  	_ =	swait.ge [sflag:s22], $0x4000  }
0x2a: {  	[sflag:s22] =	ssyncset.done $0x0  }
0x2b: {  	s26 =	simm.s32 $0x0;
	[sflag:s22] =	ssyncadd.s32 $0xFFFFC000  }
0x2c: {  	v0 =	vld [tilespmem:s26+$0x100]  }
0x2d: {  	v1 =	vld [tilespmem:s26+$0x4100];
	_ =	sdelay $0x4  }
0x2e: {  	v0 =	vadd.f32 v1, v0;
	_ =	sdelay $0x1  }
0x2f: {  	s28 =	simm.s32 $0x80;
	v1 =	vmul.f32 $2.000000030e-01, v0  }
0x30: {  	v2 =	vld [tilespmem:s28+$0x100]  }
0x31: {  	v3 =	vld [tilespmem:s28+$0x4100];
	v0 =	vmax.f32 v0, v1  }
0x32: {  	s30 =	simm.s32 $0x100;
	v0 =	vmul.f32 $1.442695020e+00, v0  }
0x33: {  	v1 =	vld [tilespmem:s30+$0x100]  }
0x34: {  	(erf) = vpow2.f32 v0;
	v0 =	vld [tilespmem:s30+$0x4100];
	_ =	sdelay $0x1  }
0x35: {  	v2 =	vadd.f32 v3, v2;
	_ =	sdelay $0x1  }
0x36: {  	v3 =	vmul.f32 $2.000000030e-01, v2  }
0x37: {  	v4 =	vadd.f32 v0, v1  }
0x38: {  	v0 =	vmax.f32 v2, v3  }
0x39: {  	s29 =	simm.s32 $0x180;
	v1 =	vmul.f32 $1.442695020e+00, v0;
	v2 =	vmul.f32 $2.000000030e-01, v4  }
0x3a: {  	v0 =	vld [tilespmem:s29+$0x100]  }
0x3b: {  	(erf) = vpow2.f32 v1;
	v1 =	vld [tilespmem:s29+$0x4100];
	_ =	sdelay $0x1  }
0x3c: {  	s31 =	simm.s32 $0x800;
	v3 =	vmax.f32 v4, v2;
	v2 =	vpop (erf)  }
.LBB2_3:
0x3d: {  	s0 =	sshra.s32 s31, $0x2  }
0x3e: {  	v3 =	vmul.f32 $1.442695020e+00, v3;
	[tilespmem:s26+$0x8100] =	vst v2;
	s26 =	smov.u32 s28;
	s28 =	smov.u32 s30;
	p0 =	sne.s32 s31, $0xFE00  }
.Ltmp0:
0x3f: {  	s31 =	sadd.s32 $0x200, s31;
	v2 =	vadd.f32 v1, v0;
	v0 =	vld [tilespmem:s0+$0x100];
	(pc) =	sbr.rel @p0 .LBB2_3-.Ltmp0, $3  }
0x40: {  	s30 =	smov.u32 s29;
	s29 =	smov.u32 s0;
	v1 =	vld [tilespmem:s0+$0x4100];
	(erf) = vpow2.f32 v3  }
0x41: {  	v3 =	vmul.f32 $2.000000030e-01, v2;
	_ =	sdelay $0x1  }
0x42: {  	v3 =	vmax.f32 v2, v3;
	v2 =	vpop (erf)  }
0x43: {  	_ = 	snop  }
0x44: {  	v0 =	vadd.f32 v1, v0;
	_ =	sdelay $0x1  }
0x45: {  	v1 =	vmul.f32 $2.000000030e-01, v0;
	_ =	sdelay $0x1  }
0x46: {  	v3 =	vmul.f32 $1.442695020e+00, v3;
	v0 =	vmax.f32 v0, v1  }
0x47: {  	v0 =	vmul.f32 $1.442695020e+00, v0  }
0x48: {  	(erf) = vpow2.f32 v3  }
0x49: {  	(erf) = vpow2.f32 v0;
	_ =	sdelay $0x6  }
0x4a: {  	[tilespmem:s26+$0x8100] =	vst v2;
	v61 =	vpop (erf)  }
0x4b: {  	[tilespmem:s28+$0x8100] =	vst v61;
	v62 =	vpop (erf)  }
0x4c: {  	s0 =	sshll.u32 s25, $0xB;
	[tilespmem:s30+$0x8100] =	vst v62;
	v63 =	vpop (erf)  }
0x4d: {  	s0 =	sadd.s32 s9, s0;
	[tilespmem:s29+$0x8100] =	vst v63  }
0x4e: {  	[hbm4b:s0+s3] =	stream.linear.scatter [tilespmem:s17], [sflag:$0x3], $0x4000, $0x38;
	[tilespmem:$0x1FD00] =	vst v63  }
0x4f: {  	s24 =	sadd.s32 $0x1, s24;
	_ =	swait.ge [sflag:s16], $0x4000  }
0x50: {  	p0 =	sne.s32 s24, $0x51;
	[sflag:s16] =	ssyncset.done $0x0  }
.Ltmp1:
0x51: {  	[sflag:s16] =	ssyncadd.s32 $0xFFFFC000;
	(pc) =	sbr.rel @p0 .LBB2_2-.Ltmp1, $4  }
0x52: {  	[spmem:s2] =	stream.indirect.scatter.add.f32 [tilespmem:s17], [sflag:$0x3], $0x80, s18, s18, $0xb8;
	[tilespmem:$0x1FD00] =	vst v63  }
0x53: {  	_ =	swait.ge [sflag:s16], $0x4000  }
0x54: {  	[sflag:s16] =	ssyncset.done $0x0  }
0x55: {  	[sflag:s16] =	ssyncadd.s32 $0xFFFFC000  }
0x56: {  	s23 =	sadd.s32 $0x1, s23  }
0x57: {  	p0 =	sne.s32 s23, s14  }
.Ltmp2:
0x58: {  	[bflag:$0x0] =	sbarrier.arrive $0xFFFF;
	(pc) =	sbr.rel @p0 .LBB2_1-.Ltmp2, $4  }
0x59: {  	[hbm:s13], [sflag:s11] =	dma.local [spmem:s15], $0x2780  }
0x5a: {  	_ =	swait.ge [sflag:s16], $0x2780  }
0x5b: {  	[sflag:s16] =	ssyncset.done $0x0  }
0x5c: {  	[sflag:s16] =	ssyncadd.s32 $0xFFFFD880  }
0x5d: {  	_ =	sfence.sel $0x180000  }
0x5e: {  	[bflag:$0x0] =	sbarrier.arrive $0xFFFF  }
0x5f: {  	_ =	strace $0x90000047  }
0x60: {  	[bflag:$0x2] =	sbarrier.arrive $0xFFFF  }
0x61: {  	p0 =	sne.s32 s1, $0x0;
	s0 =	rddreg [dreg:$0x2]  }
0x62: {  	s0 =	sadd.s32 @!p0 $0x100000, s0  }
0x63: {  	[sflag:s0] =	ssyncadd.tile.s32 @!p0 $0x1;
	_ =	shalt  }
.Lfunc_end2:
_tile_overlayer_lowered:
.L_overlay_start_2:
0x64: {  	(tag) =	ssettag $0x2  }
0x65: {  	s0 =	rddreg [dreg:$0x0];
	s2 =	stileid.u32  }
0x66: {  	s1 =	rddreg [dreg:$0x1];
	p0 =	sne.s32 s2, $0x0  }
0x67: {  	s3 =	rddreg [dreg:$0x2];
	[bflag:$0x3] =	sbarrier.arrive $0xFFFF;
	s2 =	simm.s32 @!p0 $0x1C03  }
0x68: {  	[timem:s3], [sflag:s2] =	dma.local @!p0 [hbm:s0], s1  }
0x69: {  	s0 =	simm.s32 @!p0 $0x3  }
0x6a: {  	_ =	swait.ge @!p0 [sflag:s0], s1  }
0x6b: {  	s1 =	ssub.s32 @!p0 $0x0, s1;
	[sflag:s0] =	ssyncset.done @!p0 $0x0  }
0x6c: {  	[sflag:s0] =	ssyncadd.s32 @!p0 s1  }
0x6d: {  	[bflag:$0x3] =	sbarrier.arrive $0xFFFF  }
0x6e: {  	_ =	shalt  }

</sc_bundles>
